<compile_context>
chip_gen: v7x
topology: tpu7x:2x2x1
jax: 0.10.2.dev20260603
libtpu: 0.0.44.dev20260713+nightly
codegen_flags: <defaults>
</compile_context>

<pallas_src>
import functools

import jax
import jax.numpy as jnp
from jax import lax
from jax.experimental import pallas as pl
from jax.experimental.pallas import tpu as pltpu
from jax.experimental.pallas import tpu_sc as plsc

NW = 32
CHUNK = 80
K_CH = 5
GROUP = K_CH * CHUNK
LANES = 16


def _rn_bf16_hi(x):
    u = lax.bitcast_convert_type(x, jnp.int32)
    r = u + 0x7FFF + ((u >> 16) & 1)
    return r & _MASK_HI


def _proj_body(nf_ref, wsl_ref, wsh_ref, wdl_ref, wdh_ref, ps_ref, pd_ref):
    nf = nf_ref[...]

    def pack(wl_ref, wh_ref):
        zl = jnp.dot(nf, wl_ref[...], preferred_element_type=jnp.float32)
        zh = jnp.dot(nf, wh_ref[...], preferred_element_type=jnp.float32)
        lo = lax.shift_right_logical(_rn_bf16_hi(zl), 16)
        return _rn_bf16_hi(zh) | lo

    ps_ref[...] = pack(wsl_ref, wsh_ref)
    pd_ref[...] = pack(wdl_ref, wdh_ref)


def _project_packed(nfeat, w1s, w1d):
    n, _ = nfeat.shape
    hh = w1s.shape[1] // 2
    out = jax.ShapeDtypeStruct((n, hh), jnp.int32)
    return pl.pallas_call(_proj_body, out_shape=(out, out))(
        nfeat, w1s[:, :hh], w1s[:, hh:], w1d[:, :hh], w1d[:, hh:])


def _make_gather(n, hw, e, n_chunks):
    e_per_w = e // NW
    q_per_w = e_per_w // 4
    n_groups = n_chunks // K_CH
    n_col_v = CHUNK // LANES
    mesh = plsc.VectorSubcoreMesh(core_axis_name="c", subcore_axis_name="s")

    @functools.partial(
        pl.kernel,
        mesh=mesh,
        compiler_params=pltpu.CompilerParams(
            use_tc_tiling_on_sc=False, needs_layout_passes=False),
        out_type=(
            jax.ShapeDtypeStruct((e, hw), jnp.int32),
            jax.ShapeDtypeStruct((e, hw), jnp.int32),
        ),
        scratch_types=[
            pltpu.VMEM((n_chunks, CHUNK), jnp.int32),
            pltpu.VMEM((n_chunks, CHUNK), jnp.int32),
            pltpu.VMEM((4, q_per_w), jnp.int32),
            pltpu.VMEM((GROUP, hw), jnp.int32),
            pltpu.VMEM((GROUP, hw), jnp.int32),
            pltpu.VMEM((GROUP, hw), jnp.int32),
            pltpu.VMEM((GROUP, hw), jnp.int32),
            pltpu.SemaphoreType.DMA,
            pltpu.SemaphoreType.DMA,
            pltpu.SemaphoreType.DMA,
            pltpu.SemaphoreType.DMA,
        ],
    )
    def gather(ps_hbm, pd_hbm, ei_hbm, g_hbm, h_hbm,
               sidx, didx, qbuf, a0, b0, a1, b1, sa0, sb0, sa1, sb1):
        wid = lax.axis_index("s") * 2 + lax.axis_index("c")
        base = wid * e_per_w
        lanes = lax.iota(jnp.int32, LANES)

        kv = lanes & 3
        qv = lanes >> 2
        qp4 = CHUNK // 4

        def interleave(s, idx):
            for k in range(4):
                pltpu.sync_copy(ei_hbm.at[s].at[k].at[wid], qbuf.at[k])

            def row(c, carry):
                for v in range(n_col_v):
                    qidx = c * qp4 + (LANES // 4) * v + qv
                    x = plsc.load_gather(qbuf, [kv, qidx])
                    idx[c, pl.ds(LANES * v, LANES)] = x
                return carry

            lax.fori_loop(0, n_chunks, row, 0)

        interleave(0, sidx)
        interleave(1, didx)

        def fire(grp, abuf, bbuf, sa, sb):
            for k in range(K_CH):
                c = grp * K_CH + k
                sl = pl.ds(k * CHUNK, CHUNK)
                pltpu.async_copy(ps_hbm.at[sidx.at[c]], abuf.at[sl], sa)
                pltpu.async_copy(pd_hbm.at[didx.at[c]], bbuf.at[sl], sb)

        def drain_write(grp, abuf, bbuf, sa, sb):
            pltpu.make_async_copy(g_hbm.at[pl.ds(0, GROUP)], abuf, sa).wait()
            pltpu.make_async_copy(h_hbm.at[pl.ds(0, GROUP)], bbuf, sb).wait()
            row = base + grp * GROUP
            pltpu.sync_copy(abuf, g_hbm.at[pl.ds(row, GROUP)])
            pltpu.sync_copy(bbuf, h_hbm.at[pl.ds(row, GROUP)])

        fire(0, a0, b0, sa0, sb0)

        def body(i, carry):
            g0 = 2 * i
            g1 = g0 + 1
            g2 = g0 + 2

            @pl.when(g1 < n_groups)
            def _():
                fire(g1, a1, b1, sa1, sb1)

            drain_write(g0, a0, b0, sa0, sb0)

            @pl.when(g2 < n_groups)
            def _():
                fire(g2, a0, b0, sa0, sb0)

            @pl.when(g1 < n_groups)
            def _():
                drain_write(g1, a1, b1, sa1, sb1)

            return carry

        lax.fori_loop(0, (n_groups + 1) // 2, body, 0)

    return gather


_MASK_HI = -65536


def _mlp_body(g_ref, h_ref, e0_ref, e1_ref, e2_ref, e3_ref,
              w1lo_ref, w1hi_ref, b1lo_ref, b1hi_ref,
              w2lo_ref, w2hi_ref, b2_ref, gam_ref, bet_ref, avg_ref, o_ref):
    gw = g_ref[...]
    hw = h_ref[...]
    glo = lax.bitcast_convert_type(gw << 16, jnp.float32)
    ghi = lax.bitcast_convert_type(gw & _MASK_HI, jnp.float32)
    hlo = lax.bitcast_convert_type(hw << 16, jnp.float32)
    hhi = lax.bitcast_convert_type(hw & _MASK_HI, jnp.float32)

    efc_t = jnp.concatenate(
        [e0_ref[...], e1_ref[...], e2_ref[...], e3_ref[...]], axis=0)
    dn = (((0,), (0,)), ((), ()))
    zlo = lax.dot_general(efc_t, w1lo_ref[...], dn,
                          preferred_element_type=jnp.float32)
    zhi = lax.dot_general(efc_t, w1hi_ref[...], dn,
                          preferred_element_type=jnp.float32)
    zlo = zlo + glo + hlo + b1lo_ref[...]
    zhi = zhi + ghi + hhi + b1hi_ref[...]
    alo = zlo * jax.nn.sigmoid(zlo)
    ahi = zhi * jax.nn.sigmoid(zhi)
    dn_t = (((0,), (1,)), ((), ()))
    ot = (lax.dot_general(w2lo_ref[...], alo, dn_t,
                          preferred_element_type=jnp.float32)
          + lax.dot_general(w2hi_ref[...], ahi, dn_t,
                            preferred_element_type=jnp.float32)
          + b2_ref[...])
    avg = avg_ref[...]
    mut = lax.dot_general(avg, ot, dn,
                          preferred_element_type=jnp.float32)
    ct = ot - mut
    vart = lax.dot_general(avg, ct * ct, dn,
                           preferred_element_type=jnp.float32)
    yt = ct * lax.rsqrt(vart + 1e-5) * gam_ref[...] + bet_ref[...]
    out_d = yt.shape[0] // 4
    for k in range(4):
        o_ref[k] = yt[k * out_d:(k + 1) * out_d, :]


def _bd4(m):
    return jax.scipy.linalg.block_diag(m, m, m, m)


def _mlp(g4, h4, ef_t, w1e, b1, w2, b2, gamma, beta, blk):
    e4, wide = g4.shape
    efd, e = ef_t.shape
    hid = w1e.shape[1]
    hh = hid // 2
    out_d = w2.shape[1]
    grid = e4 // blk
    qblk = e // 4 // blk

    w1lo = _bd4(w1e[:, :hh])
    w1hi = _bd4(w1e[:, hh:])
    b1lo = jnp.tile(b1[:hh], 4).reshape(1, 4 * hh)
    b1hi = jnp.tile(b1[hh:], 4).reshape(1, 4 * hh)
    w2lo = _bd4(w2[:hh])
    w2hi = _bd4(w2[hh:])
    b2_4 = jnp.tile(b2, 4).reshape(4 * out_d, 1)
    gam4 = jnp.tile(gamma, 4).reshape(4 * out_d, 1)
    bet4 = jnp.tile(beta, 4).reshape(4 * out_d, 1)
    avg4 = _bd4(jnp.full((out_d, out_d), 1.0 / out_d, dtype=jnp.float32))

    ef_spec = [
        pl.BlockSpec((efd, blk), lambda i, k=k: (0, i + k * qblk))
        for k in range(4)
    ]
    y4 = pl.pallas_call(
        _mlp_body,
        grid=(grid,),
        in_specs=[
            pl.BlockSpec((blk, wide), lambda i: (i, 0)),
            pl.BlockSpec((blk, wide), lambda i: (i, 0)),
            *ef_spec,
            pl.BlockSpec((4 * efd, 4 * hh), lambda i: (0, 0)),
            pl.BlockSpec((4 * efd, 4 * hh), lambda i: (0, 0)),
            pl.BlockSpec((1, 4 * hh), lambda i: (0, 0)),
            pl.BlockSpec((1, 4 * hh), lambda i: (0, 0)),
            pl.BlockSpec((4 * hh, 4 * out_d), lambda i: (0, 0)),
            pl.BlockSpec((4 * hh, 4 * out_d), lambda i: (0, 0)),
            pl.BlockSpec((4 * out_d, 1), lambda i: (0, 0)),
            pl.BlockSpec((4 * out_d, 1), lambda i: (0, 0)),
            pl.BlockSpec((4 * out_d, 1), lambda i: (0, 0)),
            pl.BlockSpec((4 * out_d, 4 * out_d), lambda i: (0, 0)),
        ],
        out_specs=pl.BlockSpec((4, out_d, blk), lambda i: (0, 0, i)),
        out_shape=jax.ShapeDtypeStruct((4, out_d, e4), jnp.float32),
    )(g4, h4, ef_t, ef_t, ef_t, ef_t, w1lo, w1hi, b1lo, b1hi,
      w2lo, w2hi, b2_4, gam4, bet4, avg4)
    return jnp.transpose(y4, (1, 0, 2)).reshape(out_d, e).T


def kernel(efeat, nfeat, edge_index, W1, b1, W2, b2, gamma, beta):
    e, efd = efeat.shape
    n, nfd = nfeat.shape
    hid = W1.shape[1]
    hh = hid // 2

    w1e = W1[:efd]
    w1s = W1[efd:efd + nfd]
    w1d = W1[efd + nfd:]

    ps_p, pd_p = _project_packed(nfeat, w1s, w1d)

    e_per_w = e // NW
    n_chunks = e_per_w // CHUNK
    ei = edge_index.astype(jnp.int32).reshape(2, 4, NW, e_per_w // 4)

    g, h = _make_gather(n, hid // 2, e, n_chunks)(ps_p, pd_p, ei)
    g4 = g.reshape(e // 4, 2 * hid)
    h4 = h.reshape(e // 4, 2 * hid)

    return _mlp(g4, h4, efeat.T, w1e, b1, W2, b2, gamma, beta, blk=3200)

# --- scband reference (transcript-rebuilt; emitter-appended) ---
"""Pipeline reference for scband-edge-mlp-76390288327364 (READ-ONLY COPY).

The authoritative reference and input builder live on the scoring server;
editing this copy changes nothing except your own understanding.
"""

import jax, jax.numpy as jnp
import numpy as np

N = 10000
E = 320000
EFD = 16
NFD = 128
HID = 64
OUT = 16

def setup_inputs(seed: int = 0) -> dict:
    key = jax.random.key(seed)
    ks = jax.random.split(key, 9)
    efeat = jax.random.normal(ks[0], (E, EFD), dtype=jnp.float32)
    nfeat = jax.random.normal(ks[1], (N, NFD), dtype=jnp.float32)
    edge_index = jax.random.randint(ks[2], (2, E), 0, N)
    in_dim = EFD + 2 * NFD
    W1 = jax.random.normal(ks[3], (in_dim, HID), dtype=jnp.float32) * (1.0 / np.sqrt(in_dim))
    b1 = jnp.zeros((HID,), dtype=jnp.float32)
    W2 = jax.random.normal(ks[4], (HID, OUT), dtype=jnp.float32) * (1.0 / np.sqrt(HID))
    b2 = jnp.zeros((OUT,), dtype=jnp.float32)
    gamma = jnp.ones((OUT,), dtype=jnp.float32)
    beta = jnp.zeros((OUT,), dtype=jnp.float32)
    return {"efeat": efeat, "nfeat": nfeat, "edge_index": edge_index,
            "W1": W1, "b1": b1, "W2": W2, "b2": b2, "gamma": gamma, "beta": beta}

def reference(efeat, nfeat, edge_index, W1, b1, W2, b2, gamma, beta):
    src = edge_index[0]
    dst = edge_index[1]
    # gather node features for each edge endpoint, concat with edge features
    cat_feat = jnp.concatenate([efeat, jnp.take(nfeat, src, axis=0), jnp.take(nfeat, dst, axis=0)], axis=-1)
    # MLP: Linear -> SiLU -> Linear -> LayerNorm
    h = jax.nn.silu(cat_feat @ W1 + b1)
    o = h @ W2 + b2
    mu = jnp.mean(o, axis=-1, keepdims=True)
    var = jnp.var(o, axis=-1, keepdims=True)
    y = (o - mu) / jnp.sqrt(var + 1e-5) * gamma + beta
    return y

if __name__ == "__main__":
    import jax
    _d = setup_inputs()
    print(jax.jit(kernel)(*tuple(_d.values())))

</pallas_src>

<mosaic_0001>
#map = affine_map<(d0, d1) -> (0, 0)>
#map1 = affine_map<(d0, d1) -> (0, 0, 0, 0)>
module attributes {stable_mosaic.version = 14 : i64} {
  func.func @gather(%arg0: i32, %arg1: i32, %arg2: memref<10000x32xi32, #tpu.memory_space<hbm>>, %arg3: memref<10000x32xi32, #tpu.memory_space<hbm>>, %arg4: memref<2x4x32x2500xi32, #tpu.memory_space<hbm>>, %arg5: memref<320000x32xi32, #tpu.memory_space<hbm>>, %arg6: memref<320000x32xi32, #tpu.memory_space<hbm>>, %arg7: memref<125x80xi32, #tpu.memory_space<vmem>>, %arg8: memref<125x80xi32, #tpu.memory_space<vmem>>, %arg9: memref<4x2500xi32, #tpu.memory_space<vmem>>, %arg10: memref<400x32xi32, #tpu.memory_space<vmem>>, %arg11: memref<400x32xi32, #tpu.memory_space<vmem>>, %arg12: memref<400x32xi32, #tpu.memory_space<vmem>>, %arg13: memref<400x32xi32, #tpu.memory_space<vmem>>, %arg14: memref<!tpu.dma_semaphore, #tpu.memory_space<semaphore_mem>>, %arg15: memref<!tpu.dma_semaphore, #tpu.memory_space<semaphore_mem>>, %arg16: memref<!tpu.dma_semaphore, #tpu.memory_space<semaphore_mem>>, %arg17: memref<!tpu.dma_semaphore, #tpu.memory_space<semaphore_mem>>) attributes {dimension_semantics = [#tpu.dimension_semantics<core_parallel>, #tpu.dimension_semantics<subcore_parallel>], iteration_bounds = array<i64: 2, 16>, scalar_prefetch = 0 : i64, scratch_operands = 11 : i64, tpu.core_type = #tpu.core_type<sc_vector_subcore>, window_params = [{transform_indices = #map}, {transform_indices = #map}, {transform_indices = #map1}, {transform_indices = #map}, {transform_indices = #map}]} {
    %mul3A = arith.constant 2 : i32
    %mul3A_0 = arith.muli %arg1, %mul3A : i32
    %add3A = arith.addi %mul3A_0, %arg0 : i32
    %mul3A_1 = arith.constant 10000 : i32
    %mul3A_2 = arith.muli %add3A, %mul3A_1 : i32
    %iota3A = tpu.iota {dimensions = array<i32: 0>} : vector<16xi32>
    %and3A = arith.constant 3 : i32
    %and3A_3 = vector.broadcast %and3A : i32 to vector<16xi32>
    %and3A_4 = arith.andi %iota3A, %and3A_3 : vector<16xi32>
    %shift_right_arithmetic3A = arith.constant 2 : i32
    %shift_right_arithmetic3A_5 = vector.broadcast %shift_right_arithmetic3A : i32 to vector<16xi32>
    %shift_right_arithmetic3A_6 = arith.shrsi %iota3A, %shift_right_arithmetic3A_5 : vector<16xi32>
    %run_scoped3A = arith.constant 0 : i32
    %run_scoped3A_7 = arith.constant 0 : i32
    %run_scoped3A_8 = arith.constant 0 : i32
    "tpu.region"() ({
      %run_scoped3A_146 = tpu.sem_alloc : memref<!tpu.dma_semaphore, #tpu.memory_space<semaphore_mem>>
      %dma_start3A_147 = arith.constant 0 : i32
      %dma_start3A_148 = tpu.memref_slice %arg9[%run_scoped3A_8, %dma_start3A_147] : memref<4x2500xi32, #tpu.memory_space<vmem>> -> memref<1x2500xi32, #tpu.memory_space<vmem>>
      %dma_start3A_149 = tpu.memref_squeeze %dma_start3A_148 : memref<1x2500xi32, #tpu.memory_space<vmem>> -> memref<2500xi32, #tpu.memory_space<vmem>>
      %dma_start3A_150 = arith.constant 0 : i32
      %dma_start3A_151 = arith.constant 0 : i32
      %dma_start3A_152 = arith.constant 0 : i32
      %dma_start3A_153 = tpu.memref_slice %arg4[%run_scoped3A, %dma_start3A_150, %dma_start3A_151, %dma_start3A_152] : memref<2x4x32x2500xi32, #tpu.memory_space<hbm>> -> memref<1x4x32x2500xi32, #tpu.memory_space<hbm>>
      %dma_start3A_154 = tpu.memref_squeeze %dma_start3A_153 : memref<1x4x32x2500xi32, #tpu.memory_space<hbm>> -> memref<4x32x2500xi32, #tpu.memory_space<hbm>>
      %dma_start3A_155 = arith.constant 0 : i32
      %dma_start3A_156 = arith.constant 0 : i32
      %dma_start3A_157 = tpu.memref_slice %dma_start3A_154[%run_scoped3A_7, %dma_start3A_155, %dma_start3A_156] : memref<4x32x2500xi32, #tpu.memory_space<hbm>> -> memref<1x32x2500xi32, #tpu.memory_space<hbm>>
      %dma_start3A_158 = tpu.memref_squeeze %dma_start3A_157 : memref<1x32x2500xi32, #tpu.memory_space<hbm>> -> memref<32x2500xi32, #tpu.memory_space<hbm>>
      %dma_start3A_159 = arith.constant 0 : i32
      %dma_start3A_160 = tpu.memref_slice %dma_start3A_158[%add3A, %dma_start3A_159] : memref<32x2500xi32, #tpu.memory_space<hbm>> -> memref<1x2500xi32, #tpu.memory_space<hbm>>
      %dma_start3A_161 = tpu.memref_squeeze %dma_start3A_160 : memref<1x2500xi32, #tpu.memory_space<hbm>> -> memref<2500xi32, #tpu.memory_space<hbm>>
      %dma_start3A_162 = arith.constant 0 : i32
      %dma_start3A_163 = tpu.memref_slice %arg9[%run_scoped3A_8, %dma_start3A_162] : memref<4x2500xi32, #tpu.memory_space<vmem>> -> memref<1x2500xi32, #tpu.memory_space<vmem>>
      %dma_start3A_164 = tpu.memref_squeeze %dma_start3A_163 : memref<1x2500xi32, #tpu.memory_space<vmem>> -> memref<2500xi32, #tpu.memory_space<vmem>>
      %dma_start3A_165 = arith.constant 0 : i32
      %dma_start3A_166 = arith.constant 0 : i32
      %dma_start3A_167 = arith.constant 0 : i32
      %dma_start3A_168 = tpu.memref_slice %arg4[%run_scoped3A, %dma_start3A_165, %dma_start3A_166, %dma_start3A_167] : memref<2x4x32x2500xi32, #tpu.memory_space<hbm>> -> memref<1x4x32x2500xi32, #tpu.memory_space<hbm>>
      %dma_start3A_169 = tpu.memref_squeeze %dma_start3A_168 : memref<1x4x32x2500xi32, #tpu.memory_space<hbm>> -> memref<4x32x2500xi32, #tpu.memory_space<hbm>>
      %dma_start3A_170 = arith.constant 0 : i32
      %dma_start3A_171 = arith.constant 0 : i32
      %dma_start3A_172 = tpu.memref_slice %dma_start3A_169[%run_scoped3A_7, %dma_start3A_170, %dma_start3A_171] : memref<4x32x2500xi32, #tpu.memory_space<hbm>> -> memref<1x32x2500xi32, #tpu.memory_space<hbm>>
      %dma_start3A_173 = tpu.memref_squeeze %dma_start3A_172 : memref<1x32x2500xi32, #tpu.memory_space<hbm>> -> memref<32x2500xi32, #tpu.memory_space<hbm>>
      %dma_start3A_174 = arith.constant 0 : i32
      %dma_start3A_175 = tpu.memref_slice %dma_start3A_173[%add3A, %dma_start3A_174] : memref<32x2500xi32, #tpu.memory_space<hbm>> -> memref<1x2500xi32, #tpu.memory_space<hbm>>
      %dma_start3A_176 = tpu.memref_squeeze %dma_start3A_175 : memref<1x2500xi32, #tpu.memory_space<hbm>> -> memref<2500xi32, #tpu.memory_space<hbm>>
      tpu.enqueue_dma source(%dma_start3A_176 : memref<2500xi32, #tpu.memory_space<hbm>>) target(%dma_start3A_164 : memref<2500xi32, #tpu.memory_space<vmem>>) target_semaphore(%run_scoped3A_146 : memref<!tpu.dma_semaphore, #tpu.memory_space<semaphore_mem>>)
      %dma_wait3A = arith.constant 0 : i32
      %dma_wait3A_177 = tpu.memref_slice %arg9[%run_scoped3A_8, %dma_wait3A] : memref<4x2500xi32, #tpu.memory_space<vmem>> -> memref<1x2500xi32, #tpu.memory_space<vmem>>
      %dma_wait3A_178 = tpu.memref_squeeze %dma_wait3A_177 : memref<1x2500xi32, #tpu.memory_space<vmem>> -> memref<2500xi32, #tpu.memory_space<vmem>>
      %dma_wait3A_179 = arith.constant 0 : i32
      %dma_wait3A_180 = arith.constant 0 : i32
      %dma_wait3A_181 = arith.constant 0 : i32
      %dma_wait3A_182 = tpu.memref_slice %arg4[%run_scoped3A, %dma_wait3A_179, %dma_wait3A_180, %dma_wait3A_181] : memref<2x4x32x2500xi32, #tpu.memory_space<hbm>> -> memref<1x4x32x2500xi32, #tpu.memory_space<hbm>>
      %dma_wait3A_183 = tpu.memref_squeeze %dma_wait3A_182 : memref<1x4x32x2500xi32, #tpu.memory_space<hbm>> -> memref<4x32x2500xi32, #tpu.memory_space<hbm>>
      %dma_wait3A_184 = arith.constant 0 : i32
      %dma_wait3A_185 = arith.constant 0 : i32
      %dma_wait3A_186 = tpu.memref_slice %dma_wait3A_183[%run_scoped3A_7, %dma_wait3A_184, %dma_wait3A_185] : memref<4x32x2500xi32, #tpu.memory_space<hbm>> -> memref<1x32x2500xi32, #tpu.memory_space<hbm>>
      %dma_wait3A_187 = tpu.memref_squeeze %dma_wait3A_186 : memref<1x32x2500xi32, #tpu.memory_space<hbm>> -> memref<32x2500xi32, #tpu.memory_space<hbm>>
      %dma_wait3A_188 = arith.constant 0 : i32
      %dma_wait3A_189 = tpu.memref_slice %dma_wait3A_187[%add3A, %dma_wait3A_188] : memref<32x2500xi32, #tpu.memory_space<hbm>> -> memref<1x2500xi32, #tpu.memory_space<hbm>>
      %dma_wait3A_190 = tpu.memref_squeeze %dma_wait3A_189 : memref<1x2500xi32, #tpu.memory_space<hbm>> -> memref<2500xi32, #tpu.memory_space<hbm>>
      %dma_wait3A_191 = arith.constant 0 : i32
      %dma_wait3A_192 = tpu.memref_slice %arg9[%run_scoped3A_8, %dma_wait3A_191] : memref<4x2500xi32, #tpu.memory_space<vmem>> -> memref<1x2500xi32, #tpu.memory_space<vmem>>
      %dma_wait3A_193 = tpu.memref_squeeze %dma_wait3A_192 : memref<1x2500xi32, #tpu.memory_space<vmem>> -> memref<2500xi32, #tpu.memory_space<vmem>>
      %dma_wait3A_194 = arith.constant 0 : i32
      %dma_wait3A_195 = arith.constant 0 : i32
      %dma_wait3A_196 = arith.constant 0 : i32
      %dma_wait3A_197 = tpu.memref_slice %arg4[%run_scoped3A, %dma_wait3A_194, %dma_wait3A_195, %dma_wait3A_196] : memref<2x4x32x2500xi32, #tpu.memory_space<hbm>> -> memref<1x4x32x2500xi32, #tpu.memory_space<hbm>>
      %dma_wait3A_198 = tpu.memref_squeeze %dma_wait3A_197 : memref<1x4x32x2500xi32, #tpu.memory_space<hbm>> -> memref<4x32x2500xi32, #tpu.memory_space<hbm>>
      %dma_wait3A_199 = arith.constant 0 : i32
      %dma_wait3A_200 = arith.constant 0 : i32
      %dma_wait3A_201 = tpu.memref_slice %dma_wait3A_198[%run_scoped3A_7, %dma_wait3A_199, %dma_wait3A_200] : memref<4x32x2500xi32, #tpu.memory_space<hbm>> -> memref<1x32x2500xi32, #tpu.memory_space<hbm>>
      %dma_wait3A_202 = tpu.memref_squeeze %dma_wait3A_201 : memref<1x32x2500xi32, #tpu.memory_space<hbm>> -> memref<32x2500xi32, #tpu.memory_space<hbm>>
      %dma_wait3A_203 = arith.constant 0 : i32
      %dma_wait3A_204 = tpu.memref_slice %dma_wait3A_202[%add3A, %dma_wait3A_203] : memref<32x2500xi32, #tpu.memory_space<hbm>> -> memref<1x2500xi32, #tpu.memory_space<hbm>>
      %dma_wait3A_205 = tpu.memref_squeeze %dma_wait3A_204 : memref<1x2500xi32, #tpu.memory_space<hbm>> -> memref<2500xi32, #tpu.memory_space<hbm>>
      tpu.wait_dma2 semaphore(%run_scoped3A_146 : memref<!tpu.dma_semaphore, #tpu.memory_space<semaphore_mem>>) src(%dma_wait3A_205 : memref<2500xi32, #tpu.memory_space<hbm>>) dst(%dma_wait3A_193 : memref<2500xi32, #tpu.memory_space<vmem>>)
      tpu.yield
    }) : () -> ()
    %run_scoped3A_9 = arith.constant 0 : i32
    %run_scoped3A_10 = arith.constant 1 : i32
    %run_scoped3A_11 = arith.constant 1 : i32
    "tpu.region"() ({
      %run_scoped3A_146 = tpu.sem_alloc : memref<!tpu.dma_semaphore, #tpu.memory_space<semaphore_mem>>
      %dma_start3A_147 = arith.constant 0 : i32
      %dma_start3A_148 = tpu.memref_slice %arg9[%run_scoped3A_11, %dma_start3A_147] : memref<4x2500xi32, #tpu.memory_space<vmem>> -> memref<1x2500xi32, #tpu.memory_space<vmem>>
      %dma_start3A_149 = tpu.memref_squeeze %dma_start3A_148 : memref<1x2500xi32, #tpu.memory_space<vmem>> -> memref<2500xi32, #tpu.memory_space<vmem>>
      %dma_start3A_150 = arith.constant 0 : i32
      %dma_start3A_151 = arith.constant 0 : i32
      %dma_start3A_152 = arith.constant 0 : i32
      %dma_start3A_153 = tpu.memref_slice %arg4[%run_scoped3A_9, %dma_start3A_150, %dma_start3A_151, %dma_start3A_152] : memref<2x4x32x2500xi32, #tpu.memory_space<hbm>> -> memref<1x4x32x2500xi32, #tpu.memory_space<hbm>>
      %dma_start3A_154 = tpu.memref_squeeze %dma_start3A_153 : memref<1x4x32x2500xi32, #tpu.memory_space<hbm>> -> memref<4x32x2500xi32, #tpu.memory_space<hbm>>
      %dma_start3A_155 = arith.constant 0 : i32
      %dma_start3A_156 = arith.constant 0 : i32
      %dma_start3A_157 = tpu.memref_slice %dma_start3A_154[%run_scoped3A_10, %dma_start3A_155, %dma_start3A_156] : memref<4x32x2500xi32, #tpu.memory_space<hbm>> -> memref<1x32x2500xi32, #tpu.memory_space<hbm>>
      %dma_start3A_158 = tpu.memref_squeeze %dma_start3A_157 : memref<1x32x2500xi32, #tpu.memory_space<hbm>> -> memref<32x2500xi32, #tpu.memory_space<hbm>>
      %dma_start3A_159 = arith.constant 0 : i32
      %dma_start3A_160 = tpu.memref_slice %dma_start3A_158[%add3A, %dma_start3A_159] : memref<32x2500xi32, #tpu.memory_space<hbm>> -> memref<1x2500xi32, #tpu.memory_space<hbm>>
      %dma_start3A_161 = tpu.memref_squeeze %dma_start3A_160 : memref<1x2500xi32, #tpu.memory_space<hbm>> -> memref<2500xi32, #tpu.memory_space<hbm>>
      %dma_start3A_162 = arith.constant 0 : i32
      %dma_start3A_163 = tpu.memref_slice %arg9[%run_scoped3A_11, %dma_start3A_162] : memref<4x2500xi32, #tpu.memory_space<vmem>> -> memref<1x2500xi32, #tpu.memory_space<vmem>>
      %dma_start3A_164 = tpu.memref_squeeze %dma_start3A_163 : memref<1x2500xi32, #tpu.memory_space<vmem>> -> memref<2500xi32, #tpu.memory_space<vmem>>
      %dma_start3A_165 = arith.constant 0 : i32
      %dma_start3A_166 = arith.constant 0 : i32
      %dma_start3A_167 = arith.constant 0 : i32
      %dma_start3A_168 = tpu.memref_slice %arg4[%run_scoped3A_9, %dma_start3A_165, %dma_start3A_166, %dma_start3A_167] : memref<2x4x32x2500xi32, #tpu.memory_space<hbm>> -> memref<1x4x32x2500xi32, #tpu.memory_space<hbm>>
      %dma_start3A_169 = tpu.memref_squeeze %dma_start3A_168 : memref<1x4x32x2500xi32, #tpu.memory_space<hbm>> -> memref<4x32x2500xi32, #tpu.memory_space<hbm>>
      %dma_start3A_170 = arith.constant 0 : i32
      %dma_start3A_171 = arith.constant 0 : i32
      %dma_start3A_172 = tpu.memref_slice %dma_start3A_169[%run_scoped3A_10, %dma_start3A_170, %dma_start3A_171] : memref<4x32x2500xi32, #tpu.memory_space<hbm>> -> memref<1x32x2500xi32, #tpu.memory_space<hbm>>
      %dma_start3A_173 = tpu.memref_squeeze %dma_start3A_172 : memref<1x32x2500xi32, #tpu.memory_space<hbm>> -> memref<32x2500xi32, #tpu.memory_space<hbm>>
      %dma_start3A_174 = arith.constant 0 : i32
      %dma_start3A_175 = tpu.memref_slice %dma_start3A_173[%add3A, %dma_start3A_174] : memref<32x2500xi32, #tpu.memory_space<hbm>> -> memref<1x2500xi32, #tpu.memory_space<hbm>>
      %dma_start3A_176 = tpu.memref_squeeze %dma_start3A_175 : memref<1x2500xi32, #tpu.memory_space<hbm>> -> memref<2500xi32, #tpu.memory_space<hbm>>
      tpu.enqueue_dma source(%dma_start3A_176 : memref<2500xi32, #tpu.memory_space<hbm>>) target(%dma_start3A_164 : memref<2500xi32, #tpu.memory_space<vmem>>) target_semaphore(%run_scoped3A_146 : memref<!tpu.dma_semaphore, #tpu.memory_space<semaphore_mem>>)
      %dma_wait3A = arith.constant 0 : i32
      %dma_wait3A_177 = tpu.memref_slice %arg9[%run_scoped3A_11, %dma_wait3A] : memref<4x2500xi32, #tpu.memory_space<vmem>> -> memref<1x2500xi32, #tpu.memory_space<vmem>>
      %dma_wait3A_178 = tpu.memref_squeeze %dma_wait3A_177 : memref<1x2500xi32, #tpu.memory_space<vmem>> -> memref<2500xi32, #tpu.memory_space<vmem>>
      %dma_wait3A_179 = arith.constant 0 : i32
      %dma_wait3A_180 = arith.constant 0 : i32
      %dma_wait3A_181 = arith.constant 0 : i32
      %dma_wait3A_182 = tpu.memref_slice %arg4[%run_scoped3A_9, %dma_wait3A_179, %dma_wait3A_180, %dma_wait3A_181] : memref<2x4x32x2500xi32, #tpu.memory_space<hbm>> -> memref<1x4x32x2500xi32, #tpu.memory_space<hbm>>
      %dma_wait3A_183 = tpu.memref_squeeze %dma_wait3A_182 : memref<1x4x32x2500xi32, #tpu.memory_space<hbm>> -> memref<4x32x2500xi32, #tpu.memory_space<hbm>>
      %dma_wait3A_184 = arith.constant 0 : i32
      %dma_wait3A_185 = arith.constant 0 : i32
      %dma_wait3A_186 = tpu.memref_slice %dma_wait3A_183[%run_scoped3A_10, %dma_wait3A_184, %dma_wait3A_185] : memref<4x32x2500xi32, #tpu.memory_space<hbm>> -> memref<1x32x2500xi32, #tpu.memory_space<hbm>>
      %dma_wait3A_187 = tpu.memref_squeeze %dma_wait3A_186 : memref<1x32x2500xi32, #tpu.memory_space<hbm>> -> memref<32x2500xi32, #tpu.memory_space<hbm>>
      %dma_wait3A_188 = arith.constant 0 : i32
      %dma_wait3A_189 = tpu.memref_slice %dma_wait3A_187[%add3A, %dma_wait3A_188] : memref<32x2500xi32, #tpu.memory_space<hbm>> -> memref<1x2500xi32, #tpu.memory_space<hbm>>
      %dma_wait3A_190 = tpu.memref_squeeze %dma_wait3A_189 : memref<1x2500xi32, #tpu.memory_space<hbm>> -> memref<2500xi32, #tpu.memory_space<hbm>>
      %dma_wait3A_191 = arith.constant 0 : i32
      %dma_wait3A_192 = tpu.memref_slice %arg9[%run_scoped3A_11, %dma_wait3A_191] : memref<4x2500xi32, #tpu.memory_space<vmem>> -> memref<1x2500xi32, #tpu.memory_space<vmem>>
      %dma_wait3A_193 = tpu.memref_squeeze %dma_wait3A_192 : memref<1x2500xi32, #tpu.memory_space<vmem>> -> memref<2500xi32, #tpu.memory_space<vmem>>
      %dma_wait3A_194 = arith.constant 0 : i32
      %dma_wait3A_195 = arith.constant 0 : i32
      %dma_wait3A_196 = arith.constant 0 : i32
      %dma_wait3A_197 = tpu.memref_slice %arg4[%run_scoped3A_9, %dma_wait3A_194, %dma_wait3A_195, %dma_wait3A_196] : memref<2x4x32x2500xi32, #tpu.memory_space<hbm>> -> memref<1x4x32x2500xi32, #tpu.memory_space<hbm>>
      %dma_wait3A_198 = tpu.memref_squeeze %dma_wait3A_197 : memref<1x4x32x2500xi32, #tpu.memory_space<hbm>> -> memref<4x32x2500xi32, #tpu.memory_space<hbm>>
      %dma_wait3A_199 = arith.constant 0 : i32
      %dma_wait3A_200 = arith.constant 0 : i32
      %dma_wait3A_201 = tpu.memref_slice %dma_wait3A_198[%run_scoped3A_10, %dma_wait3A_199, %dma_wait3A_200] : memref<4x32x2500xi32, #tpu.memory_space<hbm>> -> memref<1x32x2500xi32, #tpu.memory_space<hbm>>
      %dma_wait3A_202 = tpu.memref_squeeze %dma_wait3A_201 : memref<1x32x2500xi32, #tpu.memory_space<hbm>> -> memref<32x2500xi32, #tpu.memory_space<hbm>>
      %dma_wait3A_203 = arith.constant 0 : i32
      %dma_wait3A_204 = tpu.memref_slice %dma_wait3A_202[%add3A, %dma_wait3A_203] : memref<32x2500xi32, #tpu.memory_space<hbm>> -> memref<1x2500xi32, #tpu.memory_space<hbm>>
      %dma_wait3A_205 = tpu.memref_squeeze %dma_wait3A_204 : memref<1x2500xi32, #tpu.memory_space<hbm>> -> memref<2500xi32, #tpu.memory_space<hbm>>
      tpu.wait_dma2 semaphore(%run_scoped3A_146 : memref<!tpu.dma_semaphore, #tpu.memory_space<semaphore_mem>>) src(%dma_wait3A_205 : memref<2500xi32, #tpu.memory_space<hbm>>) dst(%dma_wait3A_193 : memref<2500xi32, #tpu.memory_space<vmem>>)
      tpu.yield
    }) : () -> ()
    %run_scoped3A_12 = arith.constant 0 : i32
    %run_scoped3A_13 = arith.constant 2 : i32
    %run_scoped3A_14 = arith.constant 2 : i32
    "tpu.region"() ({
      %run_scoped3A_146 = tpu.sem_alloc : memref<!tpu.dma_semaphore, #tpu.memory_space<semaphore_mem>>
      %dma_start3A_147 = arith.constant 0 : i32
      %dma_start3A_148 = tpu.memref_slice %arg9[%run_scoped3A_14, %dma_start3A_147] : memref<4x2500xi32, #tpu.memory_space<vmem>> -> memref<1x2500xi32, #tpu.memory_space<vmem>>
      %dma_start3A_149 = tpu.memref_squeeze %dma_start3A_148 : memref<1x2500xi32, #tpu.memory_space<vmem>> -> memref<2500xi32, #tpu.memory_space<vmem>>
      %dma_start3A_150 = arith.constant 0 : i32
      %dma_start3A_151 = arith.constant 0 : i32
      %dma_start3A_152 = arith.constant 0 : i32
      %dma_start3A_153 = tpu.memref_slice %arg4[%run_scoped3A_12, %dma_start3A_150, %dma_start3A_151, %dma_start3A_152] : memref<2x4x32x2500xi32, #tpu.memory_space<hbm>> -> memref<1x4x32x2500xi32, #tpu.memory_space<hbm>>
      %dma_start3A_154 = tpu.memref_squeeze %dma_start3A_153 : memref<1x4x32x2500xi32, #tpu.memory_space<hbm>> -> memref<4x32x2500xi32, #tpu.memory_space<hbm>>
      %dma_start3A_155 = arith.constant 0 : i32
      %dma_start3A_156 = arith.constant 0 : i32
      %dma_start3A_157 = tpu.memref_slice %dma_start3A_154[%run_scoped3A_13, %dma_start3A_155, %dma_start3A_156] : memref<4x32x2500xi32, #tpu.memory_space<hbm>> -> memref<1x32x2500xi32, #tpu.memory_space<hbm>>
      %dma_start3A_158 = tpu.memref_squeeze %dma_start3A_157 : memref<1x32x2500xi32, #tpu.memory_space<hbm>> -> memref<32x2500xi32, #tpu.memory_space<hbm>>
      %dma_start3A_159 = arith.constant 0 : i32
      %dma_start3A_160 = tpu.memref_slice %dma_start3A_158[%add3A, %dma_start3A_159] : memref<32x2500xi32, #tpu.memory_space<hbm>> -> memref<1x2500xi32, #tpu.memory_space<hbm>>
      %dma_start3A_161 = tpu.memref_squeeze %dma_start3A_160 : memref<1x2500xi32, #tpu.memory_space<hbm>> -> memref<2500xi32, #tpu.memory_space<hbm>>
      %dma_start3A_162 = arith.constant 0 : i32
      %dma_start3A_163 = tpu.memref_slice %arg9[%run_scoped3A_14, %dma_start3A_162] : memref<4x2500xi32, #tpu.memory_space<vmem>> -> memref<1x2500xi32, #tpu.memory_space<vmem>>
      %dma_start3A_164 = tpu.memref_squeeze %dma_start3A_163 : memref<1x2500xi32, #tpu.memory_space<vmem>> -> memref<2500xi32, #tpu.memory_space<vmem>>
      %dma_start3A_165 = arith.constant 0 : i32
      %dma_start3A_166 = arith.constant 0 : i32
      %dma_start3A_167 = arith.constant 0 : i32
      %dma_start3A_168 = tpu.memref_slice %arg4[%run_scoped3A_12, %dma_start3A_165, %dma_start3A_166, %dma_start3A_167] : memref<2x4x32x2500xi32, #tpu.memory_space<hbm>> -> memref<1x4x32x2500xi32, #tpu.memory_space<hbm>>
      %dma_start3A_169 = tpu.memref_squeeze %dma_start3A_168 : memref<1x4x32x2500xi32, #tpu.memory_space<hbm>> -> memref<4x32x2500xi32, #tpu.memory_space<hbm>>
      %dma_start3A_170 = arith.constant 0 : i32
      %dma_start3A_171 = arith.constant 0 : i32
      %dma_start3A_172 = tpu.memref_slice %dma_start3A_169[%run_scoped3A_13, %dma_start3A_170, %dma_start3A_171] : memref<4x32x2500xi32, #tpu.memory_space<hbm>> -> memref<1x32x2500xi32, #tpu.memory_space<hbm>>
      %dma_start3A_173 = tpu.memref_squeeze %dma_start3A_172 : memref<1x32x2500xi32, #tpu.memory_space<hbm>> -> memref<32x2500xi32, #tpu.memory_space<hbm>>
      %dma_start3A_174 = arith.constant 0 : i32
      %dma_start3A_175 = tpu.memref_slice %dma_start3A_173[%add3A, %dma_start3A_174] : memref<32x2500xi32, #tpu.memory_space<hbm>> -> memref<1x2500xi32, #tpu.memory_space<hbm>>
      %dma_start3A_176 = tpu.memref_squeeze %dma_start3A_175 : memref<1x2500xi32, #tpu.memory_space<hbm>> -> memref<2500xi32, #tpu.memory_space<hbm>>
      tpu.enqueue_dma source(%dma_start3A_176 : memref<2500xi32, #tpu.memory_space<hbm>>) target(%dma_start3A_164 : memref<2500xi32, #tpu.memory_space<vmem>>) target_semaphore(%run_scoped3A_146 : memref<!tpu.dma_semaphore, #tpu.memory_space<semaphore_mem>>)
      %dma_wait3A = arith.constant 0 : i32
      %dma_wait3A_177 = tpu.memref_slice %arg9[%run_scoped3A_14, %dma_wait3A] : memref<4x2500xi32, #tpu.memory_space<vmem>> -> memref<1x2500xi32, #tpu.memory_space<vmem>>
      %dma_wait3A_178 = tpu.memref_squeeze %dma_wait3A_177 : memref<1x2500xi32, #tpu.memory_space<vmem>> -> memref<2500xi32, #tpu.memory_space<vmem>>
      %dma_wait3A_179 = arith.constant 0 : i32
      %dma_wait3A_180 = arith.constant 0 : i32
      %dma_wait3A_181 = arith.constant 0 : i32
      %dma_wait3A_182 = tpu.memref_slice %arg4[%run_scoped3A_12, %dma_wait3A_179, %dma_wait3A_180, %dma_wait3A_181] : memref<2x4x32x2500xi32, #tpu.memory_space<hbm>> -> memref<1x4x32x2500xi32, #tpu.memory_space<hbm>>
      %dma_wait3A_183 = tpu.memref_squeeze %dma_wait3A_182 : memref<1x4x32x2500xi32, #tpu.memory_space<hbm>> -> memref<4x32x2500xi32, #tpu.memory_space<hbm>>
      %dma_wait3A_184 = arith.constant 0 : i32
      %dma_wait3A_185 = arith.constant 0 : i32
      %dma_wait3A_186 = tpu.memref_slice %dma_wait3A_183[%run_scoped3A_13, %dma_wait3A_184, %dma_wait3A_185] : memref<4x32x2500xi32, #tpu.memory_space<hbm>> -> memref<1x32x2500xi32, #tpu.memory_space<hbm>>
      %dma_wait3A_187 = tpu.memref_squeeze %dma_wait3A_186 : memref<1x32x2500xi32, #tpu.memory_space<hbm>> -> memref<32x2500xi32, #tpu.memory_space<hbm>>
      %dma_wait3A_188 = arith.constant 0 : i32
      %dma_wait3A_189 = tpu.memref_slice %dma_wait3A_187[%add3A, %dma_wait3A_188] : memref<32x2500xi32, #tpu.memory_space<hbm>> -> memref<1x2500xi32, #tpu.memory_space<hbm>>
      %dma_wait3A_190 = tpu.memref_squeeze %dma_wait3A_189 : memref<1x2500xi32, #tpu.memory_space<hbm>> -> memref<2500xi32, #tpu.memory_space<hbm>>
      %dma_wait3A_191 = arith.constant 0 : i32
      %dma_wait3A_192 = tpu.memref_slice %arg9[%run_scoped3A_14, %dma_wait3A_191] : memref<4x2500xi32, #tpu.memory_space<vmem>> -> memref<1x2500xi32, #tpu.memory_space<vmem>>
      %dma_wait3A_193 = tpu.memref_squeeze %dma_wait3A_192 : memref<1x2500xi32, #tpu.memory_space<vmem>> -> memref<2500xi32, #tpu.memory_space<vmem>>
      %dma_wait3A_194 = arith.constant 0 : i32
      %dma_wait3A_195 = arith.constant 0 : i32
      %dma_wait3A_196 = arith.constant 0 : i32
      %dma_wait3A_197 = tpu.memref_slice %arg4[%run_scoped3A_12, %dma_wait3A_194, %dma_wait3A_195, %dma_wait3A_196] : memref<2x4x32x2500xi32, #tpu.memory_space<hbm>> -> memref<1x4x32x2500xi32, #tpu.memory_space<hbm>>
      %dma_wait3A_198 = tpu.memref_squeeze %dma_wait3A_197 : memref<1x4x32x2500xi32, #tpu.memory_space<hbm>> -> memref<4x32x2500xi32, #tpu.memory_space<hbm>>
      %dma_wait3A_199 = arith.constant 0 : i32
      %dma_wait3A_200 = arith.constant 0 : i32
      %dma_wait3A_201 = tpu.memref_slice %dma_wait3A_198[%run_scoped3A_13, %dma_wait3A_199, %dma_wait3A_200] : memref<4x32x2500xi32, #tpu.memory_space<hbm>> -> memref<1x32x2500xi32, #tpu.memory_space<hbm>>
      %dma_wait3A_202 = tpu.memref_squeeze %dma_wait3A_201 : memref<1x32x2500xi32, #tpu.memory_space<hbm>> -> memref<32x2500xi32, #tpu.memory_space<hbm>>
      %dma_wait3A_203 = arith.constant 0 : i32
      %dma_wait3A_204 = tpu.memref_slice %dma_wait3A_202[%add3A, %dma_wait3A_203] : memref<32x2500xi32, #tpu.memory_space<hbm>> -> memref<1x2500xi32, #tpu.memory_space<hbm>>
      %dma_wait3A_205 = tpu.memref_squeeze %dma_wait3A_204 : memref<1x2500xi32, #tpu.memory_space<hbm>> -> memref<2500xi32, #tpu.memory_space<hbm>>
      tpu.wait_dma2 semaphore(%run_scoped3A_146 : memref<!tpu.dma_semaphore, #tpu.memory_space<semaphore_mem>>) src(%dma_wait3A_205 : memref<2500xi32, #tpu.memory_space<hbm>>) dst(%dma_wait3A_193 : memref<2500xi32, #tpu.memory_space<vmem>>)
      tpu.yield
    }) : () -> ()
    %run_scoped3A_15 = arith.constant 0 : i32
    %run_scoped3A_16 = arith.constant 3 : i32
    %run_scoped3A_17 = arith.constant 3 : i32
    "tpu.region"() ({
      %run_scoped3A_146 = tpu.sem_alloc : memref<!tpu.dma_semaphore, #tpu.memory_space<semaphore_mem>>
      %dma_start3A_147 = arith.constant 0 : i32
      %dma_start3A_148 = tpu.memref_slice %arg9[%run_scoped3A_17, %dma_start3A_147] : memref<4x2500xi32, #tpu.memory_space<vmem>> -> memref<1x2500xi32, #tpu.memory_space<vmem>>
      %dma_start3A_149 = tpu.memref_squeeze %dma_start3A_148 : memref<1x2500xi32, #tpu.memory_space<vmem>> -> memref<2500xi32, #tpu.memory_space<vmem>>
      %dma_start3A_150 = arith.constant 0 : i32
      %dma_start3A_151 = arith.constant 0 : i32
      %dma_start3A_152 = arith.constant 0 : i32
      %dma_start3A_153 = tpu.memref_slice %arg4[%run_scoped3A_15, %dma_start3A_150, %dma_start3A_151, %dma_start3A_152] : memref<2x4x32x2500xi32, #tpu.memory_space<hbm>> -> memref<1x4x32x2500xi32, #tpu.memory_space<hbm>>
      %dma_start3A_154 = tpu.memref_squeeze %dma_start3A_153 : memref<1x4x32x2500xi32, #tpu.memory_space<hbm>> -> memref<4x32x2500xi32, #tpu.memory_space<hbm>>
      %dma_start3A_155 = arith.constant 0 : i32
      %dma_start3A_156 = arith.constant 0 : i32
      %dma_start3A_157 = tpu.memref_slice %dma_start3A_154[%run_scoped3A_16, %dma_start3A_155, %dma_start3A_156] : memref<4x32x2500xi32, #tpu.memory_space<hbm>> -> memref<1x32x2500xi32, #tpu.memory_space<hbm>>
      %dma_start3A_158 = tpu.memref_squeeze %dma_start3A_157 : memref<1x32x2500xi32, #tpu.memory_space<hbm>> -> memref<32x2500xi32, #tpu.memory_space<hbm>>
      %dma_start3A_159 = arith.constant 0 : i32
      %dma_start3A_160 = tpu.memref_slice %dma_start3A_158[%add3A, %dma_start3A_159] : memref<32x2500xi32, #tpu.memory_space<hbm>> -> memref<1x2500xi32, #tpu.memory_space<hbm>>
      %dma_start3A_161 = tpu.memref_squeeze %dma_start3A_160 : memref<1x2500xi32, #tpu.memory_space<hbm>> -> memref<2500xi32, #tpu.memory_space<hbm>>
      %dma_start3A_162 = arith.constant 0 : i32
      %dma_start3A_163 = tpu.memref_slice %arg9[%run_scoped3A_17, %dma_start3A_162] : memref<4x2500xi32, #tpu.memory_space<vmem>> -> memref<1x2500xi32, #tpu.memory_space<vmem>>
      %dma_start3A_164 = tpu.memref_squeeze %dma_start3A_163 : memref<1x2500xi32, #tpu.memory_space<vmem>> -> memref<2500xi32, #tpu.memory_space<vmem>>
      %dma_start3A_165 = arith.constant 0 : i32
      %dma_start3A_166 = arith.constant 0 : i32
      %dma_start3A_167 = arith.constant 0 : i32
      %dma_start3A_168 = tpu.memref_slice %arg4[%run_scoped3A_15, %dma_start3A_165, %dma_start3A_166, %dma_start3A_167] : memref<2x4x32x2500xi32, #tpu.memory_space<hbm>> -> memref<1x4x32x2500xi32, #tpu.memory_space<hbm>>
      %dma_start3A_169 = tpu.memref_squeeze %dma_start3A_168 : memref<1x4x32x2500xi32, #tpu.memory_space<hbm>> -> memref<4x32x2500xi32, #tpu.memory_space<hbm>>
      %dma_start3A_170 = arith.constant 0 : i32
      %dma_start3A_171 = arith.constant 0 : i32
      %dma_start3A_172 = tpu.memref_slice %dma_start3A_169[%run_scoped3A_16, %dma_start3A_170, %dma_start3A_171] : memref<4x32x2500xi32, #tpu.memory_space<hbm>> -> memref<1x32x2500xi32, #tpu.memory_space<hbm>>
      %dma_start3A_173 = tpu.memref_squeeze %dma_start3A_172 : memref<1x32x2500xi32, #tpu.memory_space<hbm>> -> memref<32x2500xi32, #tpu.memory_space<hbm>>
      %dma_start3A_174 = arith.constant 0 : i32
      %dma_start3A_175 = tpu.memref_slice %dma_start3A_173[%add3A, %dma_start3A_174] : memref<32x2500xi32, #tpu.memory_space<hbm>> -> memref<1x2500xi32, #tpu.memory_space<hbm>>
      %dma_start3A_176 = tpu.memref_squeeze %dma_start3A_175 : memref<1x2500xi32, #tpu.memory_space<hbm>> -> memref<2500xi32, #tpu.memory_space<hbm>>
      tpu.enqueue_dma source(%dma_start3A_176 : memref<2500xi32, #tpu.memory_space<hbm>>) target(%dma_start3A_164 : memref<2500xi32, #tpu.memory_space<vmem>>) target_semaphore(%run_scoped3A_146 : memref<!tpu.dma_semaphore, #tpu.memory_space<semaphore_mem>>)
      %dma_wait3A = arith.constant 0 : i32
      %dma_wait3A_177 = tpu.memref_slice %arg9[%run_scoped3A_17, %dma_wait3A] : memref<4x2500xi32, #tpu.memory_space<vmem>> -> memref<1x2500xi32, #tpu.memory_space<vmem>>
      %dma_wait3A_178 = tpu.memref_squeeze %dma_wait3A_177 : memref<1x2500xi32, #tpu.memory_space<vmem>> -> memref<2500xi32, #tpu.memory_space<vmem>>
      %dma_wait3A_179 = arith.constant 0 : i32
      %dma_wait3A_180 = arith.constant 0 : i32
      %dma_wait3A_181 = arith.constant 0 : i32
      %dma_wait3A_182 = tpu.memref_slice %arg4[%run_scoped3A_15, %dma_wait3A_179, %dma_wait3A_180, %dma_wait3A_181] : memref<2x4x32x2500xi32, #tpu.memory_space<hbm>> -> memref<1x4x32x2500xi32, #tpu.memory_space<hbm>>
      %dma_wait3A_183 = tpu.memref_squeeze %dma_wait3A_182 : memref<1x4x32x2500xi32, #tpu.memory_space<hbm>> -> memref<4x32x2500xi32, #tpu.memory_space<hbm>>
      %dma_wait3A_184 = arith.constant 0 : i32
      %dma_wait3A_185 = arith.constant 0 : i32
      %dma_wait3A_186 = tpu.memref_slice %dma_wait3A_183[%run_scoped3A_16, %dma_wait3A_184, %dma_wait3A_185] : memref<4x32x2500xi32, #tpu.memory_space<hbm>> -> memref<1x32x2500xi32, #tpu.memory_space<hbm>>
      %dma_wait3A_187 = tpu.memref_squeeze %dma_wait3A_186 : memref<1x32x2500xi32, #tpu.memory_space<hbm>> -> memref<32x2500xi32, #tpu.memory_space<hbm>>
      %dma_wait3A_188 = arith.constant 0 : i32
      %dma_wait3A_189 = tpu.memref_slice %dma_wait3A_187[%add3A, %dma_wait3A_188] : memref<32x2500xi32, #tpu.memory_space<hbm>> -> memref<1x2500xi32, #tpu.memory_space<hbm>>
      %dma_wait3A_190 = tpu.memref_squeeze %dma_wait3A_189 : memref<1x2500xi32, #tpu.memory_space<hbm>> -> memref<2500xi32, #tpu.memory_space<hbm>>
      %dma_wait3A_191 = arith.constant 0 : i32
      %dma_wait3A_192 = tpu.memref_slice %arg9[%run_scoped3A_17, %dma_wait3A_191] : memref<4x2500xi32, #tpu.memory_space<vmem>> -> memref<1x2500xi32, #tpu.memory_space<vmem>>
      %dma_wait3A_193 = tpu.memref_squeeze %dma_wait3A_192 : memref<1x2500xi32, #tpu.memory_space<vmem>> -> memref<2500xi32, #tpu.memory_space<vmem>>
      %dma_wait3A_194 = arith.constant 0 : i32
      %dma_wait3A_195 = arith.constant 0 : i32
      %dma_wait3A_196 = arith.constant 0 : i32
      %dma_wait3A_197 = tpu.memref_slice %arg4[%run_scoped3A_15, %dma_wait3A_194, %dma_wait3A_195, %dma_wait3A_196] : memref<2x4x32x2500xi32, #tpu.memory_space<hbm>> -> memref<1x4x32x2500xi32, #tpu.memory_space<hbm>>
      %dma_wait3A_198 = tpu.memref_squeeze %dma_wait3A_197 : memref<1x4x32x2500xi32, #tpu.memory_space<hbm>> -> memref<4x32x2500xi32, #tpu.memory_space<hbm>>
      %dma_wait3A_199 = arith.constant 0 : i32
      %dma_wait3A_200 = arith.constant 0 : i32
      %dma_wait3A_201 = tpu.memref_slice %dma_wait3A_198[%run_scoped3A_16, %dma_wait3A_199, %dma_wait3A_200] : memref<4x32x2500xi32, #tpu.memory_space<hbm>> -> memref<1x32x2500xi32, #tpu.memory_space<hbm>>
      %dma_wait3A_202 = tpu.memref_squeeze %dma_wait3A_201 : memref<1x32x2500xi32, #tpu.memory_space<hbm>> -> memref<32x2500xi32, #tpu.memory_space<hbm>>
      %dma_wait3A_203 = arith.constant 0 : i32
      %dma_wait3A_204 = tpu.memref_slice %dma_wait3A_202[%add3A, %dma_wait3A_203] : memref<32x2500xi32, #tpu.memory_space<hbm>> -> memref<1x2500xi32, #tpu.memory_space<hbm>>
      %dma_wait3A_205 = tpu.memref_squeeze %dma_wait3A_204 : memref<1x2500xi32, #tpu.memory_space<hbm>> -> memref<2500xi32, #tpu.memory_space<hbm>>
      tpu.wait_dma2 semaphore(%run_scoped3A_146 : memref<!tpu.dma_semaphore, #tpu.memory_space<semaphore_mem>>) src(%dma_wait3A_205 : memref<2500xi32, #tpu.memory_space<hbm>>) dst(%dma_wait3A_193 : memref<2500xi32, #tpu.memory_space<vmem>>)
      tpu.yield
    }) : () -> ()
    %scan3A = arith.constant 0 : i32
    %scan3A_18 = arith.constant 0 : i32
    %scan3A_19 = arith.constant 125 : i32
    %scan3A_20 = arith.addi %scan3A_18, %scan3A_19 : i32
    %scan3A_21 = arith.constant 1 : i32
    scf.for %scan3A_146 = %scan3A_18 to %scan3A_20 step %scan3A_21  : i32 {
      %mul3A_147 = arith.constant 20 : i32
      %mul3A_148 = arith.muli %scan3A_146, %mul3A_147 : i32
      %add3A_149 = arith.constant 0 : i32
      %add3A_150 = arith.addi %mul3A_148, %add3A_149 : i32
      %add3A_151 = vector.broadcast %add3A_150 : i32 to vector<16xi32>
      %add3A_152 = arith.addi %add3A_151, %shift_right_arithmetic3A_6 : vector<16xi32>
      %gather3A = tpu.vector_load_idx %arg9[%and3A_4, %add3A_152] : memref<4x2500xi32, #tpu.memory_space<vmem>>[vector<16xi32>, vector<16xi32>], vector<16xi32>,
      %swap3A = arith.index_cast %scan3A_146 : i32 to index
      %swap3A_153 = arith.constant 0 : index
      %swap3A_154 = tpu.vector_load %arg7[%swap3A, %swap3A_153] {strides = array<i32>} : memref<125x80xi32, #tpu.memory_space<vmem>>, vector<16xi32>,
      tpu.vector_store %arg7[%swap3A, %swap3A_153], %gather3A {strides = array<i32>} : memref<125x80xi32, #tpu.memory_space<vmem>>, vector<16xi32>,
      %mul3A_155 = arith.constant 20 : i32
      %mul3A_156 = arith.muli %scan3A_146, %mul3A_155 : i32
      %add3A_157 = arith.constant 4 : i32
      %add3A_158 = arith.addi %mul3A_156, %add3A_157 : i32
      %add3A_159 = vector.broadcast %add3A_158 : i32 to vector<16xi32>
      %add3A_160 = arith.addi %add3A_159, %shift_right_arithmetic3A_6 : vector<16xi32>
      %gather3A_161 = tpu.vector_load_idx %arg9[%and3A_4, %add3A_160] : memref<4x2500xi32, #tpu.memory_space<vmem>>[vector<16xi32>, vector<16xi32>], vector<16xi32>,
      %swap3A_162 = arith.index_cast %scan3A_146 : i32 to index
      %swap3A_163 = arith.constant 16 : index
      %swap3A_164 = tpu.vector_load %arg7[%swap3A_162, %swap3A_163] {strides = array<i32>} : memref<125x80xi32, #tpu.memory_space<vmem>>, vector<16xi32>,
      tpu.vector_store %arg7[%swap3A_162, %swap3A_163], %gather3A_161 {strides = array<i32>} : memref<125x80xi32, #tpu.memory_space<vmem>>, vector<16xi32>,
      %mul3A_165 = arith.constant 20 : i32
      %mul3A_166 = arith.muli %scan3A_146, %mul3A_165 : i32
      %add3A_167 = arith.constant 8 : i32
      %add3A_168 = arith.addi %mul3A_166, %add3A_167 : i32
      %add3A_169 = vector.broadcast %add3A_168 : i32 to vector<16xi32>
      %add3A_170 = arith.addi %add3A_169, %shift_right_arithmetic3A_6 : vector<16xi32>
      %gather3A_171 = tpu.vector_load_idx %arg9[%and3A_4, %add3A_170] : memref<4x2500xi32, #tpu.memory_space<vmem>>[vector<16xi32>, vector<16xi32>], vector<16xi32>,
      %swap3A_172 = arith.index_cast %scan3A_146 : i32 to index
      %swap3A_173 = arith.constant 32 : index
      %swap3A_174 = tpu.vector_load %arg7[%swap3A_172, %swap3A_173] {strides = array<i32>} : memref<125x80xi32, #tpu.memory_space<vmem>>, vector<16xi32>,
      tpu.vector_store %arg7[%swap3A_172, %swap3A_173], %gather3A_171 {strides = array<i32>} : memref<125x80xi32, #tpu.memory_space<vmem>>, vector<16xi32>,
      %mul3A_175 = arith.constant 20 : i32
      %mul3A_176 = arith.muli %scan3A_146, %mul3A_175 : i32
      %add3A_177 = arith.constant 12 : i32
      %add3A_178 = arith.addi %mul3A_176, %add3A_177 : i32
      %add3A_179 = vector.broadcast %add3A_178 : i32 to vector<16xi32>
      %add3A_180 = arith.addi %add3A_179, %shift_right_arithmetic3A_6 : vector<16xi32>
      %gather3A_181 = tpu.vector_load_idx %arg9[%and3A_4, %add3A_180] : memref<4x2500xi32, #tpu.memory_space<vmem>>[vector<16xi32>, vector<16xi32>], vector<16xi32>,
      %swap3A_182 = arith.index_cast %scan3A_146 : i32 to index
      %swap3A_183 = arith.constant 48 : index
      %swap3A_184 = tpu.vector_load %arg7[%swap3A_182, %swap3A_183] {strides = array<i32>} : memref<125x80xi32, #tpu.memory_space<vmem>>, vector<16xi32>,
      tpu.vector_store %arg7[%swap3A_182, %swap3A_183], %gather3A_181 {strides = array<i32>} : memref<125x80xi32, #tpu.memory_space<vmem>>, vector<16xi32>,
      %mul3A_185 = arith.constant 20 : i32
      %mul3A_186 = arith.muli %scan3A_146, %mul3A_185 : i32
      %add3A_187 = arith.constant 16 : i32
      %add3A_188 = arith.addi %mul3A_186, %add3A_187 : i32
      %add3A_189 = vector.broadcast %add3A_188 : i32 to vector<16xi32>
      %add3A_190 = arith.addi %add3A_189, %shift_right_arithmetic3A_6 : vector<16xi32>
      %gather3A_191 = tpu.vector_load_idx %arg9[%and3A_4, %add3A_190] : memref<4x2500xi32, #tpu.memory_space<vmem>>[vector<16xi32>, vector<16xi32>], vector<16xi32>,
      %swap3A_192 = arith.index_cast %scan3A_146 : i32 to index
      %swap3A_193 = arith.constant 64 : index
      %swap3A_194 = tpu.vector_load %arg7[%swap3A_192, %swap3A_193] {strides = array<i32>} : memref<125x80xi32, #tpu.memory_space<vmem>>, vector<16xi32>,
      tpu.vector_store %arg7[%swap3A_192, %swap3A_193], %gather3A_191 {strides = array<i32>} : memref<125x80xi32, #tpu.memory_space<vmem>>, vector<16xi32>,
    }
    %scan3A_22 = arith.constant 125 : i32
    %run_scoped3A_23 = arith.constant 1 : i32
    %run_scoped3A_24 = arith.constant 0 : i32
    %run_scoped3A_25 = arith.constant 0 : i32
    "tpu.region"() ({
      %run_scoped3A_146 = tpu.sem_alloc : memref<!tpu.dma_semaphore, #tpu.memory_space<semaphore_mem>>
      %dma_start3A_147 = arith.constant 0 : i32
      %dma_start3A_148 = tpu.memref_slice %arg9[%run_scoped3A_25, %dma_start3A_147] : memref<4x2500xi32, #tpu.memory_space<vmem>> -> memref<1x2500xi32, #tpu.memory_space<vmem>>
      %dma_start3A_149 = tpu.memref_squeeze %dma_start3A_148 : memref<1x2500xi32, #tpu.memory_space<vmem>> -> memref<2500xi32, #tpu.memory_space<vmem>>
      %dma_start3A_150 = arith.constant 0 : i32
      %dma_start3A_151 = arith.constant 0 : i32
      %dma_start3A_152 = arith.constant 0 : i32
      %dma_start3A_153 = tpu.memref_slice %arg4[%run_scoped3A_23, %dma_start3A_150, %dma_start3A_151, %dma_start3A_152] : memref<2x4x32x2500xi32, #tpu.memory_space<hbm>> -> memref<1x4x32x2500xi32, #tpu.memory_space<hbm>>
      %dma_start3A_154 = tpu.memref_squeeze %dma_start3A_153 : memref<1x4x32x2500xi32, #tpu.memory_space<hbm>> -> memref<4x32x2500xi32, #tpu.memory_space<hbm>>
      %dma_start3A_155 = arith.constant 0 : i32
      %dma_start3A_156 = arith.constant 0 : i32
      %dma_start3A_157 = tpu.memref_slice %dma_start3A_154[%run_scoped3A_24, %dma_start3A_155, %dma_start3A_156] : memref<4x32x2500xi32, #tpu.memory_space<hbm>> -> memref<1x32x2500xi32, #tpu.memory_space<hbm>>
      %dma_start3A_158 = tpu.memref_squeeze %dma_start3A_157 : memref<1x32x2500xi32, #tpu.memory_space<hbm>> -> memref<32x2500xi32, #tpu.memory_space<hbm>>
      %dma_start3A_159 = arith.constant 0 : i32
      %dma_start3A_160 = tpu.memref_slice %dma_start3A_158[%add3A, %dma_start3A_159] : memref<32x2500xi32, #tpu.memory_space<hbm>> -> memref<1x2500xi32, #tpu.memory_space<hbm>>
      %dma_start3A_161 = tpu.memref_squeeze %dma_start3A_160 : memref<1x2500xi32, #tpu.memory_space<hbm>> -> memref<2500xi32, #tpu.memory_space<hbm>>
      %dma_start3A_162 = arith.constant 0 : i32
      %dma_start3A_163 = tpu.memref_slice %arg9[%run_scoped3A_25, %dma_start3A_162] : memref<4x2500xi32, #tpu.memory_space<vmem>> -> memref<1x2500xi32, #tpu.memory_space<vmem>>
      %dma_start3A_164 = tpu.memref_squeeze %dma_start3A_163 : memref<1x2500xi32, #tpu.memory_space<vmem>> -> memref<2500xi32, #tpu.memory_space<vmem>>
      %dma_start3A_165 = arith.constant 0 : i32
      %dma_start3A_166 = arith.constant 0 : i32
      %dma_start3A_167 = arith.constant 0 : i32
      %dma_start3A_168 = tpu.memref_slice %arg4[%run_scoped3A_23, %dma_start3A_165, %dma_start3A_166, %dma_start3A_167] : memref<2x4x32x2500xi32, #tpu.memory_space<hbm>> -> memref<1x4x32x2500xi32, #tpu.memory_space<hbm>>
      %dma_start3A_169 = tpu.memref_squeeze %dma_start3A_168 : memref<1x4x32x2500xi32, #tpu.memory_space<hbm>> -> memref<4x32x2500xi32, #tpu.memory_space<hbm>>
      %dma_start3A_170 = arith.constant 0 : i32
      %dma_start3A_171 = arith.constant 0 : i32
      %dma_start3A_172 = tpu.memref_slice %dma_start3A_169[%run_scoped3A_24, %dma_start3A_170, %dma_start3A_171] : memref<4x32x2500xi32, #tpu.memory_space<hbm>> -> memref<1x32x2500xi32, #tpu.memory_space<hbm>>
      %dma_start3A_173 = tpu.memref_squeeze %dma_start3A_172 : memref<1x32x2500xi32, #tpu.memory_space<hbm>> -> memref<32x2500xi32, #tpu.memory_space<hbm>>
      %dma_start3A_174 = arith.constant 0 : i32
      %dma_start3A_175 = tpu.memref_slice %dma_start3A_173[%add3A, %dma_start3A_174] : memref<32x2500xi32, #tpu.memory_space<hbm>> -> memref<1x2500xi32, #tpu.memory_space<hbm>>
      %dma_start3A_176 = tpu.memref_squeeze %dma_start3A_175 : memref<1x2500xi32, #tpu.memory_space<hbm>> -> memref<2500xi32, #tpu.memory_space<hbm>>
      tpu.enqueue_dma source(%dma_start3A_176 : memref<2500xi32, #tpu.memory_space<hbm>>) target(%dma_start3A_164 : memref<2500xi32, #tpu.memory_space<vmem>>) target_semaphore(%run_scoped3A_146 : memref<!tpu.dma_semaphore, #tpu.memory_space<semaphore_mem>>)
      %dma_wait3A = arith.constant 0 : i32
      %dma_wait3A_177 = tpu.memref_slice %arg9[%run_scoped3A_25, %dma_wait3A] : memref<4x2500xi32, #tpu.memory_space<vmem>> -> memref<1x2500xi32, #tpu.memory_space<vmem>>
      %dma_wait3A_178 = tpu.memref_squeeze %dma_wait3A_177 : memref<1x2500xi32, #tpu.memory_space<vmem>> -> memref<2500xi32, #tpu.memory_space<vmem>>
      %dma_wait3A_179 = arith.constant 0 : i32
      %dma_wait3A_180 = arith.constant 0 : i32
      %dma_wait3A_181 = arith.constant 0 : i32
      %dma_wait3A_182 = tpu.memref_slice %arg4[%run_scoped3A_23, %dma_wait3A_179, %dma_wait3A_180, %dma_wait3A_181] : memref<2x4x32x2500xi32, #tpu.memory_space<hbm>> -> memref<1x4x32x2500xi32, #tpu.memory_space<hbm>>
      %dma_wait3A_183 = tpu.memref_squeeze %dma_wait3A_182 : memref<1x4x32x2500xi32, #tpu.memory_space<hbm>> -> memref<4x32x2500xi32, #tpu.memory_space<hbm>>
      %dma_wait3A_184 = arith.constant 0 : i32
      %dma_wait3A_185 = arith.constant 0 : i32
      %dma_wait3A_186 = tpu.memref_slice %dma_wait3A_183[%run_scoped3A_24, %dma_wait3A_184, %dma_wait3A_185] : memref<4x32x2500xi32, #tpu.memory_space<hbm>> -> memref<1x32x2500xi32, #tpu.memory_space<hbm>>
      %dma_wait3A_187 = tpu.memref_squeeze %dma_wait3A_186 : memref<1x32x2500xi32, #tpu.memory_space<hbm>> -> memref<32x2500xi32, #tpu.memory_space<hbm>>
      %dma_wait3A_188 = arith.constant 0 : i32
      %dma_wait3A_189 = tpu.memref_slice %dma_wait3A_187[%add3A, %dma_wait3A_188] : memref<32x2500xi32, #tpu.memory_space<hbm>> -> memref<1x2500xi32, #tpu.memory_space<hbm>>
      %dma_wait3A_190 = tpu.memref_squeeze %dma_wait3A_189 : memref<1x2500xi32, #tpu.memory_space<hbm>> -> memref<2500xi32, #tpu.memory_space<hbm>>
      %dma_wait3A_191 = arith.constant 0 : i32
      %dma_wait3A_192 = tpu.memref_slice %arg9[%run_scoped3A_25, %dma_wait3A_191] : memref<4x2500xi32, #tpu.memory_space<vmem>> -> memref<1x2500xi32, #tpu.memory_space<vmem>>
      %dma_wait3A_193 = tpu.memref_squeeze %dma_wait3A_192 : memref<1x2500xi32, #tpu.memory_space<vmem>> -> memref<2500xi32, #tpu.memory_space<vmem>>
      %dma_wait3A_194 = arith.constant 0 : i32
      %dma_wait3A_195 = arith.constant 0 : i32
      %dma_wait3A_196 = arith.constant 0 : i32
      %dma_wait3A_197 = tpu.memref_slice %arg4[%run_scoped3A_23, %dma_wait3A_194, %dma_wait3A_195, %dma_wait3A_196] : memref<2x4x32x2500xi32, #tpu.memory_space<hbm>> -> memref<1x4x32x2500xi32, #tpu.memory_space<hbm>>
      %dma_wait3A_198 = tpu.memref_squeeze %dma_wait3A_197 : memref<1x4x32x2500xi32, #tpu.memory_space<hbm>> -> memref<4x32x2500xi32, #tpu.memory_space<hbm>>
      %dma_wait3A_199 = arith.constant 0 : i32
      %dma_wait3A_200 = arith.constant 0 : i32
      %dma_wait3A_201 = tpu.memref_slice %dma_wait3A_198[%run_scoped3A_24, %dma_wait3A_199, %dma_wait3A_200] : memref<4x32x2500xi32, #tpu.memory_space<hbm>> -> memref<1x32x2500xi32, #tpu.memory_space<hbm>>
      %dma_wait3A_202 = tpu.memref_squeeze %dma_wait3A_201 : memref<1x32x2500xi32, #tpu.memory_space<hbm>> -> memref<32x2500xi32, #tpu.memory_space<hbm>>
      %dma_wait3A_203 = arith.constant 0 : i32
      %dma_wait3A_204 = tpu.memref_slice %dma_wait3A_202[%add3A, %dma_wait3A_203] : memref<32x2500xi32, #tpu.memory_space<hbm>> -> memref<1x2500xi32, #tpu.memory_space<hbm>>
      %dma_wait3A_205 = tpu.memref_squeeze %dma_wait3A_204 : memref<1x2500xi32, #tpu.memory_space<hbm>> -> memref<2500xi32, #tpu.memory_space<hbm>>
      tpu.wait_dma2 semaphore(%run_scoped3A_146 : memref<!tpu.dma_semaphore, #tpu.memory_space<semaphore_mem>>) src(%dma_wait3A_205 : memref<2500xi32, #tpu.memory_space<hbm>>) dst(%dma_wait3A_193 : memref<2500xi32, #tpu.memory_space<vmem>>)
      tpu.yield
    }) : () -> ()
    %run_scoped3A_26 = arith.constant 1 : i32
    %run_scoped3A_27 = arith.constant 1 : i32
    %run_scoped3A_28 = arith.constant 1 : i32
    "tpu.region"() ({
      %run_scoped3A_146 = tpu.sem_alloc : memref<!tpu.dma_semaphore, #tpu.memory_space<semaphore_mem>>
      %dma_start3A_147 = arith.constant 0 : i32
      %dma_start3A_148 = tpu.memref_slice %arg9[%run_scoped3A_28, %dma_start3A_147] : memref<4x2500xi32, #tpu.memory_space<vmem>> -> memref<1x2500xi32, #tpu.memory_space<vmem>>
      %dma_start3A_149 = tpu.memref_squeeze %dma_start3A_148 : memref<1x2500xi32, #tpu.memory_space<vmem>> -> memref<2500xi32, #tpu.memory_space<vmem>>
      %dma_start3A_150 = arith.constant 0 : i32
      %dma_start3A_151 = arith.constant 0 : i32
      %dma_start3A_152 = arith.constant 0 : i32
      %dma_start3A_153 = tpu.memref_slice %arg4[%run_scoped3A_26, %dma_start3A_150, %dma_start3A_151, %dma_start3A_152] : memref<2x4x32x2500xi32, #tpu.memory_space<hbm>> -> memref<1x4x32x2500xi32, #tpu.memory_space<hbm>>
      %dma_start3A_154 = tpu.memref_squeeze %dma_start3A_153 : memref<1x4x32x2500xi32, #tpu.memory_space<hbm>> -> memref<4x32x2500xi32, #tpu.memory_space<hbm>>
      %dma_start3A_155 = arith.constant 0 : i32
      %dma_start3A_156 = arith.constant 0 : i32
      %dma_start3A_157 = tpu.memref_slice %dma_start3A_154[%run_scoped3A_27, %dma_start3A_155, %dma_start3A_156] : memref<4x32x2500xi32, #tpu.memory_space<hbm>> -> memref<1x32x2500xi32, #tpu.memory_space<hbm>>
      %dma_start3A_158 = tpu.memref_squeeze %dma_start3A_157 : memref<1x32x2500xi32, #tpu.memory_space<hbm>> -> memref<32x2500xi32, #tpu.memory_space<hbm>>
      %dma_start3A_159 = arith.constant 0 : i32
      %dma_start3A_160 = tpu.memref_slice %dma_start3A_158[%add3A, %dma_start3A_159] : memref<32x2500xi32, #tpu.memory_space<hbm>> -> memref<1x2500xi32, #tpu.memory_space<hbm>>
      %dma_start3A_161 = tpu.memref_squeeze %dma_start3A_160 : memref<1x2500xi32, #tpu.memory_space<hbm>> -> memref<2500xi32, #tpu.memory_space<hbm>>
      %dma_start3A_162 = arith.constant 0 : i32
      %dma_start3A_163 = tpu.memref_slice %arg9[%run_scoped3A_28, %dma_start3A_162] : memref<4x2500xi32, #tpu.memory_space<vmem>> -> memref<1x2500xi32, #tpu.memory_space<vmem>>
      %dma_start3A_164 = tpu.memref_squeeze %dma_start3A_163 : memref<1x2500xi32, #tpu.memory_space<vmem>> -> memref<2500xi32, #tpu.memory_space<vmem>>
      %dma_start3A_165 = arith.constant 0 : i32
      %dma_start3A_166 = arith.constant 0 : i32
      %dma_start3A_167 = arith.constant 0 : i32
      %dma_start3A_168 = tpu.memref_slice %arg4[%run_scoped3A_26, %dma_start3A_165, %dma_start3A_166, %dma_start3A_167] : memref<2x4x32x2500xi32, #tpu.memory_space<hbm>> -> memref<1x4x32x2500xi32, #tpu.memory_space<hbm>>
      %dma_start3A_169 = tpu.memref_squeeze %dma_start3A_168 : memref<1x4x32x2500xi32, #tpu.memory_space<hbm>> -> memref<4x32x2500xi32, #tpu.memory_space<hbm>>
      %dma_start3A_170 = arith.constant 0 : i32
      %dma_start3A_171 = arith.constant 0 : i32
      %dma_start3A_172 = tpu.memref_slice %dma_start3A_169[%run_scoped3A_27, %dma_start3A_170, %dma_start3A_171] : memref<4x32x2500xi32, #tpu.memory_space<hbm>> -> memref<1x32x2500xi32, #tpu.memory_space<hbm>>
      %dma_start3A_173 = tpu.memref_squeeze %dma_start3A_172 : memref<1x32x2500xi32, #tpu.memory_space<hbm>> -> memref<32x2500xi32, #tpu.memory_space<hbm>>
      %dma_start3A_174 = arith.constant 0 : i32
      %dma_start3A_175 = tpu.memref_slice %dma_start3A_173[%add3A, %dma_start3A_174] : memref<32x2500xi32, #tpu.memory_space<hbm>> -> memref<1x2500xi32, #tpu.memory_space<hbm>>
      %dma_start3A_176 = tpu.memref_squeeze %dma_start3A_175 : memref<1x2500xi32, #tpu.memory_space<hbm>> -> memref<2500xi32, #tpu.memory_space<hbm>>
      tpu.enqueue_dma source(%dma_start3A_176 : memref<2500xi32, #tpu.memory_space<hbm>>) target(%dma_start3A_164 : memref<2500xi32, #tpu.memory_space<vmem>>) target_semaphore(%run_scoped3A_146 : memref<!tpu.dma_semaphore, #tpu.memory_space<semaphore_mem>>)
      %dma_wait3A = arith.constant 0 : i32
      %dma_wait3A_177 = tpu.memref_slice %arg9[%run_scoped3A_28, %dma_wait3A] : memref<4x2500xi32, #tpu.memory_space<vmem>> -> memref<1x2500xi32, #tpu.memory_space<vmem>>
      %dma_wait3A_178 = tpu.memref_squeeze %dma_wait3A_177 : memref<1x2500xi32, #tpu.memory_space<vmem>> -> memref<2500xi32, #tpu.memory_space<vmem>>
      %dma_wait3A_179 = arith.constant 0 : i32
      %dma_wait3A_180 = arith.constant 0 : i32
      %dma_wait3A_181 = arith.constant 0 : i32
      %dma_wait3A_182 = tpu.memref_slice %arg4[%run_scoped3A_26, %dma_wait3A_179, %dma_wait3A_180, %dma_wait3A_181] : memref<2x4x32x2500xi32, #tpu.memory_space<hbm>> -> memref<1x4x32x2500xi32, #tpu.memory_space<hbm>>
      %dma_wait3A_183 = tpu.memref_squeeze %dma_wait3A_182 : memref<1x4x32x2500xi32, #tpu.memory_space<hbm>> -> memref<4x32x2500xi32, #tpu.memory_space<hbm>>
      %dma_wait3A_184 = arith.constant 0 : i32
      %dma_wait3A_185 = arith.constant 0 : i32
      %dma_wait3A_186 = tpu.memref_slice %dma_wait3A_183[%run_scoped3A_27, %dma_wait3A_184, %dma_wait3A_185] : memref<4x32x2500xi32, #tpu.memory_space<hbm>> -> memref<1x32x2500xi32, #tpu.memory_space<hbm>>
      %dma_wait3A_187 = tpu.memref_squeeze %dma_wait3A_186 : memref<1x32x2500xi32, #tpu.memory_space<hbm>> -> memref<32x2500xi32, #tpu.memory_space<hbm>>
      %dma_wait3A_188 = arith.constant 0 : i32
      %dma_wait3A_189 = tpu.memref_slice %dma_wait3A_187[%add3A, %dma_wait3A_188] : memref<32x2500xi32, #tpu.memory_space<hbm>> -> memref<1x2500xi32, #tpu.memory_space<hbm>>
      %dma_wait3A_190 = tpu.memref_squeeze %dma_wait3A_189 : memref<1x2500xi32, #tpu.memory_space<hbm>> -> memref<2500xi32, #tpu.memory_space<hbm>>
      %dma_wait3A_191 = arith.constant 0 : i32
      %dma_wait3A_192 = tpu.memref_slice %arg9[%run_scoped3A_28, %dma_wait3A_191] : memref<4x2500xi32, #tpu.memory_space<vmem>> -> memref<1x2500xi32, #tpu.memory_space<vmem>>
      %dma_wait3A_193 = tpu.memref_squeeze %dma_wait3A_192 : memref<1x2500xi32, #tpu.memory_space<vmem>> -> memref<2500xi32, #tpu.memory_space<vmem>>
      %dma_wait3A_194 = arith.constant 0 : i32
      %dma_wait3A_195 = arith.constant 0 : i32
      %dma_wait3A_196 = arith.constant 0 : i32
      %dma_wait3A_197 = tpu.memref_slice %arg4[%run_scoped3A_26, %dma_wait3A_194, %dma_wait3A_195, %dma_wait3A_196] : memref<2x4x32x2500xi32, #tpu.memory_space<hbm>> -> memref<1x4x32x2500xi32, #tpu.memory_space<hbm>>
      %dma_wait3A_198 = tpu.memref_squeeze %dma_wait3A_197 : memref<1x4x32x2500xi32, #tpu.memory_space<hbm>> -> memref<4x32x2500xi32, #tpu.memory_space<hbm>>
      %dma_wait3A_199 = arith.constant 0 : i32
      %dma_wait3A_200 = arith.constant 0 : i32
      %dma_wait3A_201 = tpu.memref_slice %dma_wait3A_198[%run_scoped3A_27, %dma_wait3A_199, %dma_wait3A_200] : memref<4x32x2500xi32, #tpu.memory_space<hbm>> -> memref<1x32x2500xi32, #tpu.memory_space<hbm>>
      %dma_wait3A_202 = tpu.memref_squeeze %dma_wait3A_201 : memref<1x32x2500xi32, #tpu.memory_space<hbm>> -> memref<32x2500xi32, #tpu.memory_space<hbm>>
      %dma_wait3A_203 = arith.constant 0 : i32
      %dma_wait3A_204 = tpu.memref_slice %dma_wait3A_202[%add3A, %dma_wait3A_203] : memref<32x2500xi32, #tpu.memory_space<hbm>> -> memref<1x2500xi32, #tpu.memory_space<hbm>>
      %dma_wait3A_205 = tpu.memref_squeeze %dma_wait3A_204 : memref<1x2500xi32, #tpu.memory_space<hbm>> -> memref<2500xi32, #tpu.memory_space<hbm>>
      tpu.wait_dma2 semaphore(%run_scoped3A_146 : memref<!tpu.dma_semaphore, #tpu.memory_space<semaphore_mem>>) src(%dma_wait3A_205 : memref<2500xi32, #tpu.memory_space<hbm>>) dst(%dma_wait3A_193 : memref<2500xi32, #tpu.memory_space<vmem>>)
      tpu.yield
    }) : () -> ()
    %run_scoped3A_29 = arith.constant 1 : i32
    %run_scoped3A_30 = arith.constant 2 : i32
    %run_scoped3A_31 = arith.constant 2 : i32
    "tpu.region"() ({
      %run_scoped3A_146 = tpu.sem_alloc : memref<!tpu.dma_semaphore, #tpu.memory_space<semaphore_mem>>
      %dma_start3A_147 = arith.constant 0 : i32
      %dma_start3A_148 = tpu.memref_slice %arg9[%run_scoped3A_31, %dma_start3A_147] : memref<4x2500xi32, #tpu.memory_space<vmem>> -> memref<1x2500xi32, #tpu.memory_space<vmem>>
      %dma_start3A_149 = tpu.memref_squeeze %dma_start3A_148 : memref<1x2500xi32, #tpu.memory_space<vmem>> -> memref<2500xi32, #tpu.memory_space<vmem>>
      %dma_start3A_150 = arith.constant 0 : i32
      %dma_start3A_151 = arith.constant 0 : i32
      %dma_start3A_152 = arith.constant 0 : i32
      %dma_start3A_153 = tpu.memref_slice %arg4[%run_scoped3A_29, %dma_start3A_150, %dma_start3A_151, %dma_start3A_152] : memref<2x4x32x2500xi32, #tpu.memory_space<hbm>> -> memref<1x4x32x2500xi32, #tpu.memory_space<hbm>>
      %dma_start3A_154 = tpu.memref_squeeze %dma_start3A_153 : memref<1x4x32x2500xi32, #tpu.memory_space<hbm>> -> memref<4x32x2500xi32, #tpu.memory_space<hbm>>
      %dma_start3A_155 = arith.constant 0 : i32
      %dma_start3A_156 = arith.constant 0 : i32
      %dma_start3A_157 = tpu.memref_slice %dma_start3A_154[%run_scoped3A_30, %dma_start3A_155, %dma_start3A_156] : memref<4x32x2500xi32, #tpu.memory_space<hbm>> -> memref<1x32x2500xi32, #tpu.memory_space<hbm>>
      %dma_start3A_158 = tpu.memref_squeeze %dma_start3A_157 : memref<1x32x2500xi32, #tpu.memory_space<hbm>> -> memref<32x2500xi32, #tpu.memory_space<hbm>>
      %dma_start3A_159 = arith.constant 0 : i32
      %dma_start3A_160 = tpu.memref_slice %dma_start3A_158[%add3A, %dma_start3A_159] : memref<32x2500xi32, #tpu.memory_space<hbm>> -> memref<1x2500xi32, #tpu.memory_space<hbm>>
      %dma_start3A_161 = tpu.memref_squeeze %dma_start3A_160 : memref<1x2500xi32, #tpu.memory_space<hbm>> -> memref<2500xi32, #tpu.memory_space<hbm>>
      %dma_start3A_162 = arith.constant 0 : i32
      %dma_start3A_163 = tpu.memref_slice %arg9[%run_scoped3A_31, %dma_start3A_162] : memref<4x2500xi32, #tpu.memory_space<vmem>> -> memref<1x2500xi32, #tpu.memory_space<vmem>>
      %dma_start3A_164 = tpu.memref_squeeze %dma_start3A_163 : memref<1x2500xi32, #tpu.memory_space<vmem>> -> memref<2500xi32, #tpu.memory_space<vmem>>
      %dma_start3A_165 = arith.constant 0 : i32
      %dma_start3A_166 = arith.constant 0 : i32
      %dma_start3A_167 = arith.constant 0 : i32
      %dma_start3A_168 = tpu.memref_slice %arg4[%run_scoped3A_29, %dma_start3A_165, %dma_start3A_166, %dma_start3A_167] : memref<2x4x32x2500xi32, #tpu.memory_space<hbm>> -> memref<1x4x32x2500xi32, #tpu.memory_space<hbm>>
      %dma_start3A_169 = tpu.memref_squeeze %dma_start3A_168 : memref<1x4x32x2500xi32, #tpu.memory_space<hbm>> -> memref<4x32x2500xi32, #tpu.memory_space<hbm>>
      %dma_start3A_170 = arith.constant 0 : i32
      %dma_start3A_171 = arith.constant 0 : i32
      %dma_start3A_172 = tpu.memref_slice %dma_start3A_169[%run_scoped3A_30, %dma_start3A_170, %dma_start3A_171] : memref<4x32x2500xi32, #tpu.memory_space<hbm>> -> memref<1x32x2500xi32, #tpu.memory_space<hbm>>
      %dma_start3A_173 = tpu.memref_squeeze %dma_start3A_172 : memref<1x32x2500xi32, #tpu.memory_space<hbm>> -> memref<32x2500xi32, #tpu.memory_space<hbm>>
      %dma_start3A_174 = arith.constant 0 : i32
      %dma_start3A_175 = tpu.memref_slice %dma_start3A_173[%add3A, %dma_start3A_174] : memref<32x2500xi32, #tpu.memory_space<hbm>> -> memref<1x2500xi32, #tpu.memory_space<hbm>>
      %dma_start3A_176 = tpu.memref_squeeze %dma_start3A_175 : memref<1x2500xi32, #tpu.memory_space<hbm>> -> memref<2500xi32, #tpu.memory_space<hbm>>
      tpu.enqueue_dma source(%dma_start3A_176 : memref<2500xi32, #tpu.memory_space<hbm>>) target(%dma_start3A_164 : memref<2500xi32, #tpu.memory_space<vmem>>) target_semaphore(%run_scoped3A_146 : memref<!tpu.dma_semaphore, #tpu.memory_space<semaphore_mem>>)
      %dma_wait3A = arith.constant 0 : i32
      %dma_wait3A_177 = tpu.memref_slice %arg9[%run_scoped3A_31, %dma_wait3A] : memref<4x2500xi32, #tpu.memory_space<vmem>> -> memref<1x2500xi32, #tpu.memory_space<vmem>>
      %dma_wait3A_178 = tpu.memref_squeeze %dma_wait3A_177 : memref<1x2500xi32, #tpu.memory_space<vmem>> -> memref<2500xi32, #tpu.memory_space<vmem>>
      %dma_wait3A_179 = arith.constant 0 : i32
      %dma_wait3A_180 = arith.constant 0 : i32
      %dma_wait3A_181 = arith.constant 0 : i32
      %dma_wait3A_182 = tpu.memref_slice %arg4[%run_scoped3A_29, %dma_wait3A_179, %dma_wait3A_180, %dma_wait3A_181] : memref<2x4x32x2500xi32, #tpu.memory_space<hbm>> -> memref<1x4x32x2500xi32, #tpu.memory_space<hbm>>
      %dma_wait3A_183 = tpu.memref_squeeze %dma_wait3A_182 : memref<1x4x32x2500xi32, #tpu.memory_space<hbm>> -> memref<4x32x2500xi32, #tpu.memory_space<hbm>>
      %dma_wait3A_184 = arith.constant 0 : i32
      %dma_wait3A_185 = arith.constant 0 : i32
      %dma_wait3A_186 = tpu.memref_slice %dma_wait3A_183[%run_scoped3A_30, %dma_wait3A_184, %dma_wait3A_185] : memref<4x32x2500xi32, #tpu.memory_space<hbm>> -> memref<1x32x2500xi32, #tpu.memory_space<hbm>>
      %dma_wait3A_187 = tpu.memref_squeeze %dma_wait3A_186 : memref<1x32x2500xi32, #tpu.memory_space<hbm>> -> memref<32x2500xi32, #tpu.memory_space<hbm>>
      %dma_wait3A_188 = arith.constant 0 : i32
      %dma_wait3A_189 = tpu.memref_slice %dma_wait3A_187[%add3A, %dma_wait3A_188] : memref<32x2500xi32, #tpu.memory_space<hbm>> -> memref<1x2500xi32, #tpu.memory_space<hbm>>
      %dma_wait3A_190 = tpu.memref_squeeze %dma_wait3A_189 : memref<1x2500xi32, #tpu.memory_space<hbm>> -> memref<2500xi32, #tpu.memory_space<hbm>>
      %dma_wait3A_191 = arith.constant 0 : i32
      %dma_wait3A_192 = tpu.memref_slice %arg9[%run_scoped3A_31, %dma_wait3A_191] : memref<4x2500xi32, #tpu.memory_space<vmem>> -> memref<1x2500xi32, #tpu.memory_space<vmem>>
      %dma_wait3A_193 = tpu.memref_squeeze %dma_wait3A_192 : memref<1x2500xi32, #tpu.memory_space<vmem>> -> memref<2500xi32, #tpu.memory_space<vmem>>
      %dma_wait3A_194 = arith.constant 0 : i32
      %dma_wait3A_195 = arith.constant 0 : i32
      %dma_wait3A_196 = arith.constant 0 : i32
      %dma_wait3A_197 = tpu.memref_slice %arg4[%run_scoped3A_29, %dma_wait3A_194, %dma_wait3A_195, %dma_wait3A_196] : memref<2x4x32x2500xi32, #tpu.memory_space<hbm>> -> memref<1x4x32x2500xi32, #tpu.memory_space<hbm>>
      %dma_wait3A_198 = tpu.memref_squeeze %dma_wait3A_197 : memref<1x4x32x2500xi32, #tpu.memory_space<hbm>> -> memref<4x32x2500xi32, #tpu.memory_space<hbm>>
      %dma_wait3A_199 = arith.constant 0 : i32
      %dma_wait3A_200 = arith.constant 0 : i32
      %dma_wait3A_201 = tpu.memref_slice %dma_wait3A_198[%run_scoped3A_30, %dma_wait3A_199, %dma_wait3A_200] : memref<4x32x2500xi32, #tpu.memory_space<hbm>> -> memref<1x32x2500xi32, #tpu.memory_space<hbm>>
      %dma_wait3A_202 = tpu.memref_squeeze %dma_wait3A_201 : memref<1x32x2500xi32, #tpu.memory_space<hbm>> -> memref<32x2500xi32, #tpu.memory_space<hbm>>
      %dma_wait3A_203 = arith.constant 0 : i32
      %dma_wait3A_204 = tpu.memref_slice %dma_wait3A_202[%add3A, %dma_wait3A_203] : memref<32x2500xi32, #tpu.memory_space<hbm>> -> memref<1x2500xi32, #tpu.memory_space<hbm>>
      %dma_wait3A_205 = tpu.memref_squeeze %dma_wait3A_204 : memref<1x2500xi32, #tpu.memory_space<hbm>> -> memref<2500xi32, #tpu.memory_space<hbm>>
      tpu.wait_dma2 semaphore(%run_scoped3A_146 : memref<!tpu.dma_semaphore, #tpu.memory_space<semaphore_mem>>) src(%dma_wait3A_205 : memref<2500xi32, #tpu.memory_space<hbm>>) dst(%dma_wait3A_193 : memref<2500xi32, #tpu.memory_space<vmem>>)
      tpu.yield
    }) : () -> ()
    %run_scoped3A_32 = arith.constant 1 : i32
    %run_scoped3A_33 = arith.constant 3 : i32
    %run_scoped3A_34 = arith.constant 3 : i32
    "tpu.region"() ({
      %run_scoped3A_146 = tpu.sem_alloc : memref<!tpu.dma_semaphore, #tpu.memory_space<semaphore_mem>>
      %dma_start3A_147 = arith.constant 0 : i32
      %dma_start3A_148 = tpu.memref_slice %arg9[%run_scoped3A_34, %dma_start3A_147] : memref<4x2500xi32, #tpu.memory_space<vmem>> -> memref<1x2500xi32, #tpu.memory_space<vmem>>
      %dma_start3A_149 = tpu.memref_squeeze %dma_start3A_148 : memref<1x2500xi32, #tpu.memory_space<vmem>> -> memref<2500xi32, #tpu.memory_space<vmem>>
      %dma_start3A_150 = arith.constant 0 : i32
      %dma_start3A_151 = arith.constant 0 : i32
      %dma_start3A_152 = arith.constant 0 : i32
      %dma_start3A_153 = tpu.memref_slice %arg4[%run_scoped3A_32, %dma_start3A_150, %dma_start3A_151, %dma_start3A_152] : memref<2x4x32x2500xi32, #tpu.memory_space<hbm>> -> memref<1x4x32x2500xi32, #tpu.memory_space<hbm>>
      %dma_start3A_154 = tpu.memref_squeeze %dma_start3A_153 : memref<1x4x32x2500xi32, #tpu.memory_space<hbm>> -> memref<4x32x2500xi32, #tpu.memory_space<hbm>>
      %dma_start3A_155 = arith.constant 0 : i32
      %dma_start3A_156 = arith.constant 0 : i32
      %dma_start3A_157 = tpu.memref_slice %dma_start3A_154[%run_scoped3A_33, %dma_start3A_155, %dma_start3A_156] : memref<4x32x2500xi32, #tpu.memory_space<hbm>> -> memref<1x32x2500xi32, #tpu.memory_space<hbm>>
      %dma_start3A_158 = tpu.memref_squeeze %dma_start3A_157 : memref<1x32x2500xi32, #tpu.memory_space<hbm>> -> memref<32x2500xi32, #tpu.memory_space<hbm>>
      %dma_start3A_159 = arith.constant 0 : i32
      %dma_start3A_160 = tpu.memref_slice %dma_start3A_158[%add3A, %dma_start3A_159] : memref<32x2500xi32, #tpu.memory_space<hbm>> -> memref<1x2500xi32, #tpu.memory_space<hbm>>
      %dma_start3A_161 = tpu.memref_squeeze %dma_start3A_160 : memref<1x2500xi32, #tpu.memory_space<hbm>> -> memref<2500xi32, #tpu.memory_space<hbm>>
      %dma_start3A_162 = arith.constant 0 : i32
      %dma_start3A_163 = tpu.memref_slice %arg9[%run_scoped3A_34, %dma_start3A_162] : memref<4x2500xi32, #tpu.memory_space<vmem>> -> memref<1x2500xi32, #tpu.memory_space<vmem>>
      %dma_start3A_164 = tpu.memref_squeeze %dma_start3A_163 : memref<1x2500xi32, #tpu.memory_space<vmem>> -> memref<2500xi32, #tpu.memory_space<vmem>>
      %dma_start3A_165 = arith.constant 0 : i32
      %dma_start3A_166 = arith.constant 0 : i32
      %dma_start3A_167 = arith.constant 0 : i32
      %dma_start3A_168 = tpu.memref_slice %arg4[%run_scoped3A_32, %dma_start3A_165, %dma_start3A_166, %dma_start3A_167] : memref<2x4x32x2500xi32, #tpu.memory_space<hbm>> -> memref<1x4x32x2500xi32, #tpu.memory_space<hbm>>
      %dma_start3A_169 = tpu.memref_squeeze %dma_start3A_168 : memref<1x4x32x2500xi32, #tpu.memory_space<hbm>> -> memref<4x32x2500xi32, #tpu.memory_space<hbm>>
      %dma_start3A_170 = arith.constant 0 : i32
      %dma_start3A_171 = arith.constant 0 : i32
      %dma_start3A_172 = tpu.memref_slice %dma_start3A_169[%run_scoped3A_33, %dma_start3A_170, %dma_start3A_171] : memref<4x32x2500xi32, #tpu.memory_space<hbm>> -> memref<1x32x2500xi32, #tpu.memory_space<hbm>>
      %dma_start3A_173 = tpu.memref_squeeze %dma_start3A_172 : memref<1x32x2500xi32, #tpu.memory_space<hbm>> -> memref<32x2500xi32, #tpu.memory_space<hbm>>
      %dma_start3A_174 = arith.constant 0 : i32
      %dma_start3A_175 = tpu.memref_slice %dma_start3A_173[%add3A, %dma_start3A_174] : memref<32x2500xi32, #tpu.memory_space<hbm>> -> memref<1x2500xi32, #tpu.memory_space<hbm>>
      %dma_start3A_176 = tpu.memref_squeeze %dma_start3A_175 : memref<1x2500xi32, #tpu.memory_space<hbm>> -> memref<2500xi32, #tpu.memory_space<hbm>>
      tpu.enqueue_dma source(%dma_start3A_176 : memref<2500xi32, #tpu.memory_space<hbm>>) target(%dma_start3A_164 : memref<2500xi32, #tpu.memory_space<vmem>>) target_semaphore(%run_scoped3A_146 : memref<!tpu.dma_semaphore, #tpu.memory_space<semaphore_mem>>)
      %dma_wait3A = arith.constant 0 : i32
      %dma_wait3A_177 = tpu.memref_slice %arg9[%run_scoped3A_34, %dma_wait3A] : memref<4x2500xi32, #tpu.memory_space<vmem>> -> memref<1x2500xi32, #tpu.memory_space<vmem>>
      %dma_wait3A_178 = tpu.memref_squeeze %dma_wait3A_177 : memref<1x2500xi32, #tpu.memory_space<vmem>> -> memref<2500xi32, #tpu.memory_space<vmem>>
      %dma_wait3A_179 = arith.constant 0 : i32
      %dma_wait3A_180 = arith.constant 0 : i32
      %dma_wait3A_181 = arith.constant 0 : i32
      %dma_wait3A_182 = tpu.memref_slice %arg4[%run_scoped3A_32, %dma_wait3A_179, %dma_wait3A_180, %dma_wait3A_181] : memref<2x4x32x2500xi32, #tpu.memory_space<hbm>> -> memref<1x4x32x2500xi32, #tpu.memory_space<hbm>>
      %dma_wait3A_183 = tpu.memref_squeeze %dma_wait3A_182 : memref<1x4x32x2500xi32, #tpu.memory_space<hbm>> -> memref<4x32x2500xi32, #tpu.memory_space<hbm>>
      %dma_wait3A_184 = arith.constant 0 : i32
      %dma_wait3A_185 = arith.constant 0 : i32
      %dma_wait3A_186 = tpu.memref_slice %dma_wait3A_183[%run_scoped3A_33, %dma_wait3A_184, %dma_wait3A_185] : memref<4x32x2500xi32, #tpu.memory_space<hbm>> -> memref<1x32x2500xi32, #tpu.memory_space<hbm>>
      %dma_wait3A_187 = tpu.memref_squeeze %dma_wait3A_186 : memref<1x32x2500xi32, #tpu.memory_space<hbm>> -> memref<32x2500xi32, #tpu.memory_space<hbm>>
      %dma_wait3A_188 = arith.constant 0 : i32
      %dma_wait3A_189 = tpu.memref_slice %dma_wait3A_187[%add3A, %dma_wait3A_188] : memref<32x2500xi32, #tpu.memory_space<hbm>> -> memref<1x2500xi32, #tpu.memory_space<hbm>>
      %dma_wait3A_190 = tpu.memref_squeeze %dma_wait3A_189 : memref<1x2500xi32, #tpu.memory_space<hbm>> -> memref<2500xi32, #tpu.memory_space<hbm>>
      %dma_wait3A_191 = arith.constant 0 : i32
      %dma_wait3A_192 = tpu.memref_slice %arg9[%run_scoped3A_34, %dma_wait3A_191] : memref<4x2500xi32, #tpu.memory_space<vmem>> -> memref<1x2500xi32, #tpu.memory_space<vmem>>
      %dma_wait3A_193 = tpu.memref_squeeze %dma_wait3A_192 : memref<1x2500xi32, #tpu.memory_space<vmem>> -> memref<2500xi32, #tpu.memory_space<vmem>>
      %dma_wait3A_194 = arith.constant 0 : i32
      %dma_wait3A_195 = arith.constant 0 : i32
      %dma_wait3A_196 = arith.constant 0 : i32
      %dma_wait3A_197 = tpu.memref_slice %arg4[%run_scoped3A_32, %dma_wait3A_194, %dma_wait3A_195, %dma_wait3A_196] : memref<2x4x32x2500xi32, #tpu.memory_space<hbm>> -> memref<1x4x32x2500xi32, #tpu.memory_space<hbm>>
      %dma_wait3A_198 = tpu.memref_squeeze %dma_wait3A_197 : memref<1x4x32x2500xi32, #tpu.memory_space<hbm>> -> memref<4x32x2500xi32, #tpu.memory_space<hbm>>
      %dma_wait3A_199 = arith.constant 0 : i32
      %dma_wait3A_200 = arith.constant 0 : i32
      %dma_wait3A_201 = tpu.memref_slice %dma_wait3A_198[%run_scoped3A_33, %dma_wait3A_199, %dma_wait3A_200] : memref<4x32x2500xi32, #tpu.memory_space<hbm>> -> memref<1x32x2500xi32, #tpu.memory_space<hbm>>
      %dma_wait3A_202 = tpu.memref_squeeze %dma_wait3A_201 : memref<1x32x2500xi32, #tpu.memory_space<hbm>> -> memref<32x2500xi32, #tpu.memory_space<hbm>>
      %dma_wait3A_203 = arith.constant 0 : i32
      %dma_wait3A_204 = tpu.memref_slice %dma_wait3A_202[%add3A, %dma_wait3A_203] : memref<32x2500xi32, #tpu.memory_space<hbm>> -> memref<1x2500xi32, #tpu.memory_space<hbm>>
      %dma_wait3A_205 = tpu.memref_squeeze %dma_wait3A_204 : memref<1x2500xi32, #tpu.memory_space<hbm>> -> memref<2500xi32, #tpu.memory_space<hbm>>
      tpu.wait_dma2 semaphore(%run_scoped3A_146 : memref<!tpu.dma_semaphore, #tpu.memory_space<semaphore_mem>>) src(%dma_wait3A_205 : memref<2500xi32, #tpu.memory_space<hbm>>) dst(%dma_wait3A_193 : memref<2500xi32, #tpu.memory_space<vmem>>)
      tpu.yield
    }) : () -> ()
    %scan3A_35 = arith.constant 0 : i32
    %scan3A_36 = arith.constant 0 : i32
    %scan3A_37 = arith.constant 125 : i32
    %scan3A_38 = arith.addi %scan3A_36, %scan3A_37 : i32
    %scan3A_39 = arith.constant 1 : i32
    scf.for %scan3A_146 = %scan3A_36 to %scan3A_38 step %scan3A_39  : i32 {
      %mul3A_147 = arith.constant 20 : i32
      %mul3A_148 = arith.muli %scan3A_146, %mul3A_147 : i32
      %add3A_149 = arith.constant 0 : i32
      %add3A_150 = arith.addi %mul3A_148, %add3A_149 : i32
      %add3A_151 = vector.broadcast %add3A_150 : i32 to vector<16xi32>
      %add3A_152 = arith.addi %add3A_151, %shift_right_arithmetic3A_6 : vector<16xi32>
      %gather3A = tpu.vector_load_idx %arg9[%and3A_4, %add3A_152] : memref<4x2500xi32, #tpu.memory_space<vmem>>[vector<16xi32>, vector<16xi32>], vector<16xi32>,
      %swap3A = arith.index_cast %scan3A_146 : i32 to index
      %swap3A_153 = arith.constant 0 : index
      %swap3A_154 = tpu.vector_load %arg8[%swap3A, %swap3A_153] {strides = array<i32>} : memref<125x80xi32, #tpu.memory_space<vmem>>, vector<16xi32>,
      tpu.vector_store %arg8[%swap3A, %swap3A_153], %gather3A {strides = array<i32>} : memref<125x80xi32, #tpu.memory_space<vmem>>, vector<16xi32>,
      %mul3A_155 = arith.constant 20 : i32
      %mul3A_156 = arith.muli %scan3A_146, %mul3A_155 : i32
      %add3A_157 = arith.constant 4 : i32
      %add3A_158 = arith.addi %mul3A_156, %add3A_157 : i32
      %add3A_159 = vector.broadcast %add3A_158 : i32 to vector<16xi32>
      %add3A_160 = arith.addi %add3A_159, %shift_right_arithmetic3A_6 : vector<16xi32>
      %gather3A_161 = tpu.vector_load_idx %arg9[%and3A_4, %add3A_160] : memref<4x2500xi32, #tpu.memory_space<vmem>>[vector<16xi32>, vector<16xi32>], vector<16xi32>,
      %swap3A_162 = arith.index_cast %scan3A_146 : i32 to index
      %swap3A_163 = arith.constant 16 : index
      %swap3A_164 = tpu.vector_load %arg8[%swap3A_162, %swap3A_163] {strides = array<i32>} : memref<125x80xi32, #tpu.memory_space<vmem>>, vector<16xi32>,
      tpu.vector_store %arg8[%swap3A_162, %swap3A_163], %gather3A_161 {strides = array<i32>} : memref<125x80xi32, #tpu.memory_space<vmem>>, vector<16xi32>,
      %mul3A_165 = arith.constant 20 : i32
      %mul3A_166 = arith.muli %scan3A_146, %mul3A_165 : i32
      %add3A_167 = arith.constant 8 : i32
      %add3A_168 = arith.addi %mul3A_166, %add3A_167 : i32
      %add3A_169 = vector.broadcast %add3A_168 : i32 to vector<16xi32>
      %add3A_170 = arith.addi %add3A_169, %shift_right_arithmetic3A_6 : vector<16xi32>
      %gather3A_171 = tpu.vector_load_idx %arg9[%and3A_4, %add3A_170] : memref<4x2500xi32, #tpu.memory_space<vmem>>[vector<16xi32>, vector<16xi32>], vector<16xi32>,
      %swap3A_172 = arith.index_cast %scan3A_146 : i32 to index
      %swap3A_173 = arith.constant 32 : index
      %swap3A_174 = tpu.vector_load %arg8[%swap3A_172, %swap3A_173] {strides = array<i32>} : memref<125x80xi32, #tpu.memory_space<vmem>>, vector<16xi32>,
      tpu.vector_store %arg8[%swap3A_172, %swap3A_173], %gather3A_171 {strides = array<i32>} : memref<125x80xi32, #tpu.memory_space<vmem>>, vector<16xi32>,
      %mul3A_175 = arith.constant 20 : i32
      %mul3A_176 = arith.muli %scan3A_146, %mul3A_175 : i32
      %add3A_177 = arith.constant 12 : i32
      %add3A_178 = arith.addi %mul3A_176, %add3A_177 : i32
      %add3A_179 = vector.broadcast %add3A_178 : i32 to vector<16xi32>
      %add3A_180 = arith.addi %add3A_179, %shift_right_arithmetic3A_6 : vector<16xi32>
      %gather3A_181 = tpu.vector_load_idx %arg9[%and3A_4, %add3A_180] : memref<4x2500xi32, #tpu.memory_space<vmem>>[vector<16xi32>, vector<16xi32>], vector<16xi32>,
      %swap3A_182 = arith.index_cast %scan3A_146 : i32 to index
      %swap3A_183 = arith.constant 48 : index
      %swap3A_184 = tpu.vector_load %arg8[%swap3A_182, %swap3A_183] {strides = array<i32>} : memref<125x80xi32, #tpu.memory_space<vmem>>, vector<16xi32>,
      tpu.vector_store %arg8[%swap3A_182, %swap3A_183], %gather3A_181 {strides = array<i32>} : memref<125x80xi32, #tpu.memory_space<vmem>>, vector<16xi32>,
      %mul3A_185 = arith.constant 20 : i32
      %mul3A_186 = arith.muli %scan3A_146, %mul3A_185 : i32
      %add3A_187 = arith.constant 16 : i32
      %add3A_188 = arith.addi %mul3A_186, %add3A_187 : i32
      %add3A_189 = vector.broadcast %add3A_188 : i32 to vector<16xi32>
      %add3A_190 = arith.addi %add3A_189, %shift_right_arithmetic3A_6 : vector<16xi32>
      %gather3A_191 = tpu.vector_load_idx %arg9[%and3A_4, %add3A_190] : memref<4x2500xi32, #tpu.memory_space<vmem>>[vector<16xi32>, vector<16xi32>], vector<16xi32>,
      %swap3A_192 = arith.index_cast %scan3A_146 : i32 to index
      %swap3A_193 = arith.constant 64 : index
      %swap3A_194 = tpu.vector_load %arg8[%swap3A_192, %swap3A_193] {strides = array<i32>} : memref<125x80xi32, #tpu.memory_space<vmem>>, vector<16xi32>,
      tpu.vector_store %arg8[%swap3A_192, %swap3A_193], %gather3A_191 {strides = array<i32>} : memref<125x80xi32, #tpu.memory_space<vmem>>, vector<16xi32>,
    }
    %scan3A_40 = arith.constant 125 : i32
    %dma_start3A = arith.constant 0 : i32
    %dma_start3A_41 = arith.constant 0 : i32
    %dma_start3A_42 = arith.constant 0 : i32
    %dma_start3A_43 = tpu.memref_slice %arg10[%dma_start3A_41, %dma_start3A_42] : memref<400x32xi32, #tpu.memory_space<vmem>> -> memref<80x32xi32, #tpu.memory_space<vmem>>
    %dma_start3A_44 = arith.constant 0 : i32
    %dma_start3A_45 = tpu.memref_slice %arg7[%dma_start3A, %dma_start3A_44] : memref<125x80xi32, #tpu.memory_space<vmem>> -> memref<1x80xi32, #tpu.memory_space<vmem>>
    %dma_start3A_46 = tpu.memref_squeeze %dma_start3A_45 : memref<1x80xi32, #tpu.memory_space<vmem>> -> memref<80xi32, #tpu.memory_space<vmem>>
    %dma_start3A_47 = arith.constant 0 : i32
    %dma_start3A_48 = arith.constant 0 : i32
    %dma_start3A_49 = tpu.memref_slice %arg2[%dma_start3A_47, %dma_start3A_48] : memref<10000x32xi32, #tpu.memory_space<hbm>> -> memref<10000x32xi32, #tpu.memory_space<hbm>>
    tpu.enqueue_indirect_dma source(%dma_start3A_49 : memref<10000x32xi32, #tpu.memory_space<hbm>>) target(%dma_start3A_43 : memref<80x32xi32, #tpu.memory_space<vmem>>) offsets(%dma_start3A_46 : memref<80xi32, #tpu.memory_space<vmem>>) semaphore(%arg14 : memref<!tpu.dma_semaphore, #tpu.memory_space<semaphore_mem>>)
    %dma_start3A_50 = arith.constant 0 : i32
    %dma_start3A_51 = arith.constant 0 : i32
    %dma_start3A_52 = arith.constant 0 : i32
    %dma_start3A_53 = tpu.memref_slice %arg11[%dma_start3A_51, %dma_start3A_52] : memref<400x32xi32, #tpu.memory_space<vmem>> -> memref<80x32xi32, #tpu.memory_space<vmem>>
    %dma_start3A_54 = arith.constant 0 : i32
    %dma_start3A_55 = tpu.memref_slice %arg8[%dma_start3A_50, %dma_start3A_54] : memref<125x80xi32, #tpu.memory_space<vmem>> -> memref<1x80xi32, #tpu.memory_space<vmem>>
    %dma_start3A_56 = tpu.memref_squeeze %dma_start3A_55 : memref<1x80xi32, #tpu.memory_space<vmem>> -> memref<80xi32, #tpu.memory_space<vmem>>
    %dma_start3A_57 = arith.constant 0 : i32
    %dma_start3A_58 = arith.constant 0 : i32
    %dma_start3A_59 = tpu.memref_slice %arg3[%dma_start3A_57, %dma_start3A_58] : memref<10000x32xi32, #tpu.memory_space<hbm>> -> memref<10000x32xi32, #tpu.memory_space<hbm>>
    tpu.enqueue_indirect_dma source(%dma_start3A_59 : memref<10000x32xi32, #tpu.memory_space<hbm>>) target(%dma_start3A_53 : memref<80x32xi32, #tpu.memory_space<vmem>>) offsets(%dma_start3A_56 : memref<80xi32, #tpu.memory_space<vmem>>) semaphore(%arg15 : memref<!tpu.dma_semaphore, #tpu.memory_space<semaphore_mem>>)
    %dma_start3A_60 = arith.constant 1 : i32
    %dma_start3A_61 = arith.constant 80 : i32
    %dma_start3A_62 = arith.constant 0 : i32
    %dma_start3A_63 = tpu.memref_slice %arg10[%dma_start3A_61, %dma_start3A_62] : memref<400x32xi32, #tpu.memory_space<vmem>> -> memref<80x32xi32, #tpu.memory_space<vmem>>
    %dma_start3A_64 = arith.constant 0 : i32
    %dma_start3A_65 = tpu.memref_slice %arg7[%dma_start3A_60, %dma_start3A_64] : memref<125x80xi32, #tpu.memory_space<vmem>> -> memref<1x80xi32, #tpu.memory_space<vmem>>
    %dma_start3A_66 = tpu.memref_squeeze %dma_start3A_65 : memref<1x80xi32, #tpu.memory_space<vmem>> -> memref<80xi32, #tpu.memory_space<vmem>>
    %dma_start3A_67 = arith.constant 0 : i32
    %dma_start3A_68 = arith.constant 0 : i32
    %dma_start3A_69 = tpu.memref_slice %arg2[%dma_start3A_67, %dma_start3A_68] : memref<10000x32xi32, #tpu.memory_space<hbm>> -> memref<10000x32xi32, #tpu.memory_space<hbm>>
    tpu.enqueue_indirect_dma source(%dma_start3A_69 : memref<10000x32xi32, #tpu.memory_space<hbm>>) target(%dma_start3A_63 : memref<80x32xi32, #tpu.memory_space<vmem>>) offsets(%dma_start3A_66 : memref<80xi32, #tpu.memory_space<vmem>>) semaphore(%arg14 : memref<!tpu.dma_semaphore, #tpu.memory_space<semaphore_mem>>)
    %dma_start3A_70 = arith.constant 1 : i32
    %dma_start3A_71 = arith.constant 80 : i32
    %dma_start3A_72 = arith.constant 0 : i32
    %dma_start3A_73 = tpu.memref_slice %arg11[%dma_start3A_71, %dma_start3A_72] : memref<400x32xi32, #tpu.memory_space<vmem>> -> memref<80x32xi32, #tpu.memory_space<vmem>>
    %dma_start3A_74 = arith.constant 0 : i32
    %dma_start3A_75 = tpu.memref_slice %arg8[%dma_start3A_70, %dma_start3A_74] : memref<125x80xi32, #tpu.memory_space<vmem>> -> memref<1x80xi32, #tpu.memory_space<vmem>>
    %dma_start3A_76 = tpu.memref_squeeze %dma_start3A_75 : memref<1x80xi32, #tpu.memory_space<vmem>> -> memref<80xi32, #tpu.memory_space<vmem>>
    %dma_start3A_77 = arith.constant 0 : i32
    %dma_start3A_78 = arith.constant 0 : i32
    %dma_start3A_79 = tpu.memref_slice %arg3[%dma_start3A_77, %dma_start3A_78] : memref<10000x32xi32, #tpu.memory_space<hbm>> -> memref<10000x32xi32, #tpu.memory_space<hbm>>
    tpu.enqueue_indirect_dma source(%dma_start3A_79 : memref<10000x32xi32, #tpu.memory_space<hbm>>) target(%dma_start3A_73 : memref<80x32xi32, #tpu.memory_space<vmem>>) offsets(%dma_start3A_76 : memref<80xi32, #tpu.memory_space<vmem>>) semaphore(%arg15 : memref<!tpu.dma_semaphore, #tpu.memory_space<semaphore_mem>>)
    %dma_start3A_80 = arith.constant 2 : i32
    %dma_start3A_81 = arith.constant 160 : i32
    %dma_start3A_82 = arith.constant 0 : i32
    %dma_start3A_83 = tpu.memref_slice %arg10[%dma_start3A_81, %dma_start3A_82] : memref<400x32xi32, #tpu.memory_space<vmem>> -> memref<80x32xi32, #tpu.memory_space<vmem>>
    %dma_start3A_84 = arith.constant 0 : i32
    %dma_start3A_85 = tpu.memref_slice %arg7[%dma_start3A_80, %dma_start3A_84] : memref<125x80xi32, #tpu.memory_space<vmem>> -> memref<1x80xi32, #tpu.memory_space<vmem>>
    %dma_start3A_86 = tpu.memref_squeeze %dma_start3A_85 : memref<1x80xi32, #tpu.memory_space<vmem>> -> memref<80xi32, #tpu.memory_space<vmem>>
    %dma_start3A_87 = arith.constant 0 : i32
    %dma_start3A_88 = arith.constant 0 : i32
    %dma_start3A_89 = tpu.memref_slice %arg2[%dma_start3A_87, %dma_start3A_88] : memref<10000x32xi32, #tpu.memory_space<hbm>> -> memref<10000x32xi32, #tpu.memory_space<hbm>>
    tpu.enqueue_indirect_dma source(%dma_start3A_89 : memref<10000x32xi32, #tpu.memory_space<hbm>>) target(%dma_start3A_83 : memref<80x32xi32, #tpu.memory_space<vmem>>) offsets(%dma_start3A_86 : memref<80xi32, #tpu.memory_space<vmem>>) semaphore(%arg14 : memref<!tpu.dma_semaphore, #tpu.memory_space<semaphore_mem>>)
    %dma_start3A_90 = arith.constant 2 : i32
    %dma_start3A_91 = arith.constant 160 : i32
    %dma_start3A_92 = arith.constant 0 : i32
    %dma_start3A_93 = tpu.memref_slice %arg11[%dma_start3A_91, %dma_start3A_92] : memref<400x32xi32, #tpu.memory_space<vmem>> -> memref<80x32xi32, #tpu.memory_space<vmem>>
    %dma_start3A_94 = arith.constant 0 : i32
    %dma_start3A_95 = tpu.memref_slice %arg8[%dma_start3A_90, %dma_start3A_94] : memref<125x80xi32, #tpu.memory_space<vmem>> -> memref<1x80xi32, #tpu.memory_space<vmem>>
    %dma_start3A_96 = tpu.memref_squeeze %dma_start3A_95 : memref<1x80xi32, #tpu.memory_space<vmem>> -> memref<80xi32, #tpu.memory_space<vmem>>
    %dma_start3A_97 = arith.constant 0 : i32
    %dma_start3A_98 = arith.constant 0 : i32
    %dma_start3A_99 = tpu.memref_slice %arg3[%dma_start3A_97, %dma_start3A_98] : memref<10000x32xi32, #tpu.memory_space<hbm>> -> memref<10000x32xi32, #tpu.memory_space<hbm>>
    tpu.enqueue_indirect_dma source(%dma_start3A_99 : memref<10000x32xi32, #tpu.memory_space<hbm>>) target(%dma_start3A_93 : memref<80x32xi32, #tpu.memory_space<vmem>>) offsets(%dma_start3A_96 : memref<80xi32, #tpu.memory_space<vmem>>) semaphore(%arg15 : memref<!tpu.dma_semaphore, #tpu.memory_space<semaphore_mem>>)
    %dma_start3A_100 = arith.constant 3 : i32
    %dma_start3A_101 = arith.constant 240 : i32
    %dma_start3A_102 = arith.constant 0 : i32
    %dma_start3A_103 = tpu.memref_slice %arg10[%dma_start3A_101, %dma_start3A_102] : memref<400x32xi32, #tpu.memory_space<vmem>> -> memref<80x32xi32, #tpu.memory_space<vmem>>
    %dma_start3A_104 = arith.constant 0 : i32
    %dma_start3A_105 = tpu.memref_slice %arg7[%dma_start3A_100, %dma_start3A_104] : memref<125x80xi32, #tpu.memory_space<vmem>> -> memref<1x80xi32, #tpu.memory_space<vmem>>
    %dma_start3A_106 = tpu.memref_squeeze %dma_start3A_105 : memref<1x80xi32, #tpu.memory_space<vmem>> -> memref<80xi32, #tpu.memory_space<vmem>>
    %dma_start3A_107 = arith.constant 0 : i32
    %dma_start3A_108 = arith.constant 0 : i32
    %dma_start3A_109 = tpu.memref_slice %arg2[%dma_start3A_107, %dma_start3A_108] : memref<10000x32xi32, #tpu.memory_space<hbm>> -> memref<10000x32xi32, #tpu.memory_space<hbm>>
    tpu.enqueue_indirect_dma source(%dma_start3A_109 : memref<10000x32xi32, #tpu.memory_space<hbm>>) target(%dma_start3A_103 : memref<80x32xi32, #tpu.memory_space<vmem>>) offsets(%dma_start3A_106 : memref<80xi32, #tpu.memory_space<vmem>>) semaphore(%arg14 : memref<!tpu.dma_semaphore, #tpu.memory_space<semaphore_mem>>)
    %dma_start3A_110 = arith.constant 3 : i32
    %dma_start3A_111 = arith.constant 240 : i32
    %dma_start3A_112 = arith.constant 0 : i32
    %dma_start3A_113 = tpu.memref_slice %arg11[%dma_start3A_111, %dma_start3A_112] : memref<400x32xi32, #tpu.memory_space<vmem>> -> memref<80x32xi32, #tpu.memory_space<vmem>>
    %dma_start3A_114 = arith.constant 0 : i32
    %dma_start3A_115 = tpu.memref_slice %arg8[%dma_start3A_110, %dma_start3A_114] : memref<125x80xi32, #tpu.memory_space<vmem>> -> memref<1x80xi32, #tpu.memory_space<vmem>>
    %dma_start3A_116 = tpu.memref_squeeze %dma_start3A_115 : memref<1x80xi32, #tpu.memory_space<vmem>> -> memref<80xi32, #tpu.memory_space<vmem>>
    %dma_start3A_117 = arith.constant 0 : i32
    %dma_start3A_118 = arith.constant 0 : i32
    %dma_start3A_119 = tpu.memref_slice %arg3[%dma_start3A_117, %dma_start3A_118] : memref<10000x32xi32, #tpu.memory_space<hbm>> -> memref<10000x32xi32, #tpu.memory_space<hbm>>
    tpu.enqueue_indirect_dma source(%dma_start3A_119 : memref<10000x32xi32, #tpu.memory_space<hbm>>) target(%dma_start3A_113 : memref<80x32xi32, #tpu.memory_space<vmem>>) offsets(%dma_start3A_116 : memref<80xi32, #tpu.memory_space<vmem>>) semaphore(%arg15 : memref<!tpu.dma_semaphore, #tpu.memory_space<semaphore_mem>>)
    %dma_start3A_120 = arith.constant 4 : i32
    %dma_start3A_121 = arith.constant 320 : i32
    %dma_start3A_122 = arith.constant 0 : i32
    %dma_start3A_123 = tpu.memref_slice %arg10[%dma_start3A_121, %dma_start3A_122] : memref<400x32xi32, #tpu.memory_space<vmem>> -> memref<80x32xi32, #tpu.memory_space<vmem>>
    %dma_start3A_124 = arith.constant 0 : i32
    %dma_start3A_125 = tpu.memref_slice %arg7[%dma_start3A_120, %dma_start3A_124] : memref<125x80xi32, #tpu.memory_space<vmem>> -> memref<1x80xi32, #tpu.memory_space<vmem>>
    %dma_start3A_126 = tpu.memref_squeeze %dma_start3A_125 : memref<1x80xi32, #tpu.memory_space<vmem>> -> memref<80xi32, #tpu.memory_space<vmem>>
    %dma_start3A_127 = arith.constant 0 : i32
    %dma_start3A_128 = arith.constant 0 : i32
    %dma_start3A_129 = tpu.memref_slice %arg2[%dma_start3A_127, %dma_start3A_128] : memref<10000x32xi32, #tpu.memory_space<hbm>> -> memref<10000x32xi32, #tpu.memory_space<hbm>>
    tpu.enqueue_indirect_dma source(%dma_start3A_129 : memref<10000x32xi32, #tpu.memory_space<hbm>>) target(%dma_start3A_123 : memref<80x32xi32, #tpu.memory_space<vmem>>) offsets(%dma_start3A_126 : memref<80xi32, #tpu.memory_space<vmem>>) semaphore(%arg14 : memref<!tpu.dma_semaphore, #tpu.memory_space<semaphore_mem>>)
    %dma_start3A_130 = arith.constant 4 : i32
    %dma_start3A_131 = arith.constant 320 : i32
    %dma_start3A_132 = arith.constant 0 : i32
    %dma_start3A_133 = tpu.memref_slice %arg11[%dma_start3A_131, %dma_start3A_132] : memref<400x32xi32, #tpu.memory_space<vmem>> -> memref<80x32xi32, #tpu.memory_space<vmem>>
    %dma_start3A_134 = arith.constant 0 : i32
    %dma_start3A_135 = tpu.memref_slice %arg8[%dma_start3A_130, %dma_start3A_134] : memref<125x80xi32, #tpu.memory_space<vmem>> -> memref<1x80xi32, #tpu.memory_space<vmem>>
    %dma_start3A_136 = tpu.memref_squeeze %dma_start3A_135 : memref<1x80xi32, #tpu.memory_space<vmem>> -> memref<80xi32, #tpu.memory_space<vmem>>
    %dma_start3A_137 = arith.constant 0 : i32
    %dma_start3A_138 = arith.constant 0 : i32
    %dma_start3A_139 = tpu.memref_slice %arg3[%dma_start3A_137, %dma_start3A_138] : memref<10000x32xi32, #tpu.memory_space<hbm>> -> memref<10000x32xi32, #tpu.memory_space<hbm>>
    tpu.enqueue_indirect_dma source(%dma_start3A_139 : memref<10000x32xi32, #tpu.memory_space<hbm>>) target(%dma_start3A_133 : memref<80x32xi32, #tpu.memory_space<vmem>>) offsets(%dma_start3A_136 : memref<80xi32, #tpu.memory_space<vmem>>) semaphore(%arg15 : memref<!tpu.dma_semaphore, #tpu.memory_space<semaphore_mem>>)
    %scan3A_140 = arith.constant 0 : i32
    %scan3A_141 = arith.constant 0 : i32
    %scan3A_142 = arith.constant 13 : i32
    %scan3A_143 = arith.addi %scan3A_141, %scan3A_142 : i32
    %scan3A_144 = arith.constant 1 : i32
    scf.for %scan3A_146 = %scan3A_141 to %scan3A_143 step %scan3A_144  : i32 {
      %mul3A_147 = arith.constant 2 : i32
      %mul3A_148 = arith.muli %mul3A_147, %scan3A_146 : i32
      %add3A_149 = arith.constant 1 : i32
      %add3A_150 = arith.addi %mul3A_148, %add3A_149 : i32
      %add3A_151 = arith.constant 2 : i32
      %add3A_152 = arith.addi %mul3A_148, %add3A_151 : i32
      %lt3A = arith.constant 25 : i32
      %lt3A_153 = arith.cmpi slt, %add3A_150, %lt3A : i32
      %convert_element_type3A = arith.extui %lt3A_153 : i1 to i32
      %cond3A = arith.constant 0 : i32
      %cond3A_154 = arith.cmpi ne, %convert_element_type3A, %cond3A : i32
      scf.if %cond3A_154 {
        %mul3A_179 = arith.constant 5 : i32
        %mul3A_180 = arith.muli %add3A_150, %mul3A_179 : i32
        %add3A_181 = arith.constant 0 : i32
        %add3A_182 = arith.addi %mul3A_180, %add3A_181 : i32
        %dma_start3A_183 = arith.constant 0 : i32
        %dma_start3A_184 = arith.constant 0 : i32
        %dma_start3A_185 = tpu.memref_slice %arg12[%dma_start3A_183, %dma_start3A_184] : memref<400x32xi32, #tpu.memory_space<vmem>> -> memref<80x32xi32, #tpu.memory_space<vmem>>
        %dma_start3A_186 = arith.constant 0 : i32
        %dma_start3A_187 = tpu.memref_slice %arg7[%add3A_182, %dma_start3A_186] : memref<125x80xi32, #tpu.memory_space<vmem>> -> memref<1x80xi32, #tpu.memory_space<vmem>>
        %dma_start3A_188 = tpu.memref_squeeze %dma_start3A_187 : memref<1x80xi32, #tpu.memory_space<vmem>> -> memref<80xi32, #tpu.memory_space<vmem>>
        %dma_start3A_189 = arith.constant 0 : i32
        %dma_start3A_190 = arith.constant 0 : i32
        %dma_start3A_191 = tpu.memref_slice %arg2[%dma_start3A_189, %dma_start3A_190] : memref<10000x32xi32, #tpu.memory_space<hbm>> -> memref<10000x32xi32, #tpu.memory_space<hbm>>
        tpu.enqueue_indirect_dma source(%dma_start3A_191 : memref<10000x32xi32, #tpu.memory_space<hbm>>) target(%dma_start3A_185 : memref<80x32xi32, #tpu.memory_space<vmem>>) offsets(%dma_start3A_188 : memref<80xi32, #tpu.memory_space<vmem>>) semaphore(%arg16 : memref<!tpu.dma_semaphore, #tpu.memory_space<semaphore_mem>>)
        %dma_start3A_192 = arith.constant 0 : i32
        %dma_start3A_193 = arith.constant 0 : i32
        %dma_start3A_194 = tpu.memref_slice %arg13[%dma_start3A_192, %dma_start3A_193] : memref<400x32xi32, #tpu.memory_space<vmem>> -> memref<80x32xi32, #tpu.memory_space<vmem>>
        %dma_start3A_195 = arith.constant 0 : i32
        %dma_start3A_196 = tpu.memref_slice %arg8[%add3A_182, %dma_start3A_195] : memref<125x80xi32, #tpu.memory_space<vmem>> -> memref<1x80xi32, #tpu.memory_space<vmem>>
        %dma_start3A_197 = tpu.memref_squeeze %dma_start3A_196 : memref<1x80xi32, #tpu.memory_space<vmem>> -> memref<80xi32, #tpu.memory_space<vmem>>
        %dma_start3A_198 = arith.constant 0 : i32
        %dma_start3A_199 = arith.constant 0 : i32
        %dma_start3A_200 = tpu.memref_slice %arg3[%dma_start3A_198, %dma_start3A_199] : memref<10000x32xi32, #tpu.memory_space<hbm>> -> memref<10000x32xi32, #tpu.memory_space<hbm>>
        tpu.enqueue_indirect_dma source(%dma_start3A_200 : memref<10000x32xi32, #tpu.memory_space<hbm>>) target(%dma_start3A_194 : memref<80x32xi32, #tpu.memory_space<vmem>>) offsets(%dma_start3A_197 : memref<80xi32, #tpu.memory_space<vmem>>) semaphore(%arg17 : memref<!tpu.dma_semaphore, #tpu.memory_space<semaphore_mem>>)
        %mul3A_201 = arith.constant 5 : i32
        %mul3A_202 = arith.muli %add3A_150, %mul3A_201 : i32
        %add3A_203 = arith.constant 1 : i32
        %add3A_204 = arith.addi %mul3A_202, %add3A_203 : i32
        %dma_start3A_205 = arith.constant 80 : i32
        %dma_start3A_206 = arith.constant 0 : i32
        %dma_start3A_207 = tpu.memref_slice %arg12[%dma_start3A_205, %dma_start3A_206] : memref<400x32xi32, #tpu.memory_space<vmem>> -> memref<80x32xi32, #tpu.memory_space<vmem>>
        %dma_start3A_208 = arith.constant 0 : i32
        %dma_start3A_209 = tpu.memref_slice %arg7[%add3A_204, %dma_start3A_208] : memref<125x80xi32, #tpu.memory_space<vmem>> -> memref<1x80xi32, #tpu.memory_space<vmem>>
        %dma_start3A_210 = tpu.memref_squeeze %dma_start3A_209 : memref<1x80xi32, #tpu.memory_space<vmem>> -> memref<80xi32, #tpu.memory_space<vmem>>
        %dma_start3A_211 = arith.constant 0 : i32
        %dma_start3A_212 = arith.constant 0 : i32
        %dma_start3A_213 = tpu.memref_slice %arg2[%dma_start3A_211, %dma_start3A_212] : memref<10000x32xi32, #tpu.memory_space<hbm>> -> memref<10000x32xi32, #tpu.memory_space<hbm>>
        tpu.enqueue_indirect_dma source(%dma_start3A_213 : memref<10000x32xi32, #tpu.memory_space<hbm>>) target(%dma_start3A_207 : memref<80x32xi32, #tpu.memory_space<vmem>>) offsets(%dma_start3A_210 : memref<80xi32, #tpu.memory_space<vmem>>) semaphore(%arg16 : memref<!tpu.dma_semaphore, #tpu.memory_space<semaphore_mem>>)
        %dma_start3A_214 = arith.constant 80 : i32
        %dma_start3A_215 = arith.constant 0 : i32
        %dma_start3A_216 = tpu.memref_slice %arg13[%dma_start3A_214, %dma_start3A_215] : memref<400x32xi32, #tpu.memory_space<vmem>> -> memref<80x32xi32, #tpu.memory_space<vmem>>
        %dma_start3A_217 = arith.constant 0 : i32
        %dma_start3A_218 = tpu.memref_slice %arg8[%add3A_204, %dma_start3A_217] : memref<125x80xi32, #tpu.memory_space<vmem>> -> memref<1x80xi32, #tpu.memory_space<vmem>>
        %dma_start3A_219 = tpu.memref_squeeze %dma_start3A_218 : memref<1x80xi32, #tpu.memory_space<vmem>> -> memref<80xi32, #tpu.memory_space<vmem>>
        %dma_start3A_220 = arith.constant 0 : i32
        %dma_start3A_221 = arith.constant 0 : i32
        %dma_start3A_222 = tpu.memref_slice %arg3[%dma_start3A_220, %dma_start3A_221] : memref<10000x32xi32, #tpu.memory_space<hbm>> -> memref<10000x32xi32, #tpu.memory_space<hbm>>
        tpu.enqueue_indirect_dma source(%dma_start3A_222 : memref<10000x32xi32, #tpu.memory_space<hbm>>) target(%dma_start3A_216 : memref<80x32xi32, #tpu.memory_space<vmem>>) offsets(%dma_start3A_219 : memref<80xi32, #tpu.memory_space<vmem>>) semaphore(%arg17 : memref<!tpu.dma_semaphore, #tpu.memory_space<semaphore_mem>>)
        %mul3A_223 = arith.constant 5 : i32
        %mul3A_224 = arith.muli %add3A_150, %mul3A_223 : i32
        %add3A_225 = arith.constant 2 : i32
        %add3A_226 = arith.addi %mul3A_224, %add3A_225 : i32
        %dma_start3A_227 = arith.constant 160 : i32
        %dma_start3A_228 = arith.constant 0 : i32
        %dma_start3A_229 = tpu.memref_slice %arg12[%dma_start3A_227, %dma_start3A_228] : memref<400x32xi32, #tpu.memory_space<vmem>> -> memref<80x32xi32, #tpu.memory_space<vmem>>
        %dma_start3A_230 = arith.constant 0 : i32
        %dma_start3A_231 = tpu.memref_slice %arg7[%add3A_226, %dma_start3A_230] : memref<125x80xi32, #tpu.memory_space<vmem>> -> memref<1x80xi32, #tpu.memory_space<vmem>>
        %dma_start3A_232 = tpu.memref_squeeze %dma_start3A_231 : memref<1x80xi32, #tpu.memory_space<vmem>> -> memref<80xi32, #tpu.memory_space<vmem>>
        %dma_start3A_233 = arith.constant 0 : i32
        %dma_start3A_234 = arith.constant 0 : i32
        %dma_start3A_235 = tpu.memref_slice %arg2[%dma_start3A_233, %dma_start3A_234] : memref<10000x32xi32, #tpu.memory_space<hbm>> -> memref<10000x32xi32, #tpu.memory_space<hbm>>
        tpu.enqueue_indirect_dma source(%dma_start3A_235 : memref<10000x32xi32, #tpu.memory_space<hbm>>) target(%dma_start3A_229 : memref<80x32xi32, #tpu.memory_space<vmem>>) offsets(%dma_start3A_232 : memref<80xi32, #tpu.memory_space<vmem>>) semaphore(%arg16 : memref<!tpu.dma_semaphore, #tpu.memory_space<semaphore_mem>>)
        %dma_start3A_236 = arith.constant 160 : i32
        %dma_start3A_237 = arith.constant 0 : i32
        %dma_start3A_238 = tpu.memref_slice %arg13[%dma_start3A_236, %dma_start3A_237] : memref<400x32xi32, #tpu.memory_space<vmem>> -> memref<80x32xi32, #tpu.memory_space<vmem>>
        %dma_start3A_239 = arith.constant 0 : i32
        %dma_start3A_240 = tpu.memref_slice %arg8[%add3A_226, %dma_start3A_239] : memref<125x80xi32, #tpu.memory_space<vmem>> -> memref<1x80xi32, #tpu.memory_space<vmem>>
        %dma_start3A_241 = tpu.memref_squeeze %dma_start3A_240 : memref<1x80xi32, #tpu.memory_space<vmem>> -> memref<80xi32, #tpu.memory_space<vmem>>
        %dma_start3A_242 = arith.constant 0 : i32
        %dma_start3A_243 = arith.constant 0 : i32
        %dma_start3A_244 = tpu.memref_slice %arg3[%dma_start3A_242, %dma_start3A_243] : memref<10000x32xi32, #tpu.memory_space<hbm>> -> memref<10000x32xi32, #tpu.memory_space<hbm>>
        tpu.enqueue_indirect_dma source(%dma_start3A_244 : memref<10000x32xi32, #tpu.memory_space<hbm>>) target(%dma_start3A_238 : memref<80x32xi32, #tpu.memory_space<vmem>>) offsets(%dma_start3A_241 : memref<80xi32, #tpu.memory_space<vmem>>) semaphore(%arg17 : memref<!tpu.dma_semaphore, #tpu.memory_space<semaphore_mem>>)
        %mul3A_245 = arith.constant 5 : i32
        %mul3A_246 = arith.muli %add3A_150, %mul3A_245 : i32
        %add3A_247 = arith.constant 3 : i32
        %add3A_248 = arith.addi %mul3A_246, %add3A_247 : i32
        %dma_start3A_249 = arith.constant 240 : i32
        %dma_start3A_250 = arith.constant 0 : i32
        %dma_start3A_251 = tpu.memref_slice %arg12[%dma_start3A_249, %dma_start3A_250] : memref<400x32xi32, #tpu.memory_space<vmem>> -> memref<80x32xi32, #tpu.memory_space<vmem>>
        %dma_start3A_252 = arith.constant 0 : i32
        %dma_start3A_253 = tpu.memref_slice %arg7[%add3A_248, %dma_start3A_252] : memref<125x80xi32, #tpu.memory_space<vmem>> -> memref<1x80xi32, #tpu.memory_space<vmem>>
        %dma_start3A_254 = tpu.memref_squeeze %dma_start3A_253 : memref<1x80xi32, #tpu.memory_space<vmem>> -> memref<80xi32, #tpu.memory_space<vmem>>
        %dma_start3A_255 = arith.constant 0 : i32
        %dma_start3A_256 = arith.constant 0 : i32
        %dma_start3A_257 = tpu.memref_slice %arg2[%dma_start3A_255, %dma_start3A_256] : memref<10000x32xi32, #tpu.memory_space<hbm>> -> memref<10000x32xi32, #tpu.memory_space<hbm>>
        tpu.enqueue_indirect_dma source(%dma_start3A_257 : memref<10000x32xi32, #tpu.memory_space<hbm>>) target(%dma_start3A_251 : memref<80x32xi32, #tpu.memory_space<vmem>>) offsets(%dma_start3A_254 : memref<80xi32, #tpu.memory_space<vmem>>) semaphore(%arg16 : memref<!tpu.dma_semaphore, #tpu.memory_space<semaphore_mem>>)
        %dma_start3A_258 = arith.constant 240 : i32
        %dma_start3A_259 = arith.constant 0 : i32
        %dma_start3A_260 = tpu.memref_slice %arg13[%dma_start3A_258, %dma_start3A_259] : memref<400x32xi32, #tpu.memory_space<vmem>> -> memref<80x32xi32, #tpu.memory_space<vmem>>
        %dma_start3A_261 = arith.constant 0 : i32
        %dma_start3A_262 = tpu.memref_slice %arg8[%add3A_248, %dma_start3A_261] : memref<125x80xi32, #tpu.memory_space<vmem>> -> memref<1x80xi32, #tpu.memory_space<vmem>>
        %dma_start3A_263 = tpu.memref_squeeze %dma_start3A_262 : memref<1x80xi32, #tpu.memory_space<vmem>> -> memref<80xi32, #tpu.memory_space<vmem>>
        %dma_start3A_264 = arith.constant 0 : i32
        %dma_start3A_265 = arith.constant 0 : i32
        %dma_start3A_266 = tpu.memref_slice %arg3[%dma_start3A_264, %dma_start3A_265] : memref<10000x32xi32, #tpu.memory_space<hbm>> -> memref<10000x32xi32, #tpu.memory_space<hbm>>
        tpu.enqueue_indirect_dma source(%dma_start3A_266 : memref<10000x32xi32, #tpu.memory_space<hbm>>) target(%dma_start3A_260 : memref<80x32xi32, #tpu.memory_space<vmem>>) offsets(%dma_start3A_263 : memref<80xi32, #tpu.memory_space<vmem>>) semaphore(%arg17 : memref<!tpu.dma_semaphore, #tpu.memory_space<semaphore_mem>>)
        %mul3A_267 = arith.constant 5 : i32
        %mul3A_268 = arith.muli %add3A_150, %mul3A_267 : i32
        %add3A_269 = arith.constant 4 : i32
        %add3A_270 = arith.addi %mul3A_268, %add3A_269 : i32
        %dma_start3A_271 = arith.constant 320 : i32
        %dma_start3A_272 = arith.constant 0 : i32
        %dma_start3A_273 = tpu.memref_slice %arg12[%dma_start3A_271, %dma_start3A_272] : memref<400x32xi32, #tpu.memory_space<vmem>> -> memref<80x32xi32, #tpu.memory_space<vmem>>
        %dma_start3A_274 = arith.constant 0 : i32
        %dma_start3A_275 = tpu.memref_slice %arg7[%add3A_270, %dma_start3A_274] : memref<125x80xi32, #tpu.memory_space<vmem>> -> memref<1x80xi32, #tpu.memory_space<vmem>>
        %dma_start3A_276 = tpu.memref_squeeze %dma_start3A_275 : memref<1x80xi32, #tpu.memory_space<vmem>> -> memref<80xi32, #tpu.memory_space<vmem>>
        %dma_start3A_277 = arith.constant 0 : i32
        %dma_start3A_278 = arith.constant 0 : i32
        %dma_start3A_279 = tpu.memref_slice %arg2[%dma_start3A_277, %dma_start3A_278] : memref<10000x32xi32, #tpu.memory_space<hbm>> -> memref<10000x32xi32, #tpu.memory_space<hbm>>
        tpu.enqueue_indirect_dma source(%dma_start3A_279 : memref<10000x32xi32, #tpu.memory_space<hbm>>) target(%dma_start3A_273 : memref<80x32xi32, #tpu.memory_space<vmem>>) offsets(%dma_start3A_276 : memref<80xi32, #tpu.memory_space<vmem>>) semaphore(%arg16 : memref<!tpu.dma_semaphore, #tpu.memory_space<semaphore_mem>>)
        %dma_start3A_280 = arith.constant 320 : i32
        %dma_start3A_281 = arith.constant 0 : i32
        %dma_start3A_282 = tpu.memref_slice %arg13[%dma_start3A_280, %dma_start3A_281] : memref<400x32xi32, #tpu.memory_space<vmem>> -> memref<80x32xi32, #tpu.memory_space<vmem>>
        %dma_start3A_283 = arith.constant 0 : i32
        %dma_start3A_284 = tpu.memref_slice %arg8[%add3A_270, %dma_start3A_283] : memref<125x80xi32, #tpu.memory_space<vmem>> -> memref<1x80xi32, #tpu.memory_space<vmem>>
        %dma_start3A_285 = tpu.memref_squeeze %dma_start3A_284 : memref<1x80xi32, #tpu.memory_space<vmem>> -> memref<80xi32, #tpu.memory_space<vmem>>
        %dma_start3A_286 = arith.constant 0 : i32
        %dma_start3A_287 = arith.constant 0 : i32
        %dma_start3A_288 = tpu.memref_slice %arg3[%dma_start3A_286, %dma_start3A_287] : memref<10000x32xi32, #tpu.memory_space<hbm>> -> memref<10000x32xi32, #tpu.memory_space<hbm>>
        tpu.enqueue_indirect_dma source(%dma_start3A_288 : memref<10000x32xi32, #tpu.memory_space<hbm>>) target(%dma_start3A_282 : memref<80x32xi32, #tpu.memory_space<vmem>>) offsets(%dma_start3A_285 : memref<80xi32, #tpu.memory_space<vmem>>) semaphore(%arg17 : memref<!tpu.dma_semaphore, #tpu.memory_space<semaphore_mem>>)
      } else {
      }
      %dma_wait3A = arith.constant 0 : i32
      %dma_wait3A_155 = arith.constant 0 : i32
      %dma_wait3A_156 = tpu.memref_slice %arg5[%dma_wait3A, %dma_wait3A_155] : memref<320000x32xi32, #tpu.memory_space<hbm>> -> memref<400x32xi32, #tpu.memory_space<hbm>>
      %dma_wait3A_157 = arith.constant 0 : i32
      %dma_wait3A_158 = arith.constant 0 : i32
      %dma_wait3A_159 = tpu.memref_slice %arg5[%dma_wait3A_157, %dma_wait3A_158] : memref<320000x32xi32, #tpu.memory_space<hbm>> -> memref<400x32xi32, #tpu.memory_space<hbm>>
      tpu.wait_dma2 semaphore(%arg14 : memref<!tpu.dma_semaphore, #tpu.memory_space<semaphore_mem>>) src(%dma_wait3A_159 : memref<400x32xi32, #tpu.memory_space<hbm>>) dst(%arg10 : memref<400x32xi32, #tpu.memory_space<vmem>>)
      %dma_wait3A_160 = arith.constant 0 : i32
      %dma_wait3A_161 = arith.constant 0 : i32
      %dma_wait3A_162 = tpu.memref_slice %arg6[%dma_wait3A_160, %dma_wait3A_161] : memref<320000x32xi32, #tpu.memory_space<hbm>> -> memref<400x32xi32, #tpu.memory_space<hbm>>
      %dma_wait3A_163 = arith.constant 0 : i32
      %dma_wait3A_164 = arith.constant 0 : i32
      %dma_wait3A_165 = tpu.memref_slice %arg6[%dma_wait3A_163, %dma_wait3A_164] : memref<320000x32xi32, #tpu.memory_space<hbm>> -> memref<400x32xi32, #tpu.memory_space<hbm>>
      tpu.wait_dma2 semaphore(%arg15 : memref<!tpu.dma_semaphore, #tpu.memory_space<semaphore_mem>>) src(%dma_wait3A_165 : memref<400x32xi32, #tpu.memory_space<hbm>>) dst(%arg11 : memref<400x32xi32, #tpu.memory_space<vmem>>)
      %mul3A_166 = arith.constant 400 : i32
      %mul3A_167 = arith.muli %mul3A_148, %mul3A_166 : i32
      %add3A_168 = arith.addi %mul3A_2, %mul3A_167 : i32
      "tpu.region"() ({
        %run_scoped3A_179 = tpu.sem_alloc : memref<!tpu.dma_semaphore, #tpu.memory_space<semaphore_mem>>
        %dma_start3A_180 = arith.constant 0 : i32
        %dma_start3A_181 = tpu.memref_slice %arg5[%add3A_168, %dma_start3A_180] : memref<320000x32xi32, #tpu.memory_space<hbm>> -> memref<400x32xi32, #tpu.memory_space<hbm>>
        %dma_start3A_182 = arith.constant 0 : i32
        %dma_start3A_183 = tpu.memref_slice %arg5[%add3A_168, %dma_start3A_182] : memref<320000x32xi32, #tpu.memory_space<hbm>> -> memref<400x32xi32, #tpu.memory_space<hbm>>
        tpu.enqueue_dma source(%arg10 : memref<400x32xi32, #tpu.memory_space<vmem>>) target(%dma_start3A_183 : memref<400x32xi32, #tpu.memory_space<hbm>>) target_semaphore(%run_scoped3A_179 : memref<!tpu.dma_semaphore, #tpu.memory_space<semaphore_mem>>)
        %dma_wait3A_184 = arith.constant 0 : i32
        %dma_wait3A_185 = tpu.memref_slice %arg5[%add3A_168, %dma_wait3A_184] : memref<320000x32xi32, #tpu.memory_space<hbm>> -> memref<400x32xi32, #tpu.memory_space<hbm>>
        %dma_wait3A_186 = arith.constant 0 : i32
        %dma_wait3A_187 = tpu.memref_slice %arg5[%add3A_168, %dma_wait3A_186] : memref<320000x32xi32, #tpu.memory_space<hbm>> -> memref<400x32xi32, #tpu.memory_space<hbm>>
        tpu.wait_dma2 semaphore(%run_scoped3A_179 : memref<!tpu.dma_semaphore, #tpu.memory_space<semaphore_mem>>) src(%arg10 : memref<400x32xi32, #tpu.memory_space<vmem>>) dst(%dma_wait3A_187 : memref<400x32xi32, #tpu.memory_space<hbm>>)
        tpu.yield
      }) : () -> ()
      "tpu.region"() ({
        %run_scoped3A_179 = tpu.sem_alloc : memref<!tpu.dma_semaphore, #tpu.memory_space<semaphore_mem>>
        %dma_start3A_180 = arith.constant 0 : i32
        %dma_start3A_181 = tpu.memref_slice %arg6[%add3A_168, %dma_start3A_180] : memref<320000x32xi32, #tpu.memory_space<hbm>> -> memref<400x32xi32, #tpu.memory_space<hbm>>
        %dma_start3A_182 = arith.constant 0 : i32
        %dma_start3A_183 = tpu.memref_slice %arg6[%add3A_168, %dma_start3A_182] : memref<320000x32xi32, #tpu.memory_space<hbm>> -> memref<400x32xi32, #tpu.memory_space<hbm>>
        tpu.enqueue_dma source(%arg11 : memref<400x32xi32, #tpu.memory_space<vmem>>) target(%dma_start3A_183 : memref<400x32xi32, #tpu.memory_space<hbm>>) target_semaphore(%run_scoped3A_179 : memref<!tpu.dma_semaphore, #tpu.memory_space<semaphore_mem>>)
        %dma_wait3A_184 = arith.constant 0 : i32
        %dma_wait3A_185 = tpu.memref_slice %arg6[%add3A_168, %dma_wait3A_184] : memref<320000x32xi32, #tpu.memory_space<hbm>> -> memref<400x32xi32, #tpu.memory_space<hbm>>
        %dma_wait3A_186 = arith.constant 0 : i32
        %dma_wait3A_187 = tpu.memref_slice %arg6[%add3A_168, %dma_wait3A_186] : memref<320000x32xi32, #tpu.memory_space<hbm>> -> memref<400x32xi32, #tpu.memory_space<hbm>>
        tpu.wait_dma2 semaphore(%run_scoped3A_179 : memref<!tpu.dma_semaphore, #tpu.memory_space<semaphore_mem>>) src(%arg11 : memref<400x32xi32, #tpu.memory_space<vmem>>) dst(%dma_wait3A_187 : memref<400x32xi32, #tpu.memory_space<hbm>>)
        tpu.yield
      }) : () -> ()
      %lt3A_169 = arith.constant 25 : i32
      %lt3A_170 = arith.cmpi slt, %add3A_152, %lt3A_169 : i32
      %convert_element_type3A_171 = arith.extui %lt3A_170 : i1 to i32
      %cond3A_172 = arith.constant 0 : i32
      %cond3A_173 = arith.cmpi ne, %convert_element_type3A_171, %cond3A_172 : i32
      scf.if %cond3A_173 {
        %mul3A_179 = arith.constant 5 : i32
        %mul3A_180 = arith.muli %add3A_152, %mul3A_179 : i32
        %add3A_181 = arith.constant 0 : i32
        %add3A_182 = arith.addi %mul3A_180, %add3A_181 : i32
        %dma_start3A_183 = arith.constant 0 : i32
        %dma_start3A_184 = arith.constant 0 : i32
        %dma_start3A_185 = tpu.memref_slice %arg10[%dma_start3A_183, %dma_start3A_184] : memref<400x32xi32, #tpu.memory_space<vmem>> -> memref<80x32xi32, #tpu.memory_space<vmem>>
        %dma_start3A_186 = arith.constant 0 : i32
        %dma_start3A_187 = tpu.memref_slice %arg7[%add3A_182, %dma_start3A_186] : memref<125x80xi32, #tpu.memory_space<vmem>> -> memref<1x80xi32, #tpu.memory_space<vmem>>
        %dma_start3A_188 = tpu.memref_squeeze %dma_start3A_187 : memref<1x80xi32, #tpu.memory_space<vmem>> -> memref<80xi32, #tpu.memory_space<vmem>>
        %dma_start3A_189 = arith.constant 0 : i32
        %dma_start3A_190 = arith.constant 0 : i32
        %dma_start3A_191 = tpu.memref_slice %arg2[%dma_start3A_189, %dma_start3A_190] : memref<10000x32xi32, #tpu.memory_space<hbm>> -> memref<10000x32xi32, #tpu.memory_space<hbm>>
        tpu.enqueue_indirect_dma source(%dma_start3A_191 : memref<10000x32xi32, #tpu.memory_space<hbm>>) target(%dma_start3A_185 : memref<80x32xi32, #tpu.memory_space<vmem>>) offsets(%dma_start3A_188 : memref<80xi32, #tpu.memory_space<vmem>>) semaphore(%arg14 : memref<!tpu.dma_semaphore, #tpu.memory_space<semaphore_mem>>)
        %dma_start3A_192 = arith.constant 0 : i32
        %dma_start3A_193 = arith.constant 0 : i32
        %dma_start3A_194 = tpu.memref_slice %arg11[%dma_start3A_192, %dma_start3A_193] : memref<400x32xi32, #tpu.memory_space<vmem>> -> memref<80x32xi32, #tpu.memory_space<vmem>>
        %dma_start3A_195 = arith.constant 0 : i32
        %dma_start3A_196 = tpu.memref_slice %arg8[%add3A_182, %dma_start3A_195] : memref<125x80xi32, #tpu.memory_space<vmem>> -> memref<1x80xi32, #tpu.memory_space<vmem>>
        %dma_start3A_197 = tpu.memref_squeeze %dma_start3A_196 : memref<1x80xi32, #tpu.memory_space<vmem>> -> memref<80xi32, #tpu.memory_space<vmem>>
        %dma_start3A_198 = arith.constant 0 : i32
        %dma_start3A_199 = arith.constant 0 : i32
        %dma_start3A_200 = tpu.memref_slice %arg3[%dma_start3A_198, %dma_start3A_199] : memref<10000x32xi32, #tpu.memory_space<hbm>> -> memref<10000x32xi32, #tpu.memory_space<hbm>>
        tpu.enqueue_indirect_dma source(%dma_start3A_200 : memref<10000x32xi32, #tpu.memory_space<hbm>>) target(%dma_start3A_194 : memref<80x32xi32, #tpu.memory_space<vmem>>) offsets(%dma_start3A_197 : memref<80xi32, #tpu.memory_space<vmem>>) semaphore(%arg15 : memref<!tpu.dma_semaphore, #tpu.memory_space<semaphore_mem>>)
        %mul3A_201 = arith.constant 5 : i32
        %mul3A_202 = arith.muli %add3A_152, %mul3A_201 : i32
        %add3A_203 = arith.constant 1 : i32
        %add3A_204 = arith.addi %mul3A_202, %add3A_203 : i32
        %dma_start3A_205 = arith.constant 80 : i32
        %dma_start3A_206 = arith.constant 0 : i32
        %dma_start3A_207 = tpu.memref_slice %arg10[%dma_start3A_205, %dma_start3A_206] : memref<400x32xi32, #tpu.memory_space<vmem>> -> memref<80x32xi32, #tpu.memory_space<vmem>>
        %dma_start3A_208 = arith.constant 0 : i32
        %dma_start3A_209 = tpu.memref_slice %arg7[%add3A_204, %dma_start3A_208] : memref<125x80xi32, #tpu.memory_space<vmem>> -> memref<1x80xi32, #tpu.memory_space<vmem>>
        %dma_start3A_210 = tpu.memref_squeeze %dma_start3A_209 : memref<1x80xi32, #tpu.memory_space<vmem>> -> memref<80xi32, #tpu.memory_space<vmem>>
        %dma_start3A_211 = arith.constant 0 : i32
        %dma_start3A_212 = arith.constant 0 : i32
        %dma_start3A_213 = tpu.memref_slice %arg2[%dma_start3A_211, %dma_start3A_212] : memref<10000x32xi32, #tpu.memory_space<hbm>> -> memref<10000x32xi32, #tpu.memory_space<hbm>>
        tpu.enqueue_indirect_dma source(%dma_start3A_213 : memref<10000x32xi32, #tpu.memory_space<hbm>>) target(%dma_start3A_207 : memref<80x32xi32, #tpu.memory_space<vmem>>) offsets(%dma_start3A_210 : memref<80xi32, #tpu.memory_space<vmem>>) semaphore(%arg14 : memref<!tpu.dma_semaphore, #tpu.memory_space<semaphore_mem>>)
        %dma_start3A_214 = arith.constant 80 : i32
        %dma_start3A_215 = arith.constant 0 : i32
        %dma_start3A_216 = tpu.memref_slice %arg11[%dma_start3A_214, %dma_start3A_215] : memref<400x32xi32, #tpu.memory_space<vmem>> -> memref<80x32xi32, #tpu.memory_space<vmem>>
        %dma_start3A_217 = arith.constant 0 : i32
        %dma_start3A_218 = tpu.memref_slice %arg8[%add3A_204, %dma_start3A_217] : memref<125x80xi32, #tpu.memory_space<vmem>> -> memref<1x80xi32, #tpu.memory_space<vmem>>
        %dma_start3A_219 = tpu.memref_squeeze %dma_start3A_218 : memref<1x80xi32, #tpu.memory_space<vmem>> -> memref<80xi32, #tpu.memory_space<vmem>>
        %dma_start3A_220 = arith.constant 0 : i32
        %dma_start3A_221 = arith.constant 0 : i32
        %dma_start3A_222 = tpu.memref_slice %arg3[%dma_start3A_220, %dma_start3A_221] : memref<10000x32xi32, #tpu.memory_space<hbm>> -> memref<10000x32xi32, #tpu.memory_space<hbm>>
        tpu.enqueue_indirect_dma source(%dma_start3A_222 : memref<10000x32xi32, #tpu.memory_space<hbm>>) target(%dma_start3A_216 : memref<80x32xi32, #tpu.memory_space<vmem>>) offsets(%dma_start3A_219 : memref<80xi32, #tpu.memory_space<vmem>>) semaphore(%arg15 : memref<!tpu.dma_semaphore, #tpu.memory_space<semaphore_mem>>)
        %mul3A_223 = arith.constant 5 : i32
        %mul3A_224 = arith.muli %add3A_152, %mul3A_223 : i32
        %add3A_225 = arith.constant 2 : i32
        %add3A_226 = arith.addi %mul3A_224, %add3A_225 : i32
        %dma_start3A_227 = arith.constant 160 : i32
        %dma_start3A_228 = arith.constant 0 : i32
        %dma_start3A_229 = tpu.memref_slice %arg10[%dma_start3A_227, %dma_start3A_228] : memref<400x32xi32, #tpu.memory_space<vmem>> -> memref<80x32xi32, #tpu.memory_space<vmem>>
        %dma_start3A_230 = arith.constant 0 : i32
        %dma_start3A_231 = tpu.memref_slice %arg7[%add3A_226, %dma_start3A_230] : memref<125x80xi32, #tpu.memory_space<vmem>> -> memref<1x80xi32, #tpu.memory_space<vmem>>
        %dma_start3A_232 = tpu.memref_squeeze %dma_start3A_231 : memref<1x80xi32, #tpu.memory_space<vmem>> -> memref<80xi32, #tpu.memory_space<vmem>>
        %dma_start3A_233 = arith.constant 0 : i32
        %dma_start3A_234 = arith.constant 0 : i32
        %dma_start3A_235 = tpu.memref_slice %arg2[%dma_start3A_233, %dma_start3A_234] : memref<10000x32xi32, #tpu.memory_space<hbm>> -> memref<10000x32xi32, #tpu.memory_space<hbm>>
        tpu.enqueue_indirect_dma source(%dma_start3A_235 : memref<10000x32xi32, #tpu.memory_space<hbm>>) target(%dma_start3A_229 : memref<80x32xi32, #tpu.memory_space<vmem>>) offsets(%dma_start3A_232 : memref<80xi32, #tpu.memory_space<vmem>>) semaphore(%arg14 : memref<!tpu.dma_semaphore, #tpu.memory_space<semaphore_mem>>)
        %dma_start3A_236 = arith.constant 160 : i32
        %dma_start3A_237 = arith.constant 0 : i32
        %dma_start3A_238 = tpu.memref_slice %arg11[%dma_start3A_236, %dma_start3A_237] : memref<400x32xi32, #tpu.memory_space<vmem>> -> memref<80x32xi32, #tpu.memory_space<vmem>>
        %dma_start3A_239 = arith.constant 0 : i32
        %dma_start3A_240 = tpu.memref_slice %arg8[%add3A_226, %dma_start3A_239] : memref<125x80xi32, #tpu.memory_space<vmem>> -> memref<1x80xi32, #tpu.memory_space<vmem>>
        %dma_start3A_241 = tpu.memref_squeeze %dma_start3A_240 : memref<1x80xi32, #tpu.memory_space<vmem>> -> memref<80xi32, #tpu.memory_space<vmem>>
        %dma_start3A_242 = arith.constant 0 : i32
        %dma_start3A_243 = arith.constant 0 : i32
        %dma_start3A_244 = tpu.memref_slice %arg3[%dma_start3A_242, %dma_start3A_243] : memref<10000x32xi32, #tpu.memory_space<hbm>> -> memref<10000x32xi32, #tpu.memory_space<hbm>>
        tpu.enqueue_indirect_dma source(%dma_start3A_244 : memref<10000x32xi32, #tpu.memory_space<hbm>>) target(%dma_start3A_238 : memref<80x32xi32, #tpu.memory_space<vmem>>) offsets(%dma_start3A_241 : memref<80xi32, #tpu.memory_space<vmem>>) semaphore(%arg15 : memref<!tpu.dma_semaphore, #tpu.memory_space<semaphore_mem>>)
        %mul3A_245 = arith.constant 5 : i32
        %mul3A_246 = arith.muli %add3A_152, %mul3A_245 : i32
        %add3A_247 = arith.constant 3 : i32
        %add3A_248 = arith.addi %mul3A_246, %add3A_247 : i32
        %dma_start3A_249 = arith.constant 240 : i32
        %dma_start3A_250 = arith.constant 0 : i32
        %dma_start3A_251 = tpu.memref_slice %arg10[%dma_start3A_249, %dma_start3A_250] : memref<400x32xi32, #tpu.memory_space<vmem>> -> memref<80x32xi32, #tpu.memory_space<vmem>>
        %dma_start3A_252 = arith.constant 0 : i32
        %dma_start3A_253 = tpu.memref_slice %arg7[%add3A_248, %dma_start3A_252] : memref<125x80xi32, #tpu.memory_space<vmem>> -> memref<1x80xi32, #tpu.memory_space<vmem>>
        %dma_start3A_254 = tpu.memref_squeeze %dma_start3A_253 : memref<1x80xi32, #tpu.memory_space<vmem>> -> memref<80xi32, #tpu.memory_space<vmem>>
        %dma_start3A_255 = arith.constant 0 : i32
        %dma_start3A_256 = arith.constant 0 : i32
        %dma_start3A_257 = tpu.memref_slice %arg2[%dma_start3A_255, %dma_start3A_256] : memref<10000x32xi32, #tpu.memory_space<hbm>> -> memref<10000x32xi32, #tpu.memory_space<hbm>>
        tpu.enqueue_indirect_dma source(%dma_start3A_257 : memref<10000x32xi32, #tpu.memory_space<hbm>>) target(%dma_start3A_251 : memref<80x32xi32, #tpu.memory_space<vmem>>) offsets(%dma_start3A_254 : memref<80xi32, #tpu.memory_space<vmem>>) semaphore(%arg14 : memref<!tpu.dma_semaphore, #tpu.memory_space<semaphore_mem>>)
        %dma_start3A_258 = arith.constant 240 : i32
        %dma_start3A_259 = arith.constant 0 : i32
        %dma_start3A_260 = tpu.memref_slice %arg11[%dma_start3A_258, %dma_start3A_259] : memref<400x32xi32, #tpu.memory_space<vmem>> -> memref<80x32xi32, #tpu.memory_space<vmem>>
        %dma_start3A_261 = arith.constant 0 : i32
        %dma_start3A_262 = tpu.memref_slice %arg8[%add3A_248, %dma_start3A_261] : memref<125x80xi32, #tpu.memory_space<vmem>> -> memref<1x80xi32, #tpu.memory_space<vmem>>
        %dma_start3A_263 = tpu.memref_squeeze %dma_start3A_262 : memref<1x80xi32, #tpu.memory_space<vmem>> -> memref<80xi32, #tpu.memory_space<vmem>>
        %dma_start3A_264 = arith.constant 0 : i32
        %dma_start3A_265 = arith.constant 0 : i32
        %dma_start3A_266 = tpu.memref_slice %arg3[%dma_start3A_264, %dma_start3A_265] : memref<10000x32xi32, #tpu.memory_space<hbm>> -> memref<10000x32xi32, #tpu.memory_space<hbm>>
        tpu.enqueue_indirect_dma source(%dma_start3A_266 : memref<10000x32xi32, #tpu.memory_space<hbm>>) target(%dma_start3A_260 : memref<80x32xi32, #tpu.memory_space<vmem>>) offsets(%dma_start3A_263 : memref<80xi32, #tpu.memory_space<vmem>>) semaphore(%arg15 : memref<!tpu.dma_semaphore, #tpu.memory_space<semaphore_mem>>)
        %mul3A_267 = arith.constant 5 : i32
        %mul3A_268 = arith.muli %add3A_152, %mul3A_267 : i32
        %add3A_269 = arith.constant 4 : i32
        %add3A_270 = arith.addi %mul3A_268, %add3A_269 : i32
        %dma_start3A_271 = arith.constant 320 : i32
        %dma_start3A_272 = arith.constant 0 : i32
        %dma_start3A_273 = tpu.memref_slice %arg10[%dma_start3A_271, %dma_start3A_272] : memref<400x32xi32, #tpu.memory_space<vmem>> -> memref<80x32xi32, #tpu.memory_space<vmem>>
        %dma_start3A_274 = arith.constant 0 : i32
        %dma_start3A_275 = tpu.memref_slice %arg7[%add3A_270, %dma_start3A_274] : memref<125x80xi32, #tpu.memory_space<vmem>> -> memref<1x80xi32, #tpu.memory_space<vmem>>
        %dma_start3A_276 = tpu.memref_squeeze %dma_start3A_275 : memref<1x80xi32, #tpu.memory_space<vmem>> -> memref<80xi32, #tpu.memory_space<vmem>>
        %dma_start3A_277 = arith.constant 0 : i32
        %dma_start3A_278 = arith.constant 0 : i32
        %dma_start3A_279 = tpu.memref_slice %arg2[%dma_start3A_277, %dma_start3A_278] : memref<10000x32xi32, #tpu.memory_space<hbm>> -> memref<10000x32xi32, #tpu.memory_space<hbm>>
        tpu.enqueue_indirect_dma source(%dma_start3A_279 : memref<10000x32xi32, #tpu.memory_space<hbm>>) target(%dma_start3A_273 : memref<80x32xi32, #tpu.memory_space<vmem>>) offsets(%dma_start3A_276 : memref<80xi32, #tpu.memory_space<vmem>>) semaphore(%arg14 : memref<!tpu.dma_semaphore, #tpu.memory_space<semaphore_mem>>)
        %dma_start3A_280 = arith.constant 320 : i32
        %dma_start3A_281 = arith.constant 0 : i32
        %dma_start3A_282 = tpu.memref_slice %arg11[%dma_start3A_280, %dma_start3A_281] : memref<400x32xi32, #tpu.memory_space<vmem>> -> memref<80x32xi32, #tpu.memory_space<vmem>>
        %dma_start3A_283 = arith.constant 0 : i32
        %dma_start3A_284 = tpu.memref_slice %arg8[%add3A_270, %dma_start3A_283] : memref<125x80xi32, #tpu.memory_space<vmem>> -> memref<1x80xi32, #tpu.memory_space<vmem>>
        %dma_start3A_285 = tpu.memref_squeeze %dma_start3A_284 : memref<1x80xi32, #tpu.memory_space<vmem>> -> memref<80xi32, #tpu.memory_space<vmem>>
        %dma_start3A_286 = arith.constant 0 : i32
        %dma_start3A_287 = arith.constant 0 : i32
        %dma_start3A_288 = tpu.memref_slice %arg3[%dma_start3A_286, %dma_start3A_287] : memref<10000x32xi32, #tpu.memory_space<hbm>> -> memref<10000x32xi32, #tpu.memory_space<hbm>>
        tpu.enqueue_indirect_dma source(%dma_start3A_288 : memref<10000x32xi32, #tpu.memory_space<hbm>>) target(%dma_start3A_282 : memref<80x32xi32, #tpu.memory_space<vmem>>) offsets(%dma_start3A_285 : memref<80xi32, #tpu.memory_space<vmem>>) semaphore(%arg15 : memref<!tpu.dma_semaphore, #tpu.memory_space<semaphore_mem>>)
      } else {
      }
      %lt3A_174 = arith.constant 25 : i32
      %lt3A_175 = arith.cmpi slt, %add3A_150, %lt3A_174 : i32
      %convert_element_type3A_176 = arith.extui %lt3A_175 : i1 to i32
      %cond3A_177 = arith.constant 0 : i32
      %cond3A_178 = arith.cmpi ne, %convert_element_type3A_176, %cond3A_177 : i32
      scf.if %cond3A_178 {
        %dma_wait3A_179 = arith.constant 0 : i32
        %dma_wait3A_180 = arith.constant 0 : i32
        %dma_wait3A_181 = tpu.memref_slice %arg5[%dma_wait3A_179, %dma_wait3A_180] : memref<320000x32xi32, #tpu.memory_space<hbm>> -> memref<400x32xi32, #tpu.memory_space<hbm>>
        %dma_wait3A_182 = arith.constant 0 : i32
        %dma_wait3A_183 = arith.constant 0 : i32
        %dma_wait3A_184 = tpu.memref_slice %arg5[%dma_wait3A_182, %dma_wait3A_183] : memref<320000x32xi32, #tpu.memory_space<hbm>> -> memref<400x32xi32, #tpu.memory_space<hbm>>
        tpu.wait_dma2 semaphore(%arg16 : memref<!tpu.dma_semaphore, #tpu.memory_space<semaphore_mem>>) src(%dma_wait3A_184 : memref<400x32xi32, #tpu.memory_space<hbm>>) dst(%arg12 : memref<400x32xi32, #tpu.memory_space<vmem>>)
        %dma_wait3A_185 = arith.constant 0 : i32
        %dma_wait3A_186 = arith.constant 0 : i32
        %dma_wait3A_187 = tpu.memref_slice %arg6[%dma_wait3A_185, %dma_wait3A_186] : memref<320000x32xi32, #tpu.memory_space<hbm>> -> memref<400x32xi32, #tpu.memory_space<hbm>>
        %dma_wait3A_188 = arith.constant 0 : i32
        %dma_wait3A_189 = arith.constant 0 : i32
        %dma_wait3A_190 = tpu.memref_slice %arg6[%dma_wait3A_188, %dma_wait3A_189] : memref<320000x32xi32, #tpu.memory_space<hbm>> -> memref<400x32xi32, #tpu.memory_space<hbm>>
        tpu.wait_dma2 semaphore(%arg17 : memref<!tpu.dma_semaphore, #tpu.memory_space<semaphore_mem>>) src(%dma_wait3A_190 : memref<400x32xi32, #tpu.memory_space<hbm>>) dst(%arg13 : memref<400x32xi32, #tpu.memory_space<vmem>>)
        %mul3A_191 = arith.constant 400 : i32
        %mul3A_192 = arith.muli %add3A_150, %mul3A_191 : i32
        %add3A_193 = arith.addi %mul3A_2, %mul3A_192 : i32
        "tpu.region"() ({
          %run_scoped3A_194 = tpu.sem_alloc : memref<!tpu.dma_semaphore, #tpu.memory_space<semaphore_mem>>
          %dma_start3A_195 = arith.constant 0 : i32
          %dma_start3A_196 = tpu.memref_slice %arg5[%add3A_193, %dma_start3A_195] : memref<320000x32xi32, #tpu.memory_space<hbm>> -> memref<400x32xi32, #tpu.memory_space<hbm>>
          %dma_start3A_197 = arith.constant 0 : i32
          %dma_start3A_198 = tpu.memref_slice %arg5[%add3A_193, %dma_start3A_197] : memref<320000x32xi32, #tpu.memory_space<hbm>> -> memref<400x32xi32, #tpu.memory_space<hbm>>
          tpu.enqueue_dma source(%arg12 : memref<400x32xi32, #tpu.memory_space<vmem>>) target(%dma_start3A_198 : memref<400x32xi32, #tpu.memory_space<hbm>>) target_semaphore(%run_scoped3A_194 : memref<!tpu.dma_semaphore, #tpu.memory_space<semaphore_mem>>)
          %dma_wait3A_199 = arith.constant 0 : i32
          %dma_wait3A_200 = tpu.memref_slice %arg5[%add3A_193, %dma_wait3A_199] : memref<320000x32xi32, #tpu.memory_space<hbm>> -> memref<400x32xi32, #tpu.memory_space<hbm>>
          %dma_wait3A_201 = arith.constant 0 : i32
          %dma_wait3A_202 = tpu.memref_slice %arg5[%add3A_193, %dma_wait3A_201] : memref<320000x32xi32, #tpu.memory_space<hbm>> -> memref<400x32xi32, #tpu.memory_space<hbm>>
          tpu.wait_dma2 semaphore(%run_scoped3A_194 : memref<!tpu.dma_semaphore, #tpu.memory_space<semaphore_mem>>) src(%arg12 : memref<400x32xi32, #tpu.memory_space<vmem>>) dst(%dma_wait3A_202 : memref<400x32xi32, #tpu.memory_space<hbm>>)
          tpu.yield
        }) : () -> ()
        "tpu.region"() ({
          %run_scoped3A_194 = tpu.sem_alloc : memref<!tpu.dma_semaphore, #tpu.memory_space<semaphore_mem>>
          %dma_start3A_195 = arith.constant 0 : i32
          %dma_start3A_196 = tpu.memref_slice %arg6[%add3A_193, %dma_start3A_195] : memref<320000x32xi32, #tpu.memory_space<hbm>> -> memref<400x32xi32, #tpu.memory_space<hbm>>
          %dma_start3A_197 = arith.constant 0 : i32
          %dma_start3A_198 = tpu.memref_slice %arg6[%add3A_193, %dma_start3A_197] : memref<320000x32xi32, #tpu.memory_space<hbm>> -> memref<400x32xi32, #tpu.memory_space<hbm>>
          tpu.enqueue_dma source(%arg13 : memref<400x32xi32, #tpu.memory_space<vmem>>) target(%dma_start3A_198 : memref<400x32xi32, #tpu.memory_space<hbm>>) target_semaphore(%run_scoped3A_194 : memref<!tpu.dma_semaphore, #tpu.memory_space<semaphore_mem>>)
          %dma_wait3A_199 = arith.constant 0 : i32
          %dma_wait3A_200 = tpu.memref_slice %arg6[%add3A_193, %dma_wait3A_199] : memref<320000x32xi32, #tpu.memory_space<hbm>> -> memref<400x32xi32, #tpu.memory_space<hbm>>
          %dma_wait3A_201 = arith.constant 0 : i32
          %dma_wait3A_202 = tpu.memref_slice %arg6[%add3A_193, %dma_wait3A_201] : memref<320000x32xi32, #tpu.memory_space<hbm>> -> memref<400x32xi32, #tpu.memory_space<hbm>>
          tpu.wait_dma2 semaphore(%run_scoped3A_194 : memref<!tpu.dma_semaphore, #tpu.memory_space<semaphore_mem>>) src(%arg13 : memref<400x32xi32, #tpu.memory_space<vmem>>) dst(%dma_wait3A_202 : memref<400x32xi32, #tpu.memory_space<hbm>>)
          tpu.yield
        }) : () -> ()
      } else {
      }
    }
    %scan3A_145 = arith.constant 13 : i32
    return
  }
}

module attributes {stable_mosaic.version = 14 : i64} {
  func.func @_proj_body(%arg0: memref<10000x128xf32, #tpu.memory_space<vmem>>, %arg1: memref<128x32xf32, #tpu.memory_space<vmem>>, %arg2: memref<128x32xf32, #tpu.memory_space<vmem>>, %arg3: memref<128x32xf32, #tpu.memory_space<vmem>>, %arg4: memref<128x32xf32, #tpu.memory_space<vmem>>, %arg5: memref<10000x32xi32, #tpu.memory_space<vmem>>, %arg6: memref<10000x32xi32, #tpu.memory_space<vmem>>) attributes {dimension_semantics = [], scalar_prefetch = 0 : i64, scratch_operands = 0 : i64, tpu.core_type = #tpu.core_type<tc>} {
    %get3A = arith.constant 0 : index
    %get3A_0 = arith.constant 0 : index
    %get3A_1 = vector.load %arg0[%get3A, %get3A_0] : memref<10000x128xf32, #tpu.memory_space<vmem>>, vector<10000x128xf32>
    %get3A_2 = arith.constant 0 : index
    %get3A_3 = arith.constant 0 : index
    %get3A_4 = vector.load %arg1[%get3A_2, %get3A_3] : memref<128x32xf32, #tpu.memory_space<vmem>>, vector<128x32xf32>
    %dot_general3A = arith.constant dense<0.000000e+00> : vector<10000x32xf32>
    %dot_general3A_5 = tpu.matmul %get3A_1, %get3A_4, %dot_general3A {dimension_numbers = #tpu.dot_dimension_numbers<[1], [0], [0], [1], [0, 0, 1, 1], [], []>, transpose_lhs_hint = false} : vector<10000x128xf32>, vector<128x32xf32>, vector<10000x32xf32> -> vector<10000x32xf32>
    %get3A_6 = arith.constant 0 : index
    %get3A_7 = arith.constant 0 : index
    %get3A_8 = vector.load %arg2[%get3A_6, %get3A_7] : memref<128x32xf32, #tpu.memory_space<vmem>>, vector<128x32xf32>
    %dot_general3A_9 = arith.constant dense<0.000000e+00> : vector<10000x32xf32>
    %dot_general3A_10 = tpu.matmul %get3A_1, %get3A_8, %dot_general3A_9 {dimension_numbers = #tpu.dot_dimension_numbers<[1], [0], [0], [1], [0, 0, 1, 1], [], []>, transpose_lhs_hint = false} : vector<10000x128xf32>, vector<128x32xf32>, vector<10000x32xf32> -> vector<10000x32xf32>
    %bitcast_convert_type3A = tpu.bitcast %dot_general3A_5 : vector<10000x32xf32> -> vector<10000x32xi32>
    %add3A = arith.constant 32767 : i32
    %add3A_11 = vector.broadcast %add3A : i32 to vector<10000x32xi32>
    %add3A_12 = arith.addi %bitcast_convert_type3A, %add3A_11 : vector<10000x32xi32>
    %shift_right_arithmetic3A = arith.constant 16 : i32
    %shift_right_arithmetic3A_13 = vector.broadcast %shift_right_arithmetic3A : i32 to vector<10000x32xi32>
    %shift_right_arithmetic3A_14 = arith.shrsi %bitcast_convert_type3A, %shift_right_arithmetic3A_13 : vector<10000x32xi32>
    %and3A = arith.constant 1 : i32
    %and3A_15 = vector.broadcast %and3A : i32 to vector<10000x32xi32>
    %and3A_16 = arith.andi %shift_right_arithmetic3A_14, %and3A_15 : vector<10000x32xi32>
    %add3A_17 = arith.addi %add3A_12, %and3A_16 : vector<10000x32xi32>
    %and3A_18 = arith.constant -65536 : i32
    %and3A_19 = vector.broadcast %and3A_18 : i32 to vector<10000x32xi32>
    %and3A_20 = arith.andi %add3A_17, %and3A_19 : vector<10000x32xi32>
    %shift_right_logical3A = arith.constant 16 : i32
    %shift_right_logical3A_21 = vector.broadcast %shift_right_logical3A : i32 to vector<10000x32xi32>
    %shift_right_logical3A_22 = arith.shrui %and3A_20, %shift_right_logical3A_21 : vector<10000x32xi32>
    %bitcast_convert_type3A_23 = tpu.bitcast %dot_general3A_10 : vector<10000x32xf32> -> vector<10000x32xi32>
    %add3A_24 = arith.constant 32767 : i32
    %add3A_25 = vector.broadcast %add3A_24 : i32 to vector<10000x32xi32>
    %add3A_26 = arith.addi %bitcast_convert_type3A_23, %add3A_25 : vector<10000x32xi32>
    %shift_right_arithmetic3A_27 = arith.constant 16 : i32
    %shift_right_arithmetic3A_28 = vector.broadcast %shift_right_arithmetic3A_27 : i32 to vector<10000x32xi32>
    %shift_right_arithmetic3A_29 = arith.shrsi %bitcast_convert_type3A_23, %shift_right_arithmetic3A_28 : vector<10000x32xi32>
    %and3A_30 = arith.constant 1 : i32
    %and3A_31 = vector.broadcast %and3A_30 : i32 to vector<10000x32xi32>
    %and3A_32 = arith.andi %shift_right_arithmetic3A_29, %and3A_31 : vector<10000x32xi32>
    %add3A_33 = arith.addi %add3A_26, %and3A_32 : vector<10000x32xi32>
    %and3A_34 = arith.constant -65536 : i32
    %and3A_35 = vector.broadcast %and3A_34 : i32 to vector<10000x32xi32>
    %and3A_36 = arith.andi %add3A_33, %and3A_35 : vector<10000x32xi32>
    %or3A = arith.ori %and3A_36, %shift_right_logical3A_22 : vector<10000x32xi32>
    %swap3A = arith.constant 0 : index
    %swap3A_37 = arith.constant 0 : index
    %swap3A_38 = vector.load %arg5[%swap3A, %swap3A_37] : memref<10000x32xi32, #tpu.memory_space<vmem>>, vector<10000x32xi32>
    tpu.vector_store %arg5[%swap3A, %swap3A_37], %or3A {strides = array<i32>} : memref<10000x32xi32, #tpu.memory_space<vmem>>, vector<10000x32xi32>,
    %get3A_39 = arith.constant 0 : index
    %get3A_40 = arith.constant 0 : index
    %get3A_41 = vector.load %arg3[%get3A_39, %get3A_40] : memref<128x32xf32, #tpu.memory_space<vmem>>, vector<128x32xf32>
    %dot_general3A_42 = arith.constant dense<0.000000e+00> : vector<10000x32xf32>
    %dot_general3A_43 = tpu.matmul %get3A_1, %get3A_41, %dot_general3A_42 {dimension_numbers = #tpu.dot_dimension_numbers<[1], [0], [0], [1], [0, 0, 1, 1], [], []>, transpose_lhs_hint = false} : vector<10000x128xf32>, vector<128x32xf32>, vector<10000x32xf32> -> vector<10000x32xf32>
    %get3A_44 = arith.constant 0 : index
    %get3A_45 = arith.constant 0 : index
    %get3A_46 = vector.load %arg4[%get3A_44, %get3A_45] : memref<128x32xf32, #tpu.memory_space<vmem>>, vector<128x32xf32>
    %dot_general3A_47 = arith.constant dense<0.000000e+00> : vector<10000x32xf32>
    %dot_general3A_48 = tpu.matmul %get3A_1, %get3A_46, %dot_general3A_47 {dimension_numbers = #tpu.dot_dimension_numbers<[1], [0], [0], [1], [0, 0, 1, 1], [], []>, transpose_lhs_hint = false} : vector<10000x128xf32>, vector<128x32xf32>, vector<10000x32xf32> -> vector<10000x32xf32>
    %bitcast_convert_type3A_49 = tpu.bitcast %dot_general3A_43 : vector<10000x32xf32> -> vector<10000x32xi32>
    %add3A_50 = arith.constant 32767 : i32
    %add3A_51 = vector.broadcast %add3A_50 : i32 to vector<10000x32xi32>
    %add3A_52 = arith.addi %bitcast_convert_type3A_49, %add3A_51 : vector<10000x32xi32>
    %shift_right_arithmetic3A_53 = arith.constant 16 : i32
    %shift_right_arithmetic3A_54 = vector.broadcast %shift_right_arithmetic3A_53 : i32 to vector<10000x32xi32>
    %shift_right_arithmetic3A_55 = arith.shrsi %bitcast_convert_type3A_49, %shift_right_arithmetic3A_54 : vector<10000x32xi32>
    %and3A_56 = arith.constant 1 : i32
    %and3A_57 = vector.broadcast %and3A_56 : i32 to vector<10000x32xi32>
    %and3A_58 = arith.andi %shift_right_arithmetic3A_55, %and3A_57 : vector<10000x32xi32>
    %add3A_59 = arith.addi %add3A_52, %and3A_58 : vector<10000x32xi32>
    %and3A_60 = arith.constant -65536 : i32
    %and3A_61 = vector.broadcast %and3A_60 : i32 to vector<10000x32xi32>
    %and3A_62 = arith.andi %add3A_59, %and3A_61 : vector<10000x32xi32>
    %shift_right_logical3A_63 = arith.constant 16 : i32
    %shift_right_logical3A_64 = vector.broadcast %shift_right_logical3A_63 : i32 to vector<10000x32xi32>
    %shift_right_logical3A_65 = arith.shrui %and3A_62, %shift_right_logical3A_64 : vector<10000x32xi32>
    %bitcast_convert_type3A_66 = tpu.bitcast %dot_general3A_48 : vector<10000x32xf32> -> vector<10000x32xi32>
    %add3A_67 = arith.constant 32767 : i32
    %add3A_68 = vector.broadcast %add3A_67 : i32 to vector<10000x32xi32>
    %add3A_69 = arith.addi %bitcast_convert_type3A_66, %add3A_68 : vector<10000x32xi32>
    %shift_right_arithmetic3A_70 = arith.constant 16 : i32
    %shift_right_arithmetic3A_71 = vector.broadcast %shift_right_arithmetic3A_70 : i32 to vector<10000x32xi32>
    %shift_right_arithmetic3A_72 = arith.shrsi %bitcast_convert_type3A_66, %shift_right_arithmetic3A_71 : vector<10000x32xi32>
    %and3A_73 = arith.constant 1 : i32
    %and3A_74 = vector.broadcast %and3A_73 : i32 to vector<10000x32xi32>
    %and3A_75 = arith.andi %shift_right_arithmetic3A_72, %and3A_74 : vector<10000x32xi32>
    %add3A_76 = arith.addi %add3A_69, %and3A_75 : vector<10000x32xi32>
    %and3A_77 = arith.constant -65536 : i32
    %and3A_78 = vector.broadcast %and3A_77 : i32 to vector<10000x32xi32>
    %and3A_79 = arith.andi %add3A_76, %and3A_78 : vector<10000x32xi32>
    %or3A_80 = arith.ori %and3A_79, %shift_right_logical3A_65 : vector<10000x32xi32>
    %swap3A_81 = arith.constant 0 : index
    %swap3A_82 = arith.constant 0 : index
    %swap3A_83 = vector.load %arg6[%swap3A_81, %swap3A_82] : memref<10000x32xi32, #tpu.memory_space<vmem>>, vector<10000x32xi32>
    tpu.vector_store %arg6[%swap3A_81, %swap3A_82], %or3A_80 {strides = array<i32>} : memref<10000x32xi32, #tpu.memory_space<vmem>>, vector<10000x32xi32>,
    return
  }
}

module attributes {stable_mosaic.version = 14 : i64} {
  func.func @_mlp_body(%arg0: i32, %arg1: memref<3200x128xi32, #tpu.memory_space<vmem>>, %arg2: memref<3200x128xi32, #tpu.memory_space<vmem>>, %arg3: memref<16x3200xf32, #tpu.memory_space<vmem>>, %arg4: memref<16x3200xf32, #tpu.memory_space<vmem>>, %arg5: memref<16x3200xf32, #tpu.memory_space<vmem>>, %arg6: memref<16x3200xf32, #tpu.memory_space<vmem>>, %arg7: memref<64x128xf32, #tpu.memory_space<vmem>>, %arg8: memref<64x128xf32, #tpu.memory_space<vmem>>, %arg9: memref<1x128xf32, #tpu.memory_space<vmem>>, %arg10: memref<1x128xf32, #tpu.memory_space<vmem>>, %arg11: memref<128x64xf32, #tpu.memory_space<vmem>>, %arg12: memref<128x64xf32, #tpu.memory_space<vmem>>, %arg13: memref<64x1xf32, #tpu.memory_space<vmem>>, %arg14: memref<64x1xf32, #tpu.memory_space<vmem>>, %arg15: memref<64x1xf32, #tpu.memory_space<vmem>>, %arg16: memref<64x64xf32, #tpu.memory_space<vmem>>, %arg17: memref<4x16x3200xf32, #tpu.memory_space<vmem>>) attributes {dimension_semantics = [#tpu.dimension_semantics<arbitrary>], iteration_bounds = array<i64: 25>, scalar_prefetch = 0 : i64, scratch_operands = 0 : i64, tpu.core_type = #tpu.core_type<tc>, window_params = [{transform_indices = @transform_0, window_bounds = array<i64: 3200, 128>}, {transform_indices = @transform_1, window_bounds = array<i64: 3200, 128>}, {transform_indices = @transform_2, window_bounds = array<i64: 16, 3200>}, {transform_indices = @transform_3, window_bounds = array<i64: 16, 3200>}, {transform_indices = @transform_4, window_bounds = array<i64: 16, 3200>}, {transform_indices = @transform_5, window_bounds = array<i64: 16, 3200>}, {pipeline_mode = #tpu.pipeline_mode<synchronous>, transform_indices = @transform_6, window_bounds = array<i64: 64, 128>}, {pipeline_mode = #tpu.pipeline_mode<synchronous>, transform_indices = @transform_7, window_bounds = array<i64: 64, 128>}, {pipeline_mode = #tpu.pipeline_mode<synchronous>, transform_indices = @transform_8, window_bounds = array<i64: 1, 128>}, {pipeline_mode = #tpu.pipeline_mode<synchronous>, transform_indices = @transform_9, window_bounds = array<i64: 1, 128>}, {pipeline_mode = #tpu.pipeline_mode<synchronous>, transform_indices = @transform_10, window_bounds = array<i64: 128, 64>}, {pipeline_mode = #tpu.pipeline_mode<synchronous>, transform_indices = @transform_11, window_bounds = array<i64: 128, 64>}, {pipeline_mode = #tpu.pipeline_mode<synchronous>, transform_indices = @transform_12, window_bounds = array<i64: 64, 1>}, {pipeline_mode = #tpu.pipeline_mode<synchronous>, transform_indices = @transform_13, window_bounds = array<i64: 64, 1>}, {pipeline_mode = #tpu.pipeline_mode<synchronous>, transform_indices = @transform_14, window_bounds = array<i64: 64, 1>}, {pipeline_mode = #tpu.pipeline_mode<synchronous>, transform_indices = @transform_15, window_bounds = array<i64: 64, 64>}, {transform_indices = @transform_16, window_bounds = array<i64: 4, 16, 3200>}]} {
    %get3A = arith.constant 0 : index
    %get3A_0 = arith.constant 0 : index
    %get3A_1 = vector.load %arg1[%get3A, %get3A_0] : memref<3200x128xi32, #tpu.memory_space<vmem>>, vector<3200x128xi32>
    %get3A_2 = arith.constant 0 : index
    %get3A_3 = arith.constant 0 : index
    %get3A_4 = vector.load %arg2[%get3A_2, %get3A_3] : memref<3200x128xi32, #tpu.memory_space<vmem>>, vector<3200x128xi32>
    %shift_left3A = arith.constant 16 : i32
    %shift_left3A_5 = vector.broadcast %shift_left3A : i32 to vector<3200x128xi32>
    %shift_left3A_6 = arith.shli %get3A_1, %shift_left3A_5 : vector<3200x128xi32>
    %bitcast_convert_type3A = tpu.bitcast %shift_left3A_6 : vector<3200x128xi32> -> vector<3200x128xf32>
    %and3A = arith.constant -65536 : i32
    %and3A_7 = vector.broadcast %and3A : i32 to vector<3200x128xi32>
    %and3A_8 = arith.andi %get3A_1, %and3A_7 : vector<3200x128xi32>
    %bitcast_convert_type3A_9 = tpu.bitcast %and3A_8 : vector<3200x128xi32> -> vector<3200x128xf32>
    %shift_left3A_10 = arith.constant 16 : i32
    %shift_left3A_11 = vector.broadcast %shift_left3A_10 : i32 to vector<3200x128xi32>
    %shift_left3A_12 = arith.shli %get3A_4, %shift_left3A_11 : vector<3200x128xi32>
    %bitcast_convert_type3A_13 = tpu.bitcast %shift_left3A_12 : vector<3200x128xi32> -> vector<3200x128xf32>
    %and3A_14 = arith.constant -65536 : i32
    %and3A_15 = vector.broadcast %and3A_14 : i32 to vector<3200x128xi32>
    %and3A_16 = arith.andi %get3A_4, %and3A_15 : vector<3200x128xi32>
    %bitcast_convert_type3A_17 = tpu.bitcast %and3A_16 : vector<3200x128xi32> -> vector<3200x128xf32>
    %get3A_18 = arith.constant 0 : index
    %get3A_19 = arith.constant 0 : index
    %get3A_20 = vector.load %arg3[%get3A_18, %get3A_19] : memref<16x3200xf32, #tpu.memory_space<vmem>>, vector<16x3200xf32>
    %get3A_21 = arith.constant 0 : index
    %get3A_22 = arith.constant 0 : index
    %get3A_23 = vector.load %arg4[%get3A_21, %get3A_22] : memref<16x3200xf32, #tpu.memory_space<vmem>>, vector<16x3200xf32>
    %get3A_24 = arith.constant 0 : index
    %get3A_25 = arith.constant 0 : index
    %get3A_26 = vector.load %arg5[%get3A_24, %get3A_25] : memref<16x3200xf32, #tpu.memory_space<vmem>>, vector<16x3200xf32>
    %get3A_27 = arith.constant 0 : index
    %get3A_28 = arith.constant 0 : index
    %get3A_29 = vector.load %arg6[%get3A_27, %get3A_28] : memref<16x3200xf32, #tpu.memory_space<vmem>>, vector<16x3200xf32>
    %concatenate3A = tpu.concatenate %get3A_20, %get3A_23, %get3A_26, %get3A_29 in 0 : vector<16x3200xf32>, vector<16x3200xf32>, vector<16x3200xf32>, vector<16x3200xf32> -> vector<64x3200xf32>
    %get3A_30 = arith.constant 0 : index
    %get3A_31 = arith.constant 0 : index
    %get3A_32 = vector.load %arg7[%get3A_30, %get3A_31] : memref<64x128xf32, #tpu.memory_space<vmem>>, vector<64x128xf32>
    %dot_general3A = arith.constant dense<0.000000e+00> : vector<3200x128xf32>
    %dot_general3A_33 = tpu.matmul %concatenate3A, %get3A_32, %dot_general3A {dimension_numbers = #tpu.dot_dimension_numbers<[0], [0], [1], [1], [0, 1, 1, 1], [], []>, transpose_lhs_hint = false} : vector<64x3200xf32>, vector<64x128xf32>, vector<3200x128xf32> -> vector<3200x128xf32>
    %get3A_34 = arith.constant 0 : index
    %get3A_35 = arith.constant 0 : index
    %get3A_36 = vector.load %arg8[%get3A_34, %get3A_35] : memref<64x128xf32, #tpu.memory_space<vmem>>, vector<64x128xf32>
    %dot_general3A_37 = arith.constant dense<0.000000e+00> : vector<3200x128xf32>
    %dot_general3A_38 = tpu.matmul %concatenate3A, %get3A_36, %dot_general3A_37 {dimension_numbers = #tpu.dot_dimension_numbers<[0], [0], [1], [1], [0, 1, 1, 1], [], []>, transpose_lhs_hint = false} : vector<64x3200xf32>, vector<64x128xf32>, vector<3200x128xf32> -> vector<3200x128xf32>
    %add3A = arith.addf %dot_general3A_33, %bitcast_convert_type3A : vector<3200x128xf32>
    %add3A_39 = arith.addf %add3A, %bitcast_convert_type3A_13 : vector<3200x128xf32>
    %get3A_40 = arith.constant 0 : index
    %get3A_41 = arith.constant 0 : index
    %get3A_42 = vector.load %arg9[%get3A_40, %get3A_41] : memref<1x128xf32, #tpu.memory_space<vmem>>, vector<1x128xf32>
    %add3A_43 = vector.broadcast %get3A_42 : vector<1x128xf32> to vector<3200x128xf32>
    %add3A_44 = arith.addf %add3A_39, %add3A_43 : vector<3200x128xf32>
    %add3A_45 = arith.addf %dot_general3A_38, %bitcast_convert_type3A_9 : vector<3200x128xf32>
    %add3A_46 = arith.addf %add3A_45, %bitcast_convert_type3A_17 : vector<3200x128xf32>
    %get3A_47 = arith.constant 0 : index
    %get3A_48 = arith.constant 0 : index
    %get3A_49 = vector.load %arg10[%get3A_47, %get3A_48] : memref<1x128xf32, #tpu.memory_space<vmem>>, vector<1x128xf32>
    %add3A_50 = vector.broadcast %get3A_49 : vector<1x128xf32> to vector<3200x128xf32>
    %add3A_51 = arith.addf %add3A_46, %add3A_50 : vector<3200x128xf32>
    %logistic3A = arith.negf %add3A_44 : vector<3200x128xf32>
    %logistic3A_52 = math.exp %logistic3A : vector<3200x128xf32>
    %logistic3A_53 = arith.constant 1.000000e+00 : f32
    %logistic3A_54 = vector.broadcast %logistic3A_53 : f32 to vector<3200x128xf32>
    %logistic3A_55 = arith.addf %logistic3A_54, %logistic3A_52 : vector<3200x128xf32>
    %logistic3A_56 = arith.divf %logistic3A_54, %logistic3A_55 : vector<3200x128xf32>
    %mul3A = arith.mulf %add3A_44, %logistic3A_56 : vector<3200x128xf32>
    %logistic3A_57 = arith.negf %add3A_51 : vector<3200x128xf32>
    %logistic3A_58 = math.exp %logistic3A_57 : vector<3200x128xf32>
    %logistic3A_59 = arith.constant 1.000000e+00 : f32
    %logistic3A_60 = vector.broadcast %logistic3A_59 : f32 to vector<3200x128xf32>
    %logistic3A_61 = arith.addf %logistic3A_60, %logistic3A_58 : vector<3200x128xf32>
    %logistic3A_62 = arith.divf %logistic3A_60, %logistic3A_61 : vector<3200x128xf32>
    %mul3A_63 = arith.mulf %add3A_51, %logistic3A_62 : vector<3200x128xf32>
    %get3A_64 = arith.constant 0 : index
    %get3A_65 = arith.constant 0 : index
    %get3A_66 = vector.load %arg11[%get3A_64, %get3A_65] : memref<128x64xf32, #tpu.memory_space<vmem>>, vector<128x64xf32>
    %dot_general3A_67 = arith.constant dense<0.000000e+00> : vector<64x3200xf32>
    %dot_general3A_68 = tpu.matmul %get3A_66, %mul3A, %dot_general3A_67 {dimension_numbers = #tpu.dot_dimension_numbers<[0], [1], [1], [0], [0, 1, 1, 0], [], []>, transpose_lhs_hint = false} : vector<128x64xf32>, vector<3200x128xf32>, vector<64x3200xf32> -> vector<64x3200xf32>
    %get3A_69 = arith.constant 0 : index
    %get3A_70 = arith.constant 0 : index
    %get3A_71 = vector.load %arg12[%get3A_69, %get3A_70] : memref<128x64xf32, #tpu.memory_space<vmem>>, vector<128x64xf32>
    %dot_general3A_72 = arith.constant dense<0.000000e+00> : vector<64x3200xf32>
    %dot_general3A_73 = tpu.matmul %get3A_71, %mul3A_63, %dot_general3A_72 {dimension_numbers = #tpu.dot_dimension_numbers<[0], [1], [1], [0], [0, 1, 1, 0], [], []>, transpose_lhs_hint = false} : vector<128x64xf32>, vector<3200x128xf32>, vector<64x3200xf32> -> vector<64x3200xf32>
    %add3A_74 = arith.addf %dot_general3A_68, %dot_general3A_73 : vector<64x3200xf32>
    %get3A_75 = arith.constant 0 : index
    %get3A_76 = arith.constant 0 : index
    %get3A_77 = vector.load %arg13[%get3A_75, %get3A_76] : memref<64x1xf32, #tpu.memory_space<vmem>>, vector<64x1xf32>
    %add3A_78 = vector.broadcast %get3A_77 : vector<64x1xf32> to vector<64x3200xf32>
    %add3A_79 = arith.addf %add3A_74, %add3A_78 : vector<64x3200xf32>
    %get3A_80 = arith.constant 0 : index
    %get3A_81 = arith.constant 0 : index
    %get3A_82 = vector.load %arg16[%get3A_80, %get3A_81] : memref<64x64xf32, #tpu.memory_space<vmem>>, vector<64x64xf32>
    %dot_general3A_83 = arith.constant dense<0.000000e+00> : vector<64x3200xf32>
    %dot_general3A_84 = tpu.matmul %get3A_82, %add3A_79, %dot_general3A_83 {dimension_numbers = #tpu.dot_dimension_numbers<[0], [0], [1], [1], [0, 1, 1, 1], [], []>, transpose_lhs_hint = false} : vector<64x64xf32>, vector<64x3200xf32>, vector<64x3200xf32> -> vector<64x3200xf32>
    %sub3A = arith.subf %add3A_79, %dot_general3A_84 : vector<64x3200xf32>
    %mul3A_85 = arith.mulf %sub3A, %sub3A : vector<64x3200xf32>
    %dot_general3A_86 = arith.constant dense<0.000000e+00> : vector<64x3200xf32>
    %dot_general3A_87 = tpu.matmul %get3A_82, %mul3A_85, %dot_general3A_86 {dimension_numbers = #tpu.dot_dimension_numbers<[0], [0], [1], [1], [0, 1, 1, 1], [], []>, transpose_lhs_hint = false} : vector<64x64xf32>, vector<64x3200xf32>, vector<64x3200xf32> -> vector<64x3200xf32>
    %add3A_88 = arith.constant 9.99999974E-6 : f32
    %add3A_89 = vector.broadcast %add3A_88 : f32 to vector<64x3200xf32>
    %add3A_90 = arith.addf %dot_general3A_87, %add3A_89 : vector<64x3200xf32>
    %rsqrt3A = math.rsqrt %add3A_90 : vector<64x3200xf32>
    %mul3A_91 = arith.mulf %sub3A, %rsqrt3A : vector<64x3200xf32>
    %get3A_92 = arith.constant 0 : index
    %get3A_93 = arith.constant 0 : index
    %get3A_94 = vector.load %arg14[%get3A_92, %get3A_93] : memref<64x1xf32, #tpu.memory_space<vmem>>, vector<64x1xf32>
    %mul3A_95 = vector.broadcast %get3A_94 : vector<64x1xf32> to vector<64x3200xf32>
    %mul3A_96 = arith.mulf %mul3A_91, %mul3A_95 : vector<64x3200xf32>
    %get3A_97 = arith.constant 0 : index
    %get3A_98 = arith.constant 0 : index
    %get3A_99 = vector.load %arg15[%get3A_97, %get3A_98] : memref<64x1xf32, #tpu.memory_space<vmem>>, vector<64x1xf32>
    %add3A_100 = vector.broadcast %get3A_99 : vector<64x1xf32> to vector<64x3200xf32>
    %add3A_101 = arith.addf %mul3A_96, %add3A_100 : vector<64x3200xf32>
    %slice3A = vector.extract_strided_slice %add3A_101 {offsets = [0, 0], sizes = [16, 3200], strides = [1, 1]} : vector<64x3200xf32> to vector<16x3200xf32>
    %swap3A = arith.constant 0 : index
    %swap3A_102 = arith.constant 0 : index
    %swap3A_103 = arith.constant 0 : index
    %swap3A_104 = vector.load %arg17[%swap3A, %swap3A_102, %swap3A_103] : memref<4x16x3200xf32, #tpu.memory_space<vmem>>, vector<1x16x3200xf32>
    %swap3A_105 = vector.shape_cast %swap3A_104 : vector<1x16x3200xf32> to vector<16x3200xf32>
    %swap3A_106 = vector.shape_cast %slice3A : vector<16x3200xf32> to vector<1x16x3200xf32>
    tpu.vector_store %arg17[%swap3A, %swap3A_102, %swap3A_103], %swap3A_106 {strides = array<i32>} : memref<4x16x3200xf32, #tpu.memory_space<vmem>>, vector<1x16x3200xf32>,
    %slice3A_107 = vector.extract_strided_slice %add3A_101 {offsets = [16, 0], sizes = [16, 3200], strides = [1, 1]} : vector<64x3200xf32> to vector<16x3200xf32>
    %swap3A_108 = arith.constant 1 : index
    %swap3A_109 = arith.constant 0 : index
    %swap3A_110 = arith.constant 0 : index
    %swap3A_111 = vector.load %arg17[%swap3A_108, %swap3A_109, %swap3A_110] : memref<4x16x3200xf32, #tpu.memory_space<vmem>>, vector<1x16x3200xf32>
    %swap3A_112 = vector.shape_cast %swap3A_111 : vector<1x16x3200xf32> to vector<16x3200xf32>
    %swap3A_113 = vector.shape_cast %slice3A_107 : vector<16x3200xf32> to vector<1x16x3200xf32>
    tpu.vector_store %arg17[%swap3A_108, %swap3A_109, %swap3A_110], %swap3A_113 {strides = array<i32>} : memref<4x16x3200xf32, #tpu.memory_space<vmem>>, vector<1x16x3200xf32>,
    %slice3A_114 = vector.extract_strided_slice %add3A_101 {offsets = [32, 0], sizes = [16, 3200], strides = [1, 1]} : vector<64x3200xf32> to vector<16x3200xf32>
    %swap3A_115 = arith.constant 2 : index
    %swap3A_116 = arith.constant 0 : index
    %swap3A_117 = arith.constant 0 : index
    %swap3A_118 = vector.load %arg17[%swap3A_115, %swap3A_116, %swap3A_117] : memref<4x16x3200xf32, #tpu.memory_space<vmem>>, vector<1x16x3200xf32>
    %swap3A_119 = vector.shape_cast %swap3A_118 : vector<1x16x3200xf32> to vector<16x3200xf32>
    %swap3A_120 = vector.shape_cast %slice3A_114 : vector<16x3200xf32> to vector<1x16x3200xf32>
    tpu.vector_store %arg17[%swap3A_115, %swap3A_116, %swap3A_117], %swap3A_120 {strides = array<i32>} : memref<4x16x3200xf32, #tpu.memory_space<vmem>>, vector<1x16x3200xf32>,
    %slice3A_121 = vector.extract_strided_slice %add3A_101 {offsets = [48, 0], sizes = [16, 3200], strides = [1, 1]} : vector<64x3200xf32> to vector<16x3200xf32>
    %swap3A_122 = arith.constant 3 : index
    %swap3A_123 = arith.constant 0 : index
    %swap3A_124 = arith.constant 0 : index
    %swap3A_125 = vector.load %arg17[%swap3A_122, %swap3A_123, %swap3A_124] : memref<4x16x3200xf32, #tpu.memory_space<vmem>>, vector<1x16x3200xf32>
    %swap3A_126 = vector.shape_cast %swap3A_125 : vector<1x16x3200xf32> to vector<16x3200xf32>
    %swap3A_127 = vector.shape_cast %slice3A_121 : vector<16x3200xf32> to vector<1x16x3200xf32>
    tpu.vector_store %arg17[%swap3A_122, %swap3A_123, %swap3A_124], %swap3A_127 {strides = array<i32>} : memref<4x16x3200xf32, #tpu.memory_space<vmem>>, vector<1x16x3200xf32>,
    return
  }
  func.func @transform_0(%arg0: i32) -> (i32, i32) {
    %c0_i32 = arith.constant 0 : i32
    %c0_i32_0 = arith.constant 0 : i32
    return %arg0, %c0_i32 : i32, i32
  }
  func.func @transform_1(%arg0: i32) -> (i32, i32) {
    %c0_i32 = arith.constant 0 : i32
    %c0_i32_0 = arith.constant 0 : i32
    return %arg0, %c0_i32 : i32, i32
  }
  func.func @transform_2(%arg0: i32) -> (i32, i32) {
    %add3A = arith.constant 0 : i32
    %add3A_0 = arith.addi %arg0, %add3A : i32
    %c0_i32 = arith.constant 0 : i32
    %c0_i32_1 = arith.constant 0 : i32
    return %c0_i32, %add3A_0 : i32, i32
  }
  func.func @transform_3(%arg0: i32) -> (i32, i32) {
    %add3A = arith.constant 25 : i32
    %add3A_0 = arith.addi %arg0, %add3A : i32
    %c0_i32 = arith.constant 0 : i32
    %c0_i32_1 = arith.constant 0 : i32
    return %c0_i32, %add3A_0 : i32, i32
  }
  func.func @transform_4(%arg0: i32) -> (i32, i32) {
    %add3A = arith.constant 50 : i32
    %add3A_0 = arith.addi %arg0, %add3A : i32
    %c0_i32 = arith.constant 0 : i32
    %c0_i32_1 = arith.constant 0 : i32
    return %c0_i32, %add3A_0 : i32, i32
  }
  func.func @transform_5(%arg0: i32) -> (i32, i32) {
    %add3A = arith.constant 75 : i32
    %add3A_0 = arith.addi %arg0, %add3A : i32
    %c0_i32 = arith.constant 0 : i32
    %c0_i32_1 = arith.constant 0 : i32
    return %c0_i32, %add3A_0 : i32, i32
  }
  func.func @transform_6(%arg0: i32) -> (i32, i32) {
    %c0_i32 = arith.constant 0 : i32
    %c0_i32_0 = arith.constant 0 : i32
    %c0_i32_1 = arith.constant 0 : i32
    return %c0_i32, %c0_i32_0 : i32, i32
  }
  func.func @transform_7(%arg0: i32) -> (i32, i32) {
    %c0_i32 = arith.constant 0 : i32
    %c0_i32_0 = arith.constant 0 : i32
    %c0_i32_1 = arith.constant 0 : i32
    return %c0_i32, %c0_i32_0 : i32, i32
  }
  func.func @transform_8(%arg0: i32) -> (i32, i32) {
    %c0_i32 = arith.constant 0 : i32
    %c0_i32_0 = arith.constant 0 : i32
    %c0_i32_1 = arith.constant 0 : i32
    return %c0_i32, %c0_i32_0 : i32, i32
  }
  func.func @transform_9(%arg0: i32) -> (i32, i32) {
    %c0_i32 = arith.constant 0 : i32
    %c0_i32_0 = arith.constant 0 : i32
    %c0_i32_1 = arith.constant 0 : i32
    return %c0_i32, %c0_i32_0 : i32, i32
  }
  func.func @transform_10(%arg0: i32) -> (i32, i32) {
    %c0_i32 = arith.constant 0 : i32
    %c0_i32_0 = arith.constant 0 : i32
    %c0_i32_1 = arith.constant 0 : i32
    return %c0_i32, %c0_i32_0 : i32, i32
  }
  func.func @transform_11(%arg0: i32) -> (i32, i32) {
    %c0_i32 = arith.constant 0 : i32
    %c0_i32_0 = arith.constant 0 : i32
    %c0_i32_1 = arith.constant 0 : i32
    return %c0_i32, %c0_i32_0 : i32, i32
  }
  func.func @transform_12(%arg0: i32) -> (i32, i32) {
    %c0_i32 = arith.constant 0 : i32
    %c0_i32_0 = arith.constant 0 : i32
    %c0_i32_1 = arith.constant 0 : i32
    return %c0_i32, %c0_i32_0 : i32, i32
  }
  func.func @transform_13(%arg0: i32) -> (i32, i32) {
    %c0_i32 = arith.constant 0 : i32
    %c0_i32_0 = arith.constant 0 : i32
    %c0_i32_1 = arith.constant 0 : i32
    return %c0_i32, %c0_i32_0 : i32, i32
  }
  func.func @transform_14(%arg0: i32) -> (i32, i32) {
    %c0_i32 = arith.constant 0 : i32
    %c0_i32_0 = arith.constant 0 : i32
    %c0_i32_1 = arith.constant 0 : i32
    return %c0_i32, %c0_i32_0 : i32, i32
  }
  func.func @transform_15(%arg0: i32) -> (i32, i32) {
    %c0_i32 = arith.constant 0 : i32
    %c0_i32_0 = arith.constant 0 : i32
    %c0_i32_1 = arith.constant 0 : i32
    return %c0_i32, %c0_i32_0 : i32, i32
  }
  func.func @transform_16(%arg0: i32) -> (i32, i32, i32) {
    %c0_i32 = arith.constant 0 : i32
    %c0_i32_0 = arith.constant 0 : i32
    %c0_i32_1 = arith.constant 0 : i32
    return %c0_i32, %c0_i32_0, %arg0 : i32, i32, i32
  }
}

</mosaic_0001>

<sc_bundles>
// kernel: kernel.5.cloned.1.call-start
scs
__scs_entry_jumppad:
0x0: {  	(pc) =	sbr.rel $0x88, $3  }
0x1: {  	(tag) =	ssettag $0x0;
	lr =	simm.s32 $0x1  }
0x2: {  	[smem:$0x3F98] =	sst lr;
	_ =	strace $0xD0000000  }
0x3: {  	_ = 	snop  }
0x4: {  	_ = 	snop  }
0x5: {  	_ = 	snop  }
0x6: {  	_ = 	snop  }
0x7: {  	_ = 	snop  }
__scs_overlays_trampoline_lowered:
0x8: {  	[smem:$0x3FA7] =	sst s0  }
0x9: {  	[smem:$0x3FA8] =	sst s1  }
0xa: {  	[smem:$0x3FA9] =	sst s2  }
0xb: {  	[smem:$0x3FAA] =	sst s3  }
0xc: {  	[smem:$0x3FAB] =	sst s4  }
0xd: {  	[smem:$0x3FAC] =	sst s5  }
0xe: {  	[smem:$0x3FAD] =	sst s6  }
0xf: {  	[smem:$0x3FAE] =	sst s7  }
0x10: {  	[smem:$0x3FAF] =	sst s8  }
0x11: {  	[smem:$0x3FB0] =	sst s9;
	s0 =	simm.s32 @!p0 $0x0  }
0x12: {  	s1 =	sld [smem:$0x3F96];
	s0 =	simm.s32 @p0 $0x1  }
0x13: {  	[smem:$0x3FB1] =	sst s0;
	s0 =	simm.s32 @!p1 $0x0  }
0x14: {  	s2 =	sld [smem:$0x3F95];
	s0 =	simm.s32 @p1 $0x1  }
0x15: {  	[smem:$0x3FB2] =	sst s0;
	s0 =	simm.s32 @!p2 $0x0  }
0x16: {  	s3 =	sld [smem:$0x3FDB];
	s0 =	simm.s32 @p2 $0x1  }
0x17: {  	s4 =	simm.s32 $0x1BF5;
	[smem:$0x3FB4] =	sst s0  }
0x18: {  	s0 =	sld [smem:$0x3F97];
	_ =	swait.ge [sflag:s4], $0x0  }
0x19: {  	s7 =	sld [smem:$0x3F98]  }
0x1a: {  	s8 =	sadd.s32 $0xFFFFE003, lr  }
0x1b: {  	s9 =	sadd.s32 $0xFFFFFEF7, lr;
	s5 =	simm.s32 $0xFFFFFFFF;
	p2 =	slt.u32 s8, $0xFFFFF086  }
0x1c: {  	p1 =	slt.u32 s9, $0xF7A;
	s5 =	simm.s32 @!p2 $0x0  }
0x1d: {  	s5 =	simm.s32 @p1 $0x1;
	p0 =	seq.s32 s7, s2  }
0x1e: {  	s7 =	smul.u32 @!p0 $0xF7A, s2;
	p2 =	seq.s32 @!p0 s5, $0x0  }
0x1f: {  	s9 =	smul.u32 $0xF7A, s1;
	s8 =	simm.s32 @!p0 $0x1BF5;
	p2 =	por !p2, p0  }
0x20: {  	[sflag:s8] =	ssyncset.s32 @!p0 $0xFFFFF086;
	s6 =	sadd.s32 @!p0 s3, s7;
	s7 =	simm.s32 @!p0 $0x108  }
0x21: {  	s3 =	sadd.s32 s3, s9;
	s6 =	sadd.s32 @!p0 $0x88, s6;
	s7 =	simm.s32 @p2 $0x1082  }
0x22: {  	[simem:s7], [sflag:s8] =	dma.local @!p0 [hbm:s6], $0xF7A  }
0x23: {  	s9 =	sor.u32 $0xD0000000, s2;
	s6 =	simm.s32 $0x108;
	_ =	swait.ge @!p0 [sflag:s8], $0x0  }
0x24: {  	s3 =	sadd.s32 $0x88, s3;
	s6 =	simm.s32 @!p1 $0x1082;
	[sflag:s4] =	ssyncset.s32 $0xFFFFF086  }
0x25: {  	[simem:s6], [sflag:s4] =	dma.local [hbm:s3], $0xF7A  }
0x26: {  	[smem:$0x3F98] =	sst s1;
	(tag) =	ssettag s2;
	_ =	strace s9  }
0x27: {  	s1 =	sld [smem:$0x3FA8]  }
0x28: {  	s2 =	sld [smem:$0x3FA9]  }
0x29: {  	s4 =	sld [smem:$0x3FAB]  }
0x2a: {  	p0 =	seq.s32 s5, $0x0;
	s5 =	sld [smem:$0x3FAC]  }
0x2b: {  	s6 =	sld [smem:$0x3FAD]  }
0x2c: {  	s7 =	sld [smem:$0x3FAE]  }
0x2d: {  	s3 =	simm.s32 $0x108;
	s8 =	sld [smem:$0x3FAF]  }
0x2e: {  	s3 =	simm.s32 @!p0 $0x1082;
	s9 =	sld [smem:$0x3FB0]  }
0x2f: {  	lr =	sadd.s32 s0, s3;
	s0 =	sld [smem:$0x3FA7]  }
0x30: {  	s3 =	sld [smem:$0x3FAA]  }
0x31: {  	[smem:$0x3FB3] =	sst s10  }
0x32: {  	s10 =	sld [smem:$0x3FB1];
	_ =	sdelay $0x3  }
0x33: {  	p0 =	seq.s32 s10, $0x1;
	s10 =	sld [smem:$0x3FB3];
	_ =	sdelay $0x3  }
0x34: {  	[smem:$0x3FB3] =	sst s10  }
0x35: {  	s10 =	sld [smem:$0x3FB2];
	_ =	sdelay $0x3  }
0x36: {  	p1 =	seq.s32 s10, $0x1;
	s10 =	sld [smem:$0x3FB3];
	_ =	sdelay $0x3  }
0x37: {  	[smem:$0x3FB3] =	sst s10  }
0x38: {  	s10 =	sld [smem:$0x3FB4]  }
0x39: {  	_ = 	snop;
	(pc) =	sbr.ind lr, $3  }
0x3a: {  	_ = 	snop  }
0x3b: {  	_ = 	snop  }
0x3c: {  	p2 =	seq.s32 s10, $0x1;
	s10 =	sld [smem:$0x3FB3]  }
0x3d: {  	_ =	shalt  }
0x3e: {  	_ =	shalt  }
0x3f: {  	_ =	shalt  }
0x40: {  	_ =	shalt  }
0x41: {  	_ =	shalt  }
0x42: {  	_ =	shalt  }
0x43: {  	_ =	shalt  }
0x44: {  	_ =	shalt  }
0x45: {  	_ =	shalt  }
0x46: {  	_ =	shalt  }
0x47: {  	_ =	shalt  }
0x48: {  	_ =	shalt  }
0x49: {  	_ =	shalt  }
0x4a: {  	_ =	shalt  }
0x4b: {  	_ =	shalt  }
0x4c: {  	_ =	shalt  }
0x4d: {  	_ =	shalt  }
0x4e: {  	_ =	shalt  }
0x4f: {  	_ =	shalt  }
0x50: {  	_ =	shalt  }
0x51: {  	_ =	shalt  }
0x52: {  	_ =	shalt  }
0x53: {  	_ =	shalt  }
0x54: {  	_ =	shalt  }
0x55: {  	_ =	shalt  }
0x56: {  	_ =	shalt  }
0x57: {  	_ =	shalt  }
0x58: {  	_ =	shalt  }
0x59: {  	_ =	shalt  }
0x5a: {  	_ =	shalt  }
0x5b: {  	_ =	shalt  }
0x5c: {  	_ =	shalt  }
0x5d: {  	_ =	shalt  }
0x5e: {  	_ =	shalt  }
0x5f: {  	_ =	shalt  }
0x60: {  	_ =	shalt  }
0x61: {  	_ =	shalt  }
0x62: {  	_ =	shalt  }
0x63: {  	_ =	shalt  }
0x64: {  	_ =	shalt  }
0x65: {  	_ =	shalt  }
0x66: {  	_ =	shalt  }
0x67: {  	_ =	shalt  }
0x68: {  	_ =	shalt  }
0x69: {  	_ =	shalt  }
0x6a: {  	_ =	shalt  }
0x6b: {  	_ =	shalt  }
0x6c: {  	_ =	shalt  }
0x6d: {  	_ =	shalt  }
0x6e: {  	_ =	shalt  }
0x6f: {  	_ =	shalt  }
0x70: {  	_ =	shalt  }
0x71: {  	_ =	shalt  }
0x72: {  	_ =	shalt  }
0x73: {  	_ =	shalt  }
0x74: {  	_ =	shalt  }
0x75: {  	_ =	shalt  }
0x76: {  	_ =	shalt  }
0x77: {  	_ =	shalt  }
0x78: {  	_ =	shalt  }
0x79: {  	_ =	shalt  }
0x7a: {  	_ =	shalt  }
0x7b: {  	_ =	shalt  }
0x7c: {  	_ =	shalt  }
0x7d: {  	_ =	shalt  }
0x7e: {  	_ =	shalt  }
0x7f: {  	_ =	shalt  }
0x80: {  	_ =	shalt  }
0x81: {  	_ =	shalt  }
0x82: {  	_ =	shalt  }
0x83: {  	_ =	shalt  }
0x84: {  	_ =	shalt  }
0x85: {  	_ =	shalt  }
0x86: {  	_ =	shalt  }
0x87: {  	_ =	shalt  }
.Lfunc_end0:
.L_simem_size_0:
called_computation_lowered:
.L_overlay_start_0:
0x88: {  	s2 =	sld [smem:$0x3FD9]  }
0x89: {  	s3 =	sld [smem:$0x3FFE];
	_ =	sdelay $0x1  }
0x8a: {  	s1 =	srdreg.scid  }
0x8b: {  	s0 =	sand.u32 $0x1, s1  }
0x8c: {  	s17 =	sshll.u32 s0, $0xA;
	s2 =	sadd.s32 s3, s2  }
0x8d: {  	s2 =	sadd.s32 s2, s17  }
0x8e: {  	[smem:$0x3FBF] =	sst s2  }
0x8f: {  	_ = 	snop  }
0x90: {  	s2 =	sld [smem:$0x3FD0];
	(tm) =	ssettm $0x1  }
0x91: {  	s18 =	sld [smem:$0x3FFB];
	_ =	sdelay $0x3  }
0x92: {  	_ =	strace s18  }
0x93: {  	s3 =	sld [smem:$0x3FFC];
	_ =	sdelay $0x3  }
0x94: {  	_ =	strace s3  }
0x95: {  	s3 =	sld [smem:$0x3FFD];
	_ =	sdelay $0x3  }
0x96: {  	_ =	strace s3  }
0x97: {  	_ =	strace $0x8FFFFFFF  }
0x98: {  	s19 =	sld [smem:$0x3FDB];
	_ =	sdelay $0x1  }
0x99: {  	s4 =	simm.s32 $_scs_section_size  }
0x9a: {  	s5 =	simm.s32 $_size__tile_overlayer_lowered;
	s6 =	simm.s32 $_tile_overlayer_lowered  }
0x9b: {  	s22 =	simm.s32 $0x1BFF;
	s21 =	sshll.u32 s6, $0x1;
	s3 =	sadd.s32 s4, s19  }
0x9c: {  	s7 =	simm.s32 $0x0;
	s20 =	sshll.u32 s5, $0x1;
	s5 =	sadd.s32 s21, s3  }
0x9d: {  	[timem:s7], [sflag:s22] =	dma.local [hbm:s5], s20  }
0x9e: {  	_ =	swait.ge [sflag:s22], s20  }
0x9f: {  	s4 =	ssub.s32 $0x0, s20;
	[sflag:s22] =	ssyncset.done $0x0  }
0xa0: {  	[sflag:s22] =	ssyncadd.s32 s4;
	_ =	sdelay $0x1  }
0xa1: {  	s23 =	simm.s32 $0x1B8B  }
0xa2: {  	_ =	swait.ge [sflag:s23], $0x1  }
0xa3: {  	[sflag:s23] =	ssyncset.done $0x0  }
0xa4: {  	s25 =	simm.s32 $0x1B8E;
	s24 =	sld [smem:$0x3FFE];
	[sflag:s23] =	ssyncadd.s32 $0xFFFFFFFF  }
0xa5: {  	s26 =	simm.s32 $execute0_lowered;
	[smem:$0x3FD2] =	sst s25  }
0xa6: {  	s5 =	sshll.u32 s26, $0x1;
	_ =	strace $0x80000046;
	[dreg:$0x1] =	wrdreg $0xFFFFFFFF  }
0xa7: {  	s28 =	simm.s32 $_size_execute0_lowered;
	s3 =	sadd.s32 s3, s5;
	[dreg:$0x0] =	wrdreg $0x0  }
0xa8: {  	s5 =	sshll.u32 s28, $0x1;
	[dreg:$0x2] =	wrdreg s3  }
0xa9: {  	[dreg:$0x3] =	wrdreg s5  }
0xaa: {  	[dreg:$0x4] =	wrdreg $0xC0  }
0xab: {  	_ =	task [dreg:s7], $0x5FFFF  }
0xac: {  	[dreg:$0x1] =	wrdreg $0xFFFFFFFF  }
0xad: {  	[dreg:$0x0] =	wrdreg $0x60  }
0xae: {  	[dreg:$0x2] =	wrdreg s24  }
0xaf: {  	[dreg:$0x3] =	wrdreg s2  }
0xb0: {  	[dreg:$0x4] =	wrdreg $0x9  }
0xb1: {  	_ =	task.clear_ibuf [dreg:s7], $0x5FFFF;
	_ =	strace $0x90000046  }
0xb2: {  	s29 =	simm.s32 $0x9;
	_ =	strace $0x80000048  }
0xb3: {  	_ =	swait.ge [sflag:s29], $0x1  }
0xb4: {  	[sflag:s29] =	ssyncadd.s32 $0xFFFFFFFF  }
0xb5: {  	_ =	strace $0x90000048  }
0xb6: {  	_ =	sfence  }
0xb7: {  	s30 =	sld [smem:$0x0];
	_ =	sdelay $0x2  }
0xb8: {  	s31 =	sshll.u32 s1, $0xD;
	s1 =	sshrl.u32 s1, $0x2  }
0xb9: {  	s3 =	sand.u32 $0x4000, s31;
	s1 =	sadd.s32 s1, s30  }
0xba: {  	s0 =	sor.u32 s3, s0;
	s1 =	sshll.u32 s1, $0x11  }
0xbb: {  	s0 =	sor.u32 s1, s0  }
0xbc: {  	s0 =	sadd.s32 $0x8F2B, s0  }
0xbd: {  	[sflag:s0] =	ssyncadd.remote.s32 $0x1  }
0xbe: {  	_ =	sfence.sel $0xFFFF  }
0xbf: {  	[dreg:$0x0] =	wrdreg $0xFFFFFFFF;
	(pc) =	sbr.abs _section_cstart, $3  }
0xc0: {  	[dreg:$0x1] =	wrdreg $0xFFFFFFFF  }
0xc1: {  	_ =	task.clear_ibuf [dreg:s7], $0x2FFFF;
	_ =	strace $0x9FFFFFFF  }
0xc2: {  	(tm) =	ssettm $0x7FFFFFFF  }
0xc3: {  	_ =	shalt  }
tec
execute0_lowered:
.L_overlay_start_1:
0x0: {  	(tag) =	ssettag $0x1  }
0x1: {  	s0 =	rddreg [dreg:$0x0]  }
0x2: {  	s1 =	rddreg [dreg:$0x1];
	s3 =	srdreg.scid  }
0x3: {  	s9 =	stileid.u32;
	s2 =	simm.s32 $0x0;
	s17 =	simm.s32 $0x50  }
0x4: {  	s18 =	simm.s32 $0x7540;
	s20 =	simm.s32 $0xA740;
	s6 =	sand.u32 $0x1, s3  }
0x5: {  	s23 =	sshll.u32 s9, $0x1;
	[smem:$0x7FF] =	sst s2;
	s7 =	smul.u32 $0x13880, s9  }
0x6: {  	s4 =	sadd.s32 $0xC600, s0;
	s8 =	sadd.s32 $0x16400, s0;
	s9 =	smul.u32 $0x4E20, s9  }
0x7: {  	s12 =	sadd.s32 $0x2720, s1;
	s28 =	sadd.s32 $0x4E40, s1;
	s11 =	smul.u32 $0x2710, s6  }
0x8: {  	s3 =	sor.u32 s6, s23;
	s5 =	ssub.s32 $0x2, s6;
	s6 =	smul.u32 $0x9C40, s6  }
0x9: {  	s30 =	sadd.s32 $0x7560, s1;
	_ =	strace $0x80000047;
	s15 =	smul.u32 $0x139, s3  }
0xa: {  	s3 =	sadd.s32 $0x2800, s0;
	s0 =	sadd.s32 $0x14EC00, s0;
	s10 =	sshrl.u32 s5, $0x1  }
0xb: {  	s23 =	simm.s32 $0x1;
	s10 =	ssub.s32 s5, s10;
	s13 =	sadd.s32 s7, s0  }
0xc: {  	s9 =	sadd.s32 s11, s9;
	s7 =	sadd.s32 s7, s8;
	s5 =	simm.s32 $0x57E8  }
0xd: {  	s24 =	sadd.s32 s1, s15;
	s25 =	sadd.s32 s6, s13;
	s9 =	sshll.u32 s9, $0x2  }
0xe: {  	s6 =	sadd.s32 s6, s7;
	s1 =	sadd.s32 $0x9C80, s1;
	[dreg:$0x7] =	wrdreg s24  }
0xf: {  	s31 =	smax.u32 s10, $0x1;
	s7 =	simm.s32 $0x4E20;
	[dreg:$0x4] =	wrdreg s25  }
0x10: {  	s11 =	sadd.s32 s15, s28;
	s13 =	sadd.s32 s15, s30;
	[dreg:$0x3] =	wrdreg s6  }
0x11: {  	s10 =	simm.s32 $0x6B78;
	s26 =	sadd.s32 $0x640, s9;
	[dreg:$0x8] =	wrdreg s31  }
0x12: {  	s9 =	sadd.s32 s15, s12;
	s6 =	simm.s32 $0x61B0;
	s15 =	sadd.s32 s15, s1  }
0x13: {  	v0 =	vlaneseq.u32;
	s24 =	simm.s32 $0x2;
	s25 =	simm.s32 $0x6;
	s29 =	sadd.s32 s26, s8  }
0x14: {  	v1 =	vand.u32 $0x3, v0;
	s0 =	sadd.s32 s26, s0;
	s8 =	simm.s32 $0x5;
	[dreg:$0x5] =	wrdreg s29  }
0x15: {  	v0 =	vshrl.u32 v0, $0x2;
	v1 =	vmul.u32 $0x9C8, v1;
	s16 =	sadd.s32 $0x2720, s15;
	s26 =	simm.s32 $0x0;
	[dreg:$0x6] =	wrdreg s0  }
.LBB2_1:
0x16: {  	s0 =	rddreg [dreg:$0x7]  }
0x17: {  	[tilespmem:s7], [sflag:$0x5] =	stream.linear.gather [hbm4b:s0+s2], $0x9C8, $0x38;
	[tilespmem:$0x13D40] =	vst v63  }
0x18: {  	_ =	swait.ge [sflag:s8], $0x9C8  }
0x19: {  	[sflag:s8] =	ssyncset.done $0x0  }
0x1a: {  	[sflag:s8] =	ssyncadd.s32 $0xFFFFF638  }
0x1b: {  	[tilespmem:s5], [sflag:$0x5] =	stream.linear.gather [hbm4b:s9+s2], $0x9C8, $0x38;
	[tilespmem:$0x13D40] =	vst v63  }
0x1c: {  	_ =	swait.ge [sflag:s8], $0x9C8  }
0x1d: {  	[sflag:s8] =	ssyncset.done $0x0  }
0x1e: {  	s28 =	simm.s32 $0x0;
	[sflag:s8] =	ssyncadd.s32 $0xFFFFF638  }
0x1f: {  	v2 =	vmov s28;
	[tilespmem:s6], [sflag:$0x5] =	stream.linear.gather [hbm4b:s11+s2], $0x9C8, $0x38;
	[tilespmem:$0x13D40] =	vst v63  }
0x20: {  	v2 =	vand.u32 $0xFFF, v2;
	_ =	swait.ge [sflag:s8], $0x9C8  }
0x21: {  	v2 =	vor.u32 v0, v2;
	[sflag:s8] =	ssyncset.done $0x0  }
0x22: {  	v2 =	vadd.s32 v1, v2;
	[sflag:s8] =	ssyncadd.s32 $0xFFFFF638  }
0x23: {  	[tilespmem:s10], [sflag:$0x5] =	stream.linear.gather [hbm4b:s13+s2], $0x9C8, $0x38;
	[tilespmem:$0x13D40] =	vst v63  }
0x24: {  	s29 =	simm.s32 $0x4;
	_ =	swait.ge [sflag:s8], $0x9C8  }
0x25: {  	v3 =	vmov s29;
	[sflag:s8] =	ssyncset.done $0x0  }
0x26: {  	v3 =	vand.u32 $0x1FFF, v3;
	[sflag:s8] =	ssyncadd.s32 $0xFFFFF638  }
0x27: {  	v3 =	vor.u32 v0, v3;
	v2 =	vld.idx.msk [tilespmem:v2+s7+$0x0], $0xffff  }
0x28: {  	v3 =	vadd.s32 v1, v3;
	_ =	sdelay $0x1  }
0x29: {  	s1 =	simm.s32 $0x8  }
0x2a: {  	s0 =	simm.s32 $0x20;
	v4 =	vmov s1  }
0x2b: {  	[tilespmem:s0+$0xFFFFFFE0] =	vst v2;
	v2 =	vand.u32 $0x1FFF, v4  }
0x2c: {  	v3 =	vld.idx.msk [tilespmem:v3+s7+$0x0], $0xffff;
	v2 =	vor.u32 v0, v2  }
0x2d: {  	v2 =	vadd.s32 v1, v2;
	_ =	sdelay $0x1  }
0x2e: {  	s30 =	simm.s32 $0xC  }
0x2f: {  	v4 =	vmov s30  }
0x30: {  	[tilespmem:s0+$0xFFFFFFF0] =	vst v3;
	v3 =	vand.u32 $0x1FFF, v4  }
0x31: {  	v2 =	vld.idx.msk [tilespmem:v2+s7+$0x0], $0xffff;
	v3 =	vor.u32 v0, v3  }
0x32: {  	v3 =	vadd.s32 v1, v3;
	_ =	sdelay $0x1  }
0x33: {  	s31 =	simm.s32 $0x10  }
0x34: {  	v4 =	vmov s31  }
0x35: {  	v4 =	vand.u32 $0x1FFF, v4;
	[tilespmem:s0+$0x0] =	vst v2  }
0x36: {  	v4 =	vor.u32 v0, v4;
	v2 =	vld.idx.msk [tilespmem:v3+s7+$0x0], $0xffff  }
0x37: {  	v3 =	vadd.s32 v1, v4;
	_ =	sdelay $0x2  }
0x38: {  	s21 =	simm.s32 $0x14;
	s19 =	simm.s32 $0x38;
	s1 =	simm.s32 $0x24  }
.LBB2_2:
0x39: {  	p0 =	sne.s32 s19, $0x9C0;
	v4 =	vmov s21;
	[tilespmem:s0+$0x10] =	vst v2  }
0x3a: {  	v2 =	vand.u32 $0xFFF, v4;
	v3 =	vld.idx.msk [tilespmem:v3+s7+$0x0], $0xffff  }
0x3b: {  	v2 =	vor.u32 v0, v2  }
0x3c: {  	v2 =	vadd.s32 v1, v2;
	_ =	sdelay $0x2  }
0x3d: {  	s21 =	sadd.s32 $0xFFFFFFF4, s1  }
0x3e: {  	v4 =	vmov s21;
	[tilespmem:s0+$0x20] =	vst v3  }
0x3f: {  	v3 =	vand.u32 $0x1FFF, v4;
	v2 =	vld.idx.msk [tilespmem:v2+s7+$0x0], $0xffff  }
0x40: {  	v3 =	vor.u32 v0, v3  }
0x41: {  	v3 =	vadd.s32 v1, v3;
	_ =	sdelay $0x2  }
0x42: {  	s21 =	sadd.s32 $0xFFFFFFF8, s1;
	s0 =	sadd.s32 $0x50, s0  }
0x43: {  	[tilespmem:s0+$0xFFFFFFE0] =	vst v2;
	v2 =	vmov s21  }
0x44: {  	v3 =	vld.idx.msk [tilespmem:v3+s7+$0x0], $0xffff;
	v2 =	vand.u32 $0x1FFF, v2  }
0x45: {  	v2 =	vor.u32 v0, v2  }
0x46: {  	v2 =	vadd.s32 v1, v2;
	_ =	sdelay $0x2  }
0x47: {  	s21 =	sadd.s32 $0xFFFFFFFC, s1  }
0x48: {  	[tilespmem:s0+$0xFFFFFFF0] =	vst v3;
	v3 =	vmov s21  }
0x49: {  	v2 =	vld.idx.msk [tilespmem:v2+s7+$0x0], $0xffff;
	v3 =	vand.u32 $0x1FFF, v3  }
0x4a: {  	v3 =	vor.u32 v0, v3  }
0x4b: {  	v3 =	vadd.s32 v1, v3;
	_ =	sdelay $0x3  }
0x4c: {  	v4 =	vmov s1;
	s1 =	smov.u32 s19;
	[tilespmem:s0+$0x0] =	vst v2  }
0x4d: {  	v2 =	vld.idx.msk [tilespmem:v3+s7+$0x0], $0xffff;
	v3 =	vand.u32 $0x1FFF, v4  }
.Ltmp0:
0x4e: {  	v3 =	vor.u32 v0, v3;
	(pc) =	sbr.rel @p0 .LBB2_2-.Ltmp0, $2  }
0x4f: {  	v3 =	vadd.s32 v1, v3;
	_ =	sdelay $0x2  }
0x50: {  	s19 =	sadd.s32 $0x14, s19;
	s21 =	sadd.s32 $0xFFFFFFF0, s1  }
0x51: {  	_ =	sdelay $0x1  }
0x52: {  	v4 =	vmov s21  }
0x53: {  	[tilespmem:s0+$0x10] =	vst v2;
	v2 =	vand.u32 $0xFFF, v4  }
0x54: {  	v3 =	vld.idx.msk [tilespmem:v3+s7+$0x0], $0xffff;
	v2 =	vor.u32 v0, v2  }
0x55: {  	v2 =	vadd.s32 v1, v2;
	_ =	sdelay $0x1  }
0x56: {  	s19 =	sadd.s32 $0xFFFFFFF4, s1  }
0x57: {  	v4 =	vmov s19  }
0x58: {  	[tilespmem:s0+$0x20] =	vst v3;
	v3 =	vand.u32 $0x1FFF, v4  }
0x59: {  	v3 =	vor.u32 v0, v3;
	v2 =	vld.idx.msk [tilespmem:v2+s7+$0x0], $0xffff  }
0x5a: {  	v3 =	vadd.s32 v1, v3;
	_ =	sdelay $0x1  }
0x5b: {  	s31 =	sadd.s32 $0xFFFFFFF8, s1  }
0x5c: {  	s12 =	sadd.s32 $0x50, s0;
	v4 =	vmov s31  }
0x5d: {  	[tilespmem:s12+$0xFFFFFFE0] =	vst v2;
	v2 =	vand.u32 $0x1FFF, v4  }
0x5e: {  	v3 =	vld.idx.msk [tilespmem:v3+s7+$0x0], $0xffff;
	v2 =	vor.u32 v0, v2  }
0x5f: {  	v2 =	vadd.s32 v1, v2;
	_ =	sdelay $0x1  }
0x60: {  	s14 =	sadd.s32 $0xFFFFFFFC, s1  }
0x61: {  	v4 =	vmov s14  }
0x62: {  	[tilespmem:s12+$0xFFFFFFF0] =	vst v3;
	v3 =	vand.u32 $0x1FFF, v4  }
0x63: {  	v2 =	vld.idx.msk [tilespmem:v2+s7+$0x0], $0xffff;
	v3 =	vor.u32 v0, v3  }
0x64: {  	v3 =	vadd.s32 v1, v3;
	_ =	sdelay $0x2  }
0x65: {  	v4 =	vmov s1  }
0x66: {  	[tilespmem:s12+$0x0] =	vst v2;
	v2 =	vand.u32 $0x1FFF, v4  }
0x67: {  	v3 =	vld.idx.msk [tilespmem:v3+s7+$0x0], $0xffff;
	v2 =	vor.u32 v0, v2  }
0x68: {  	v2 =	vadd.s32 v1, v2;
	_ =	sdelay $0x3  }
0x69: {  	[tilespmem:s12+$0x10] =	vst v3  }
0x6a: {  	v2 =	vld.idx.msk [tilespmem:v2+s7+$0x0], $0xffff;
	_ =	sdelay $0x4  }
0x6b: {  	[tilespmem:s12+$0x20] =	vst v2  }
0x6c: {  	[tilespmem:s7], [sflag:$0x5] =	stream.linear.gather [hbm4b:s15+s2], $0x9C8, $0x38;
	[tilespmem:$0x13D40] =	vst v63  }
0x6d: {  	_ =	swait.ge [sflag:s8], $0x9C8  }
0x6e: {  	[sflag:s8] =	ssyncset.done $0x0  }
0x6f: {  	[sflag:s8] =	ssyncadd.s32 $0xFFFFF638  }
0x70: {  	[tilespmem:s5], [sflag:$0x5] =	stream.linear.gather [hbm4b:s16+s2], $0x9C8, $0x38;
	[tilespmem:$0x13D40] =	vst v63  }
0x71: {  	_ =	swait.ge [sflag:s8], $0x9C8  }
0x72: {  	[sflag:s8] =	ssyncset.done $0x0  }
0x73: {  	s21 =	simm.s32 $0x0;
	s19 =	sadd.s32 $0x4E40, s15;
	[sflag:s8] =	ssyncadd.s32 $0xFFFFF638  }
0x74: {  	v2 =	vmov s21;
	[tilespmem:s6], [sflag:$0x5] =	stream.linear.gather [hbm4b:s19+s2], $0x9C8, $0x38;
	[tilespmem:$0x13D40] =	vst v63  }
0x75: {  	v2 =	vand.u32 $0xFFF, v2;
	_ =	swait.ge [sflag:s8], $0x9C8  }
0x76: {  	v2 =	vor.u32 v0, v2;
	[sflag:s8] =	ssyncset.done $0x0  }
0x77: {  	s22 =	sadd.s32 $0x7560, s15;
	v2 =	vadd.s32 v1, v2;
	[sflag:s8] =	ssyncadd.s32 $0xFFFFF638  }
0x78: {  	[tilespmem:s10], [sflag:$0x5] =	stream.linear.gather [hbm4b:s22+s2], $0x9C8, $0x38;
	[tilespmem:$0x13D40] =	vst v63  }
0x79: {  	s28 =	simm.s32 $0x4;
	_ =	swait.ge [sflag:s8], $0x9C8  }
0x7a: {  	v3 =	vmov s28;
	[sflag:s8] =	ssyncset.done $0x0  }
0x7b: {  	v3 =	vand.u32 $0x1FFF, v3;
	[sflag:s8] =	ssyncadd.s32 $0xFFFFF638  }
0x7c: {  	v3 =	vor.u32 v0, v3;
	v2 =	vld.idx.msk [tilespmem:v2+s7+$0x0], $0xffff  }
0x7d: {  	v3 =	vadd.s32 v1, v3;
	_ =	sdelay $0x1  }
0x7e: {  	s29 =	simm.s32 $0x8  }
0x7f: {  	s0 =	simm.s32 $0x2730;
	v4 =	vmov s29  }
0x80: {  	[tilespmem:s0+$0xFFFFFFE0] =	vst v2;
	v2 =	vand.u32 $0x1FFF, v4  }
0x81: {  	v3 =	vld.idx.msk [tilespmem:v3+s7+$0x0], $0xffff;
	v2 =	vor.u32 v0, v2  }
0x82: {  	v2 =	vadd.s32 v1, v2;
	_ =	sdelay $0x1  }
0x83: {  	s30 =	simm.s32 $0xC  }
0x84: {  	v4 =	vmov s30  }
0x85: {  	[tilespmem:s0+$0xFFFFFFF0] =	vst v3;
	v3 =	vand.u32 $0x1FFF, v4  }
0x86: {  	v2 =	vld.idx.msk [tilespmem:v2+s7+$0x0], $0xffff;
	v3 =	vor.u32 v0, v3  }
0x87: {  	v3 =	vadd.s32 v1, v3;
	_ =	sdelay $0x1  }
0x88: {  	s31 =	simm.s32 $0x10  }
0x89: {  	v4 =	vmov s31  }
0x8a: {  	v4 =	vand.u32 $0x1FFF, v4;
	[tilespmem:s0+$0x0] =	vst v2  }
0x8b: {  	v4 =	vor.u32 v0, v4;
	v2 =	vld.idx.msk [tilespmem:v3+s7+$0x0], $0xffff  }
0x8c: {  	v3 =	vadd.s32 v1, v4;
	_ =	sdelay $0x2  }
0x8d: {  	s1 =	simm.s32 $0x24;
	s21 =	simm.s32 $0x14;
	s19 =	simm.s32 $0x38  }
.LBB2_4:
0x8e: {  	p0 =	sne.s32 s19, $0x9C0;
	v4 =	vmov s21;
	[tilespmem:s0+$0x10] =	vst v2  }
0x8f: {  	v2 =	vand.u32 $0xFFF, v4;
	v3 =	vld.idx.msk [tilespmem:v3+s7+$0x0], $0xffff  }
0x90: {  	v2 =	vor.u32 v0, v2  }
0x91: {  	v2 =	vadd.s32 v1, v2;
	_ =	sdelay $0x2  }
0x92: {  	s21 =	sadd.s32 $0xFFFFFFF4, s1  }
0x93: {  	v4 =	vmov s21;
	[tilespmem:s0+$0x20] =	vst v3  }
0x94: {  	v3 =	vand.u32 $0x1FFF, v4;
	v2 =	vld.idx.msk [tilespmem:v2+s7+$0x0], $0xffff  }
0x95: {  	v3 =	vor.u32 v0, v3  }
0x96: {  	v3 =	vadd.s32 v1, v3;
	_ =	sdelay $0x2  }
0x97: {  	s21 =	sadd.s32 $0xFFFFFFF8, s1;
	s0 =	sadd.s32 $0x50, s0  }
0x98: {  	[tilespmem:s0+$0xFFFFFFE0] =	vst v2;
	v2 =	vmov s21  }
0x99: {  	v3 =	vld.idx.msk [tilespmem:v3+s7+$0x0], $0xffff;
	v2 =	vand.u32 $0x1FFF, v2  }
0x9a: {  	v2 =	vor.u32 v0, v2  }
0x9b: {  	v2 =	vadd.s32 v1, v2;
	_ =	sdelay $0x2  }
0x9c: {  	s21 =	sadd.s32 $0xFFFFFFFC, s1  }
0x9d: {  	[tilespmem:s0+$0xFFFFFFF0] =	vst v3;
	v3 =	vmov s21  }
0x9e: {  	v2 =	vld.idx.msk [tilespmem:v2+s7+$0x0], $0xffff;
	v3 =	vand.u32 $0x1FFF, v3  }
0x9f: {  	v3 =	vor.u32 v0, v3  }
0xa0: {  	v3 =	vadd.s32 v1, v3;
	_ =	sdelay $0x3  }
0xa1: {  	v4 =	vmov s1;
	s1 =	smov.u32 s19;
	[tilespmem:s0+$0x0] =	vst v2  }
0xa2: {  	v2 =	vld.idx.msk [tilespmem:v3+s7+$0x0], $0xffff;
	v3 =	vand.u32 $0x1FFF, v4  }
.Ltmp1:
0xa3: {  	v3 =	vor.u32 v0, v3;
	(pc) =	sbr.rel @p0 .LBB2_4-.Ltmp1, $2  }
0xa4: {  	v3 =	vadd.s32 v1, v3;
	_ =	sdelay $0x2  }
0xa5: {  	s19 =	sadd.s32 $0x14, s19;
	s21 =	sadd.s32 $0xFFFFFFF0, s1  }
0xa6: {  	_ =	sdelay $0x1  }
0xa7: {  	v4 =	vmov s21  }
0xa8: {  	[tilespmem:s0+$0x10] =	vst v2;
	v2 =	vand.u32 $0xFFF, v4  }
0xa9: {  	v3 =	vld.idx.msk [tilespmem:v3+s7+$0x0], $0xffff;
	v2 =	vor.u32 v0, v2  }
0xaa: {  	v2 =	vadd.s32 v1, v2;
	_ =	sdelay $0x1  }
0xab: {  	s19 =	sadd.s32 $0xFFFFFFF4, s1  }
0xac: {  	v60 =	vmov s19  }
0xad: {  	[tilespmem:s0+$0x20] =	vst v3;
	v3 =	vand.u32 $0x1FFF, v60  }
0xae: {  	v3 =	vor.u32 v0, v3;
	v2 =	vld.idx.msk [tilespmem:v2+s7+$0x0], $0xffff  }
0xaf: {  	v3 =	vadd.s32 v1, v3;
	_ =	sdelay $0x1  }
0xb0: {  	s21 =	sadd.s32 $0xFFFFFFF8, s1  }
0xb1: {  	s22 =	sadd.s32 $0x50, s0;
	v61 =	vmov s21  }
0xb2: {  	[tilespmem:s22+$0xFFFFFFE0] =	vst v2;
	v2 =	vand.u32 $0x1FFF, v61  }
0xb3: {  	v3 =	vld.idx.msk [tilespmem:v3+s7+$0x0], $0xffff;
	v2 =	vor.u32 v0, v2  }
0xb4: {  	v2 =	vadd.s32 v1, v2;
	_ =	sdelay $0x1  }
0xb5: {  	s31 =	sadd.s32 $0xFFFFFFFC, s1  }
0xb6: {  	v62 =	vmov s31  }
0xb7: {  	[tilespmem:s22+$0xFFFFFFF0] =	vst v3;
	v3 =	vand.u32 $0x1FFF, v62  }
0xb8: {  	v2 =	vld.idx.msk [tilespmem:v2+s7+$0x0], $0xffff;
	v3 =	vor.u32 v0, v3  }
0xb9: {  	v3 =	vadd.s32 v1, v3;
	_ =	sdelay $0x2  }
0xba: {  	v63 =	vmov s1  }
0xbb: {  	[tilespmem:s22+$0x0] =	vst v2;
	v2 =	vand.u32 $0x1FFF, v63  }
0xbc: {  	v3 =	vld.idx.msk [tilespmem:v3+s7+$0x0], $0xffff;
	v2 =	vor.u32 v0, v2  }
0xbd: {  	v2 =	vadd.s32 v1, v2;
	_ =	sdelay $0x3  }
0xbe: {  	[tilespmem:s22+$0x10] =	vst v3  }
0xbf: {  	v2 =	vld.idx.msk [tilespmem:v2+s7+$0x0], $0xffff;
	_ =	sdelay $0x4  }
0xc0: {  	s5 =	simm.s32 $0x0;
	[tilespmem:s22+$0x20] =	vst v2  }
0xc1: {  	[tilespmem:s18], [sflag:$0x1] =	stream.indirect.gather [hbm4b:s3+s17], $0x20, s5, s17, $0xb8;
	[tilespmem:$0x13D40] =	vst v63  }
0xc2: {  	s6 =	simm.s32 $0x2710  }
0xc3: {  	[tilespmem:s20], [sflag:$0x2] =	stream.indirect.gather [hbm4b:s4+s17], $0x20, s6, s17, $0xb8;
	[tilespmem:$0x13D40] =	vst v63  }
0xc4: {  	s10 =	simm.s32 $0x7F40  }
0xc5: {  	[tilespmem:s10], [sflag:$0x1] =	stream.indirect.gather [hbm4b:s3+s17], $0x20, s17, s17, $0xb8;
	[tilespmem:$0x13D40] =	vst v63  }
0xc6: {  	s12 =	simm.s32 $0x2760;
	s14 =	simm.s32 $0xB140  }
0xc7: {  	[tilespmem:s14], [sflag:$0x2] =	stream.indirect.gather [hbm4b:s4+s17], $0x20, s12, s17, $0xb8;
	[tilespmem:$0x13D40] =	vst v63  }
0xc8: {  	s19 =	simm.s32 $0xA0;
	s21 =	simm.s32 $0x8940  }
0xc9: {  	[tilespmem:s21], [sflag:$0x1] =	stream.indirect.gather [hbm4b:s3+s17], $0x20, s19, s17, $0xb8;
	[tilespmem:$0x13D40] =	vst v63  }
0xca: {  	s31 =	simm.s32 $0xBB40;
	s22 =	simm.s32 $0x27B0  }
0xcb: {  	[tilespmem:s31], [sflag:$0x2] =	stream.indirect.gather [hbm4b:s4+s17], $0x20, s22, s17, $0xb8;
	[tilespmem:$0x13D40] =	vst v63  }
0xcc: {  	s1 =	simm.s32 $0xF0;
	s5 =	simm.s32 $0x9340  }
0xcd: {  	[tilespmem:s5], [sflag:$0x1] =	stream.indirect.gather [hbm4b:s3+s17], $0x20, s1, s17, $0xb8;
	[tilespmem:$0x13D40] =	vst v63  }
0xce: {  	s6 =	simm.s32 $0x2800;
	s10 =	simm.s32 $0xC540  }
0xcf: {  	[tilespmem:s10], [sflag:$0x2] =	stream.indirect.gather [hbm4b:s4+s17], $0x20, s6, s17, $0xb8;
	[tilespmem:$0x13D40] =	vst v63  }
0xd0: {  	p0 =	por $0x0, $0x0;
	s12 =	simm.s32 $0x140;
	s14 =	simm.s32 $0x9D40  }
0xd1: {  	[tilespmem:s14], [sflag:$0x1] =	stream.indirect.gather [hbm4b:s3+s17], $0x20, s12, s17, $0xb8;
	[tilespmem:$0x13D40] =	vst v63  }
0xd2: {  	s0 =	simm.s32 @!p0 $0x190;
	s19 =	simm.s32 $0x2850;
	s21 =	simm.s32 $0xCF40  }
0xd3: {  	[tilespmem:s21], [sflag:$0x2] =	stream.indirect.gather [hbm4b:s4+s17], $0x20, s19, s17, $0xb8;
	[tilespmem:$0x13D40] =	vst v63  }
0xd4: {  	s1 =	simm.s32 @!p0 $0xD940;
	s19 =	simm.s32 @!p0 $0x50;
	p0 =	por p0, p0  }
0xd5: {  	[tilespmem:s1], [sflag:$0x3] =	stream.indirect.gather @!p0 [hbm4b:s3+s19], $0x20, s0, s19, $0xb8;
	[tilespmem:$0x13D40] =	vst v63  }
0xd6: {  	s21 =	simm.s32 @!p0 $0x28A0;
	s0 =	simm.s32 @!p0 $0x10B40  }
0xd7: {  	[tilespmem:s0], [sflag:$0x4] =	stream.indirect.gather @!p0 [hbm4b:s4+s19], $0x20, s21, s19, $0xb8;
	[tilespmem:$0x13D40] =	vst v63  }
0xd8: {  	s22 =	simm.s32 @!p0 $0xE340;
	s21 =	simm.s32 @!p0 $0x1E0  }
0xd9: {  	[tilespmem:s22], [sflag:$0x3] =	stream.indirect.gather @!p0 [hbm4b:s3+s19], $0x20, s21, s19, $0xb8;
	[tilespmem:$0x13D40] =	vst v63  }
0xda: {  	s21 =	simm.s32 @!p0 $0x28F0;
	s22 =	simm.s32 @!p0 $0x11540  }
0xdb: {  	[tilespmem:s22], [sflag:$0x4] =	stream.indirect.gather @!p0 [hbm4b:s4+s19], $0x20, s21, s19, $0xb8;
	[tilespmem:$0x13D40] =	vst v63  }
0xdc: {  	s21 =	simm.s32 @!p0 $0x230;
	s22 =	simm.s32 @!p0 $0xED40  }
0xdd: {  	[tilespmem:s22], [sflag:$0x3] =	stream.indirect.gather @!p0 [hbm4b:s3+s19], $0x20, s21, s19, $0xb8;
	[tilespmem:$0x13D40] =	vst v63  }
0xde: {  	s21 =	simm.s32 @!p0 $0x2940;
	s22 =	simm.s32 @!p0 $0x11F40  }
0xdf: {  	[tilespmem:s22], [sflag:$0x4] =	stream.indirect.gather @!p0 [hbm4b:s4+s19], $0x20, s21, s19, $0xb8;
	[tilespmem:$0x13D40] =	vst v63  }
0xe0: {  	s21 =	simm.s32 @!p0 $0x280;
	s22 =	simm.s32 @!p0 $0xF740  }
0xe1: {  	[tilespmem:s22], [sflag:$0x3] =	stream.indirect.gather @!p0 [hbm4b:s3+s19], $0x20, s21, s19, $0xb8;
	[tilespmem:$0x13D40] =	vst v63  }
0xe2: {  	s21 =	simm.s32 @!p0 $0x2990;
	s22 =	simm.s32 @!p0 $0x12940  }
0xe3: {  	[tilespmem:s22], [sflag:$0x4] =	stream.indirect.gather @!p0 [hbm4b:s4+s19], $0x20, s21, s19, $0xb8;
	[tilespmem:$0x13D40] =	vst v63  }
0xe4: {  	s21 =	simm.s32 @!p0 $0x2D0;
	s22 =	simm.s32 @!p0 $0x10140  }
0xe5: {  	[tilespmem:s22], [sflag:$0x3] =	stream.indirect.gather @!p0 [hbm4b:s3+s19], $0x20, s21, s19, $0xb8;
	[tilespmem:$0x13D40] =	vst v63  }
0xe6: {  	s21 =	simm.s32 @!p0 $0x29E0;
	s22 =	simm.s32 @!p0 $0x13340  }
0xe7: {  	[tilespmem:s22], [sflag:$0x4] =	stream.indirect.gather @!p0 [hbm4b:s4+s19], $0x20, s21, s19, $0xb8;
	[tilespmem:$0x13D40] =	vst v63  }
0xe8: {  	_ =	swait.ge [sflag:s23], $0x3200  }
0xe9: {  	[sflag:s23] =	ssyncset.done $0x0  }
0xea: {  	[sflag:s23] =	ssyncadd.s32 $0xFFFFCE00  }
0xeb: {  	_ =	swait.ge [sflag:s24], $0x3200  }
0xec: {  	s22 =	rddreg [dreg:$0x3];
	[sflag:s24] =	ssyncset.done $0x0  }
0xed: {  	[sflag:s24] =	ssyncadd.s32 $0xFFFFCE00;
	s19 =	sadd.s32 $0x0, s22  }
0xee: {  	[hbm4b:s19+s2] =	stream.linear.scatter [tilespmem:s18], [sflag:$0x6], $0x3200, $0x38;
	[tilespmem:$0x13D40] =	vst v63  }
0xef: {  	_ =	swait.ge [sflag:s25], $0x3200  }
0xf0: {  	s31 =	rddreg [dreg:$0x4];
	[sflag:s25] =	ssyncset.done $0x0  }
0xf1: {  	[sflag:s25] =	ssyncadd.s32 $0xFFFFCE00;
	s19 =	sadd.s32 $0x0, s31  }
0xf2: {  	[hbm4b:s19+s2] =	stream.linear.scatter [tilespmem:s20], [sflag:$0x6], $0x3200, $0x38;
	[tilespmem:$0x13D40] =	vst v63  }
0xf3: {  	p1 =	por $0x0, $0x0;
	_ =	swait.ge [sflag:s25], $0x3200  }
0xf4: {  	s21 =	simm.s32 @!p1 $0x320;
	[sflag:s25] =	ssyncset.done $0x0  }
0xf5: {  	s22 =	simm.s32 @!p1 $0x50;
	s19 =	simm.s32 @!p1 $0x7540;
	[sflag:s25] =	ssyncadd.s32 $0xFFFFCE00  }
0xf6: {  	[tilespmem:s19], [sflag:$0x1] =	stream.indirect.gather @!p1 [hbm4b:s3+s22], $0x20, s21, s22, $0xb8;
	[tilespmem:$0x13D40] =	vst v63  }
0xf7: {  	s19 =	simm.s32 @!p1 $0x2A30;
	s21 =	simm.s32 @!p1 $0xA740  }
0xf8: {  	[tilespmem:s21], [sflag:$0x2] =	stream.indirect.gather @!p1 [hbm4b:s4+s22], $0x20, s19, s22, $0xb8;
	[tilespmem:$0x13D40] =	vst v63  }
0xf9: {  	s19 =	simm.s32 @!p1 $0x370;
	s21 =	simm.s32 @!p1 $0x7F40  }
0xfa: {  	[tilespmem:s21], [sflag:$0x1] =	stream.indirect.gather @!p1 [hbm4b:s3+s22], $0x20, s19, s22, $0xb8;
	[tilespmem:$0x13D40] =	vst v63  }
0xfb: {  	s19 =	simm.s32 @!p1 $0x2A80;
	s21 =	simm.s32 @!p1 $0xB140  }
0xfc: {  	[tilespmem:s21], [sflag:$0x2] =	stream.indirect.gather @!p1 [hbm4b:s4+s22], $0x20, s19, s22, $0xb8;
	[tilespmem:$0x13D40] =	vst v63  }
0xfd: {  	s19 =	simm.s32 @!p1 $0x3C0;
	s21 =	simm.s32 @!p1 $0x8940  }
0xfe: {  	[tilespmem:s21], [sflag:$0x1] =	stream.indirect.gather @!p1 [hbm4b:s3+s22], $0x20, s19, s22, $0xb8;
	[tilespmem:$0x13D40] =	vst v63  }
0xff: {  	s19 =	simm.s32 @!p1 $0x2AD0;
	s21 =	simm.s32 @!p1 $0xBB40  }
0x100: {  	[tilespmem:s21], [sflag:$0x2] =	stream.indirect.gather @!p1 [hbm4b:s4+s22], $0x20, s19, s22, $0xb8;
	[tilespmem:$0x13D40] =	vst v63  }
0x101: {  	s19 =	simm.s32 @!p1 $0x410;
	s21 =	simm.s32 @!p1 $0x9340  }
0x102: {  	[tilespmem:s21], [sflag:$0x1] =	stream.indirect.gather @!p1 [hbm4b:s3+s22], $0x20, s19, s22, $0xb8;
	[tilespmem:$0x13D40] =	vst v63  }
0x103: {  	s19 =	simm.s32 @!p1 $0x2B20;
	s21 =	simm.s32 @!p1 $0xC540  }
0x104: {  	[tilespmem:s21], [sflag:$0x2] =	stream.indirect.gather @!p1 [hbm4b:s4+s22], $0x20, s19, s22, $0xb8;
	[tilespmem:$0x13D40] =	vst v63  }
0x105: {  	s19 =	simm.s32 @!p1 $0x460;
	s21 =	simm.s32 @!p1 $0x9D40  }
0x106: {  	[tilespmem:s21], [sflag:$0x1] =	stream.indirect.gather @!p1 [hbm4b:s3+s22], $0x20, s19, s22, $0xb8;
	[tilespmem:$0x13D40] =	vst v63  }
0x107: {  	s28 =	simm.s32 @!p0 $0x3;
	s19 =	simm.s32 @!p1 $0x2B70;
	s21 =	simm.s32 @!p1 $0xCF40  }
0x108: {  	[tilespmem:s21], [sflag:$0x2] =	stream.indirect.gather @!p1 [hbm4b:s4+s22], $0x20, s19, s22, $0xb8;
	[tilespmem:$0x13D40] =	vst v63  }
0x109: {  	_ =	swait.ge @!p0 [sflag:s28], $0x3200  }
0x10a: {  	[sflag:s28] =	ssyncset.done @!p0 $0x0  }
0x10b: {  	s19 =	simm.s32 @!p0 $0x4;
	[sflag:s28] =	ssyncadd.s32 @!p0 $0xFFFFCE00  }
0x10c: {  	_ =	swait.ge @!p0 [sflag:s19], $0x3200  }
0x10d: {  	s22 =	simm.s32 @!p0 $0x6;
	s21 =	rddreg [dreg:$0x5];
	[sflag:s19] =	ssyncset.done @!p0 $0x0  }
0x10e: {  	[sflag:s19] =	ssyncadd.s32 @!p0 $0xFFFFCE00;
	s19 =	sadd.s32 @!p0 $0x0, s21;
	s21 =	simm.s32 @!p0 $0x0  }
0x10f: {  	[hbm4b:s19+s21] =	stream.linear.scatter @!p0 [tilespmem:s1], [sflag:$0x6], $0x3200, $0x38;
	[tilespmem:$0x13D40] =	vst v63  }
0x110: {  	s29 =	simm.s32 $0x1900;
	_ =	swait.ge @!p0 [sflag:s22], $0x3200  }
0x111: {  	s30 =	simm.s32 $0x3;
	s1 =	rddreg [dreg:$0x6];
	[sflag:s22] =	ssyncset.done @!p0 $0x0  }
0x112: {  	[sflag:s22] =	ssyncadd.s32 @!p0 $0xFFFFCE00;
	s1 =	sadd.s32 @!p0 $0x0, s1;
	s22 =	simm.s32 @!p0 $0x5  }
0x113: {  	[hbm4b:s1+s21] =	stream.linear.scatter @!p0 [tilespmem:s0], [sflag:$0x5], $0x3200, $0x38;
	[tilespmem:$0x13D40] =	vst v63  }
0x114: {  	p2 =	por $0x0, $0x0;
	s28 =	simm.s32 $0xC80;
	_ =	swait.ge @!p0 [sflag:s22], $0x3200  }
0x115: {  	s19 =	simm.s32 @!p2 $0x50;
	s21 =	simm.s32 @!p2 $0x320;
	[sflag:s22] =	ssyncset.done @!p0 $0x0  }
.LBB2_6:
0x116: {  	s0 =	sadd.s32 @!p2 $0x190, s21  }
0x117: {  	s1 =	simm.s32 @!p2 $0xD940;
	[sflag:s22] =	ssyncadd.s32 @!p0 $0xFFFFCE00;
	p0 =	por p2, p2  }
0x118: {  	[tilespmem:s1], [sflag:$0x3] =	stream.indirect.gather @!p0 [hbm4b:s3+s19], $0x20, s0, s19, $0xb8;
	[tilespmem:$0x13D40] =	vst v63  }
0x119: {  	s22 =	sadd.s32 @!p0 $0x28A0, s21;
	s0 =	simm.s32 @!p0 $0x10B40  }
0x11a: {  	[tilespmem:s0], [sflag:$0x4] =	stream.indirect.gather @!p0 [hbm4b:s4+s19], $0x20, s22, s19, $0xb8;
	[tilespmem:$0x13D40] =	vst v63  }
0x11b: {  	s5 =	simm.s32 @!p0 $0xE340;
	s22 =	sadd.s32 @!p0 $0x1E0, s21  }
0x11c: {  	[tilespmem:s5], [sflag:$0x3] =	stream.indirect.gather @!p0 [hbm4b:s3+s19], $0x20, s22, s19, $0xb8;
	[tilespmem:$0x13D40] =	vst v63  }
0x11d: {  	s5 =	sadd.s32 @!p0 $0x28F0, s21;
	s22 =	simm.s32 @!p0 $0x11540  }
0x11e: {  	[tilespmem:s22], [sflag:$0x4] =	stream.indirect.gather @!p0 [hbm4b:s4+s19], $0x20, s5, s19, $0xb8;
	[tilespmem:$0x13D40] =	vst v63  }
0x11f: {  	s5 =	sadd.s32 @!p0 $0x230, s21;
	s22 =	simm.s32 @!p0 $0xED40  }
0x120: {  	[tilespmem:s22], [sflag:$0x3] =	stream.indirect.gather @!p0 [hbm4b:s3+s19], $0x20, s5, s19, $0xb8;
	[tilespmem:$0x13D40] =	vst v63  }
0x121: {  	s5 =	sadd.s32 @!p0 $0x2940, s21;
	s22 =	simm.s32 @!p0 $0x11F40  }
0x122: {  	[tilespmem:s22], [sflag:$0x4] =	stream.indirect.gather @!p0 [hbm4b:s4+s19], $0x20, s5, s19, $0xb8;
	[tilespmem:$0x13D40] =	vst v63  }
0x123: {  	s5 =	sadd.s32 @!p0 $0x280, s21;
	s22 =	simm.s32 @!p0 $0xF740  }
0x124: {  	[tilespmem:s22], [sflag:$0x3] =	stream.indirect.gather @!p0 [hbm4b:s3+s19], $0x20, s5, s19, $0xb8;
	[tilespmem:$0x13D40] =	vst v63  }
0x125: {  	s5 =	sadd.s32 @!p0 $0x2990, s21;
	s22 =	simm.s32 @!p0 $0x12940  }
0x126: {  	[tilespmem:s22], [sflag:$0x4] =	stream.indirect.gather @!p0 [hbm4b:s4+s19], $0x20, s5, s19, $0xb8;
	[tilespmem:$0x13D40] =	vst v63  }
0x127: {  	s5 =	sadd.s32 @!p0 $0x2D0, s21;
	s22 =	simm.s32 @!p0 $0x10140  }
0x128: {  	[tilespmem:s22], [sflag:$0x3] =	stream.indirect.gather @!p0 [hbm4b:s3+s19], $0x20, s5, s19, $0xb8;
	[tilespmem:$0x13D40] =	vst v63  }
0x129: {  	s5 =	sadd.s32 @!p0 $0x29E0, s21;
	s21 =	simm.s32 @!p0 $0x13340  }
0x12a: {  	[tilespmem:s21], [sflag:$0x4] =	stream.indirect.gather @!p0 [hbm4b:s4+s19], $0x20, s5, s19, $0xb8;
	[tilespmem:$0x13D40] =	vst v63  }
0x12b: {  	_ =	swait.ge [sflag:s23], $0x3200  }
0x12c: {  	[sflag:s23] =	ssyncset.done $0x0  }
0x12d: {  	[sflag:s23] =	ssyncadd.s32 $0xFFFFCE00  }
0x12e: {  	_ =	swait.ge [sflag:s24], $0x3200  }
0x12f: {  	s21 =	rddreg [dreg:$0x3];
	[sflag:s24] =	ssyncset.done $0x0  }
0x130: {  	[sflag:s24] =	ssyncadd.s32 $0xFFFFCE00;
	s5 =	sadd.s32 s28, s21  }
0x131: {  	[hbm4b:s5+s2] =	stream.linear.scatter [tilespmem:s18], [sflag:$0x6], $0x3200, $0x38;
	[tilespmem:$0x13D40] =	vst v63  }
0x132: {  	_ =	swait.ge [sflag:s25], $0x3200  }
0x133: {  	s22 =	rddreg [dreg:$0x4];
	[sflag:s25] =	ssyncset.done $0x0  }
0x134: {  	[sflag:s25] =	ssyncadd.s32 $0xFFFFCE00;
	s5 =	sadd.s32 s28, s22  }
0x135: {  	[hbm4b:s5+s2] =	stream.linear.scatter [tilespmem:s20], [sflag:$0x6], $0x3200, $0x38;
	[tilespmem:$0x13D40] =	vst v63  }
0x136: {  	p2 =	seq.s32 s28, $0x9600;
	_ =	swait.ge [sflag:s25], $0x3200  }
0x137: {  	s19 =	simm.s32 @!p2 $0x7540;
	s5 =	sshra.s32 @!p2 s28, $0x2;
	[sflag:s25] =	ssyncset.done $0x0  }
0x138: {  	s22 =	simm.s32 @!p2 $0x50;
	s21 =	sadd.s32 @!p2 $0x320, s5;
	[sflag:s25] =	ssyncadd.s32 $0xFFFFCE00  }
0x139: {  	[tilespmem:s19], [sflag:$0x1] =	stream.indirect.gather @!p2 [hbm4b:s3+s22], $0x20, s21, s22, $0xb8;
	[tilespmem:$0x13D40] =	vst v63  }
0x13a: {  	s19 =	sadd.s32 @!p2 $0x2A30, s5;
	s21 =	simm.s32 @!p2 $0xA740  }
0x13b: {  	[tilespmem:s21], [sflag:$0x2] =	stream.indirect.gather @!p2 [hbm4b:s4+s22], $0x20, s19, s22, $0xb8;
	[tilespmem:$0x13D40] =	vst v63  }
0x13c: {  	s10 =	sadd.s32 @!p2 $0x370, s5;
	s19 =	simm.s32 @!p2 $0x7F40  }
0x13d: {  	[tilespmem:s19], [sflag:$0x1] =	stream.indirect.gather @!p2 [hbm4b:s3+s22], $0x20, s10, s22, $0xb8;
	[tilespmem:$0x13D40] =	vst v63  }
0x13e: {  	s21 =	sadd.s32 @!p2 $0x2A80, s5;
	s10 =	simm.s32 @!p2 $0xB140  }
0x13f: {  	[tilespmem:s10], [sflag:$0x2] =	stream.indirect.gather @!p2 [hbm4b:s4+s22], $0x20, s21, s22, $0xb8;
	[tilespmem:$0x13D40] =	vst v63  }
0x140: {  	s12 =	sadd.s32 @!p2 $0x3C0, s5;
	s10 =	simm.s32 @!p2 $0x8940  }
0x141: {  	[tilespmem:s10], [sflag:$0x1] =	stream.indirect.gather @!p2 [hbm4b:s3+s22], $0x20, s12, s22, $0xb8;
	[tilespmem:$0x13D40] =	vst v63  }
0x142: {  	s19 =	sadd.s32 @!p2 $0x2AD0, s5;
	s10 =	simm.s32 @!p2 $0xBB40  }
0x143: {  	[tilespmem:s10], [sflag:$0x2] =	stream.indirect.gather @!p2 [hbm4b:s4+s22], $0x20, s19, s22, $0xb8;
	[tilespmem:$0x13D40] =	vst v63  }
0x144: {  	s14 =	sadd.s32 @!p2 $0x410, s5;
	s10 =	simm.s32 @!p2 $0x9340  }
0x145: {  	[tilespmem:s10], [sflag:$0x1] =	stream.indirect.gather @!p2 [hbm4b:s3+s22], $0x20, s14, s22, $0xb8;
	[tilespmem:$0x13D40] =	vst v63  }
0x146: {  	s21 =	sadd.s32 @!p2 $0x2B20, s5;
	s10 =	simm.s32 @!p2 $0xC540  }
0x147: {  	[tilespmem:s10], [sflag:$0x2] =	stream.indirect.gather @!p2 [hbm4b:s4+s22], $0x20, s21, s22, $0xb8;
	[tilespmem:$0x13D40] =	vst v63  }
0x148: {  	s6 =	sadd.s32 @!p2 $0x460, s5;
	s10 =	simm.s32 @!p2 $0x9D40  }
0x149: {  	[tilespmem:s10], [sflag:$0x1] =	stream.indirect.gather @!p2 [hbm4b:s3+s22], $0x20, s6, s22, $0xb8;
	[tilespmem:$0x13D40] =	vst v63  }
0x14a: {  	s5 =	sadd.s32 @!p2 $0x2B70, s5;
	s6 =	simm.s32 @!p2 $0xCF40;
	s10 =	simm.s32 @!p0 $0x3  }
0x14b: {  	[tilespmem:s6], [sflag:$0x2] =	stream.indirect.gather @!p2 [hbm4b:s4+s22], $0x20, s5, s22, $0xb8;
	[tilespmem:$0x13D40] =	vst v63  }
0x14c: {  	_ =	swait.ge @!p0 [sflag:s10], $0x3200  }
0x14d: {  	[sflag:s10] =	ssyncset.done @!p0 $0x0  }
0x14e: {  	s5 =	simm.s32 @!p0 $0x4;
	[sflag:s10] =	ssyncadd.s32 @!p0 $0xFFFFCE00  }
0x14f: {  	s31 =	smov.u32 s29;
	s29 =	sadd.s32 $0xC80, s29;
	_ =	swait.ge @!p0 [sflag:s5], $0x3200  }
0x150: {  	s10 =	simm.s32 @!p0 $0x6;
	[sflag:s5] =	ssyncset.done @!p0 $0x0;
	s6 =	rddreg [dreg:$0x5]  }
0x151: {  	[sflag:s5] =	ssyncadd.s32 @!p0 $0xFFFFCE00;
	s5 =	sadd.s32 @!p0 s28, s6;
	s6 =	simm.s32 @!p0 $0x0  }
0x152: {  	[hbm4b:s5+s6] =	stream.linear.scatter @!p0 [tilespmem:s1], [sflag:$0x6], $0x3200, $0x38;
	[tilespmem:$0x13D40] =	vst v63  }
0x153: {  	s30 =	sadd.s32 $0x2, s30;
	p1 =	sne.s32 s29, $0xA280;
	_ =	swait.ge @!p0 [sflag:s10], $0x3200  }
.Ltmp2:
0x154: {  	[sflag:s10] =	ssyncset.done @!p0 $0x0;
	s1 =	rddreg [dreg:$0x6];
	(pc) =	sbr.rel @p1 .LBB2_6-.Ltmp2, $4  }
0x155: {  	s22 =	simm.s32 @!p0 $0x5;
	[sflag:s10] =	ssyncadd.s32 @!p0 $0xFFFFCE00;
	s1 =	sadd.s32 @!p0 s28, s1  }
0x156: {  	[hbm4b:s1+s6] =	stream.linear.scatter @!p0 [tilespmem:s0], [sflag:$0x5], $0x3200, $0x38;
	[tilespmem:$0x13D40] =	vst v63  }
0x157: {  	p2 =	sgt.u32 s30, $0x18;
	s28 =	smov.u32 s31;
	_ =	swait.ge @!p0 [sflag:s22], $0x3200  }
0x158: {  	s19 =	simm.s32 @!p2 $0x50;
	s21 =	sshra.s32 @!p2 s28, $0x2;
	[sflag:s22] =	ssyncset.done @!p0 $0x0  }
0x159: {  	s0 =	sadd.s32 @!p2 $0x190, s21  }
0x15a: {  	s1 =	simm.s32 @!p2 $0xD940;
	[sflag:s22] =	ssyncadd.s32 @!p0 $0xFFFFCE00;
	p0 =	por p2, p2  }
0x15b: {  	[tilespmem:s1], [sflag:$0x3] =	stream.indirect.gather @!p0 [hbm4b:s3+s19], $0x20, s0, s19, $0xb8;
	[tilespmem:$0x13D40] =	vst v63  }
0x15c: {  	s5 =	sadd.s32 @!p0 $0x28A0, s21;
	s0 =	simm.s32 @!p0 $0x10B40  }
0x15d: {  	[tilespmem:s0], [sflag:$0x4] =	stream.indirect.gather @!p0 [hbm4b:s4+s19], $0x20, s5, s19, $0xb8;
	[tilespmem:$0x13D40] =	vst v63  }
0x15e: {  	s6 =	simm.s32 @!p0 $0xE340;
	s5 =	sadd.s32 @!p0 $0x1E0, s21  }
0x15f: {  	[tilespmem:s6], [sflag:$0x3] =	stream.indirect.gather @!p0 [hbm4b:s3+s19], $0x20, s5, s19, $0xb8;
	[tilespmem:$0x13D40] =	vst v63  }
0x160: {  	s5 =	sadd.s32 @!p0 $0x28F0, s21;
	s6 =	simm.s32 @!p0 $0x11540  }
0x161: {  	[tilespmem:s6], [sflag:$0x4] =	stream.indirect.gather @!p0 [hbm4b:s4+s19], $0x20, s5, s19, $0xb8;
	[tilespmem:$0x13D40] =	vst v63  }
0x162: {  	s5 =	sadd.s32 @!p0 $0x230, s21;
	s6 =	simm.s32 @!p0 $0xED40  }
0x163: {  	[tilespmem:s6], [sflag:$0x3] =	stream.indirect.gather @!p0 [hbm4b:s3+s19], $0x20, s5, s19, $0xb8;
	[tilespmem:$0x13D40] =	vst v63  }
0x164: {  	s5 =	sadd.s32 @!p0 $0x2940, s21;
	s6 =	simm.s32 @!p0 $0x11F40  }
0x165: {  	[tilespmem:s6], [sflag:$0x4] =	stream.indirect.gather @!p0 [hbm4b:s4+s19], $0x20, s5, s19, $0xb8;
	[tilespmem:$0x13D40] =	vst v63  }
0x166: {  	s5 =	sadd.s32 @!p0 $0x280, s21;
	s6 =	simm.s32 @!p0 $0xF740  }
0x167: {  	[tilespmem:s6], [sflag:$0x3] =	stream.indirect.gather @!p0 [hbm4b:s3+s19], $0x20, s5, s19, $0xb8;
	[tilespmem:$0x13D40] =	vst v63  }
0x168: {  	s5 =	sadd.s32 @!p0 $0x2990, s21;
	s6 =	simm.s32 @!p0 $0x12940  }
0x169: {  	[tilespmem:s6], [sflag:$0x4] =	stream.indirect.gather @!p0 [hbm4b:s4+s19], $0x20, s5, s19, $0xb8;
	[tilespmem:$0x13D40] =	vst v63  }
0x16a: {  	s5 =	sadd.s32 @!p0 $0x2D0, s21;
	s6 =	simm.s32 @!p0 $0x10140  }
0x16b: {  	[tilespmem:s6], [sflag:$0x3] =	stream.indirect.gather @!p0 [hbm4b:s3+s19], $0x20, s5, s19, $0xb8;
	[tilespmem:$0x13D40] =	vst v63  }
0x16c: {  	s5 =	sadd.s32 @!p0 $0x29E0, s21;
	s6 =	simm.s32 @!p0 $0x13340  }
0x16d: {  	[tilespmem:s6], [sflag:$0x4] =	stream.indirect.gather @!p0 [hbm4b:s4+s19], $0x20, s5, s19, $0xb8;
	[tilespmem:$0x13D40] =	vst v63  }
0x16e: {  	_ =	swait.ge [sflag:s23], $0x3200  }
0x16f: {  	[sflag:s23] =	ssyncset.done $0x0  }
0x170: {  	[sflag:s23] =	ssyncadd.s32 $0xFFFFCE00  }
0x171: {  	_ =	swait.ge [sflag:s24], $0x3200  }
0x172: {  	s29 =	rddreg [dreg:$0x3];
	[sflag:s24] =	ssyncset.done $0x0  }
0x173: {  	[sflag:s24] =	ssyncadd.s32 $0xFFFFCE00;
	s5 =	sadd.s32 s28, s29  }
0x174: {  	[hbm4b:s5+s2] =	stream.linear.scatter [tilespmem:s18], [sflag:$0x6], $0x3200, $0x38;
	[tilespmem:$0x13D40] =	vst v63  }
0x175: {  	_ =	swait.ge [sflag:s25], $0x3200  }
0x176: {  	s30 =	rddreg [dreg:$0x4];
	[sflag:s25] =	ssyncset.done $0x0  }
0x177: {  	[sflag:s25] =	ssyncadd.s32 $0xFFFFCE00;
	s5 =	sadd.s32 s28, s30  }
0x178: {  	[hbm4b:s5+s2] =	stream.linear.scatter [tilespmem:s20], [sflag:$0x6], $0x3200, $0x38;
	[tilespmem:$0x13D40] =	vst v63  }
0x179: {  	p1 =	seq.s32 s28, $0x9600;
	_ =	swait.ge [sflag:s25], $0x3200  }
0x17a: {  	s12 =	simm.s32 @!p1 $0x50;
	s5 =	sshra.s32 @!p1 s28, $0x2;
	[sflag:s25] =	ssyncset.done $0x0  }
0x17b: {  	s6 =	simm.s32 @!p1 $0x7540;
	s10 =	sadd.s32 @!p1 $0x320, s5;
	[sflag:s25] =	ssyncadd.s32 $0xFFFFCE00  }
0x17c: {  	[tilespmem:s6], [sflag:$0x1] =	stream.indirect.gather @!p1 [hbm4b:s3+s12], $0x20, s10, s12, $0xb8;
	[tilespmem:$0x13D40] =	vst v63  }
0x17d: {  	s6 =	sadd.s32 @!p1 $0x2A30, s5;
	s10 =	simm.s32 @!p1 $0xA740  }
0x17e: {  	[tilespmem:s10], [sflag:$0x2] =	stream.indirect.gather @!p1 [hbm4b:s4+s12], $0x20, s6, s12, $0xb8;
	[tilespmem:$0x13D40] =	vst v63  }
0x17f: {  	s6 =	sadd.s32 @!p1 $0x370, s5;
	s10 =	simm.s32 @!p1 $0x7F40  }
0x180: {  	[tilespmem:s10], [sflag:$0x1] =	stream.indirect.gather @!p1 [hbm4b:s3+s12], $0x20, s6, s12, $0xb8;
	[tilespmem:$0x13D40] =	vst v63  }
0x181: {  	s6 =	sadd.s32 @!p1 $0x2A80, s5;
	s10 =	simm.s32 @!p1 $0xB140  }
0x182: {  	[tilespmem:s10], [sflag:$0x2] =	stream.indirect.gather @!p1 [hbm4b:s4+s12], $0x20, s6, s12, $0xb8;
	[tilespmem:$0x13D40] =	vst v63  }
0x183: {  	s6 =	sadd.s32 @!p1 $0x3C0, s5;
	s10 =	simm.s32 @!p1 $0x8940  }
0x184: {  	[tilespmem:s10], [sflag:$0x1] =	stream.indirect.gather @!p1 [hbm4b:s3+s12], $0x20, s6, s12, $0xb8;
	[tilespmem:$0x13D40] =	vst v63  }
0x185: {  	s6 =	sadd.s32 @!p1 $0x2AD0, s5;
	s10 =	simm.s32 @!p1 $0xBB40  }
0x186: {  	[tilespmem:s10], [sflag:$0x2] =	stream.indirect.gather @!p1 [hbm4b:s4+s12], $0x20, s6, s12, $0xb8;
	[tilespmem:$0x13D40] =	vst v63  }
0x187: {  	s6 =	sadd.s32 @!p1 $0x410, s5;
	s10 =	simm.s32 @!p1 $0x9340  }
0x188: {  	[tilespmem:s10], [sflag:$0x1] =	stream.indirect.gather @!p1 [hbm4b:s3+s12], $0x20, s6, s12, $0xb8;
	[tilespmem:$0x13D40] =	vst v63  }
0x189: {  	s6 =	sadd.s32 @!p1 $0x2B20, s5;
	s10 =	simm.s32 @!p1 $0xC540  }
0x18a: {  	[tilespmem:s10], [sflag:$0x2] =	stream.indirect.gather @!p1 [hbm4b:s4+s12], $0x20, s6, s12, $0xb8;
	[tilespmem:$0x13D40] =	vst v63  }
0x18b: {  	s6 =	sadd.s32 @!p1 $0x460, s5;
	s10 =	simm.s32 @!p1 $0x9D40  }
0x18c: {  	[tilespmem:s10], [sflag:$0x1] =	stream.indirect.gather @!p1 [hbm4b:s3+s12], $0x20, s6, s12, $0xb8;
	[tilespmem:$0x13D40] =	vst v63  }
0x18d: {  	s5 =	sadd.s32 @!p1 $0x2B70, s5;
	s6 =	simm.s32 @!p1 $0xCF40;
	s10 =	simm.s32 @!p0 $0x3  }
0x18e: {  	[tilespmem:s6], [sflag:$0x2] =	stream.indirect.gather @!p1 [hbm4b:s4+s12], $0x20, s5, s12, $0xb8;
	[tilespmem:$0x13D40] =	vst v63  }
0x18f: {  	_ =	swait.ge @!p0 [sflag:s10], $0x3200  }
0x190: {  	[sflag:s10] =	ssyncset.done @!p0 $0x0  }
0x191: {  	s5 =	simm.s32 @!p0 $0x4;
	[sflag:s10] =	ssyncadd.s32 @!p0 $0xFFFFCE00  }
0x192: {  	_ =	swait.ge @!p0 [sflag:s5], $0x3200  }
0x193: {  	s10 =	simm.s32 @!p0 $0x6;
	s6 =	rddreg [dreg:$0x5];
	[sflag:s5] =	ssyncset.done @!p0 $0x0  }
0x194: {  	[sflag:s5] =	ssyncadd.s32 @!p0 $0xFFFFCE00;
	s5 =	sadd.s32 @!p0 s28, s6;
	s6 =	simm.s32 @!p0 $0x0  }
0x195: {  	[hbm4b:s5+s6] =	stream.linear.scatter @!p0 [tilespmem:s1], [sflag:$0x6], $0x3200, $0x38;
	[tilespmem:$0x13D40] =	vst v63  }
0x196: {  	_ =	swait.ge @!p0 [sflag:s10], $0x3200  }
0x197: {  	s1 =	rddreg [dreg:$0x6];
	[sflag:s10] =	ssyncset.done @!p0 $0x0  }
0x198: {  	s5 =	simm.s32 @!p0 $0x5;
	[sflag:s10] =	ssyncadd.s32 @!p0 $0xFFFFCE00;
	s1 =	sadd.s32 @!p0 s28, s1  }
0x199: {  	[hbm4b:s1+s6] =	stream.linear.scatter @!p0 [tilespmem:s0], [sflag:$0x5], $0x3200, $0x38;
	[tilespmem:$0x13D40] =	vst v63  }
0x19a: {  	_ =	swait.ge @!p0 [sflag:s5], $0x3200  }
0x19b: {  	s26 =	sadd.s32 $0x1, s26;
	s31 =	rddreg [dreg:$0x8]  }
0x19c: {  	p1 =	sne.s32 s26, s31  }
.Ltmp3:
0x19d: {  	_ = 	snop;
	(pc) =	sbr.rel @p1 .LBB2_1-.Ltmp3, $3  }
0x19e: {  	_ =	sdelay $0x1  }
0x19f: {  	s10 =	simm.s32 $0x6B78;
	[sflag:s5] =	ssyncset.done @!p0 $0x0  }
0x1a0: {  	s6 =	simm.s32 $0x61B0;
	[sflag:s5] =	ssyncadd.s32 @!p0 $0xFFFFCE00;
	s5 =	simm.s32 $0x57E8  }
0x1a1: {  	_ =	sfence.sel $0x180000  }
0x1a2: {  	[bflag:$0x0] =	sbarrier.arrive $0xFFFF  }
0x1a3: {  	_ =	strace $0x90000047  }
0x1a4: {  	s0 =	stileid.u32;
	[bflag:$0x2] =	sbarrier.arrive $0xFFFF  }
0x1a5: {  	p0 =	sne.s32 s0, $0x0;
	s0 =	rddreg [dreg:$0x2]  }
0x1a6: {  	s0 =	sadd.s32 @!p0 $0x100000, s0  }
0x1a7: {  	[sflag:s0] =	ssyncadd.tile.s32 @!p0 $0x1;
	_ =	shalt  }
.Lfunc_end2:
_tile_overlayer_lowered:
.L_overlay_start_2:
0x1a8: {  	(tag) =	ssettag $0x2  }
0x1a9: {  	s0 =	rddreg [dreg:$0x0];
	s2 =	stileid.u32  }
0x1aa: {  	s1 =	rddreg [dreg:$0x1];
	p0 =	sne.s32 s2, $0x0  }
0x1ab: {  	s3 =	rddreg [dreg:$0x2];
	[bflag:$0x3] =	sbarrier.arrive $0xFFFF;
	s2 =	simm.s32 @!p0 $0x1C05  }
0x1ac: {  	[timem:s3], [sflag:s2] =	dma.local @!p0 [hbm:s0], s1  }
0x1ad: {  	s0 =	simm.s32 @!p0 $0x5  }
0x1ae: {  	_ =	swait.ge @!p0 [sflag:s0], s1  }
0x1af: {  	s1 =	ssub.s32 @!p0 $0x0, s1;
	[sflag:s0] =	ssyncset.done @!p0 $0x0  }
0x1b0: {  	[sflag:s0] =	ssyncadd.s32 @!p0 s1  }
0x1b1: {  	[bflag:$0x3] =	sbarrier.arrive $0xFFFF  }
0x1b2: {  	_ =	shalt  }

</sc_bundles>
